<compile_context>
chip_gen: v7x
topology: tpu7x:2x2x1
jax: 0.10.2.dev20260603
libtpu: 0.0.44.dev20260713+nightly
codegen_flags: <defaults>
</compile_context>

<pallas_src>
import jax
import jax.numpy as jnp
from jax import lax
from jax.experimental import pallas as pl
from jax.experimental.pallas import tpu as pltpu
from jax.experimental.pallas import tpu_sc as plsc

N_FACTORS = 64

NC = 2
NS = 16
NW = NC * NS

BATCH = 4096
SEQ = 200
BBLK = BATCH // NW
IDX_PER_W = BBLK * SEQ
NGRP = BBLK // 16


def _body(idx_hbm, table2_hbm, out_hbm, idx_v, idx_t, d0, d1, g0, g1, o0, o1,
          gsem0, gsem1, ssem0, ssem1):
    w = lax.axis_index("s") * NC + lax.axis_index("c")
    pltpu.sync_copy(idx_hbm.at[pl.ds(w * IDX_PER_W, IDX_PER_W)], idx_v)

    lanes = lax.iota(jnp.int32, 16)
    col_addr = [lanes * SEQ + (16 * g * SEQ) for g in range(NGRP)]

    @plsc.parallel_loop(0, SEQ, unroll=2)
    def _(t):
        for g in range(NGRP):
            v = plsc.load_gather(idx_v, [col_addr[g] + t])
            idx_t[pl.ds(t * BBLK + 16 * g, 16)] = v

    def issue_gather(t, d_idx, gbuf, gsem):
        for g in range(NGRP):
            col = idx_t[pl.ds(t * BBLK + 16 * g, 16)]
            d_idx[pl.ds(16 * g, 16)] = lax.shift_right_logical(col, 1)
        return pltpu.make_async_copy(table2_hbm.at[d_idx], gbuf, gsem).start()

    def wait_gather(gbuf, gsem, d_idx):
        pltpu.make_async_copy(table2_hbm.at[d_idx], gbuf, gsem).wait()

    def pivot(t, gbuf, obuf):
        rows = [lanes + 16 * g for g in range(NGRP)]
        cols_out = [lanes + 16 * g for g in range(NGRP)]
        base = []
        for g in range(NGRP):
            col = idx_t[pl.ds(t * BBLK + 16 * g, 16)]
            base.append((col & 1) * N_FACTORS)

        @plsc.parallel_loop(0, N_FACTORS, unroll=4)
        def _(s):
            f = (s + lanes) & (N_FACTORS - 1)
            for g in range(NGRP):
                v = plsc.load_gather(gbuf, [rows[g], base[g] + f])
                plsc.store_scatter(obuf, [f, cols_out[g]], v)

    def store_desc(t, obuf, ssem):
        return pltpu.make_async_copy(
            obuf, out_hbm.at[t, :, pl.ds(w * BBLK, BBLK)], ssem)

    issue_gather(0, d0, g0, gsem0)
    issue_gather(1, d1, g1, gsem1)

    @pl.loop(0, SEQ // 2)
    def _(k):
        t0 = 2 * k
        t1 = t0 + 1

        wait_gather(g0, gsem0, d0)

        @pl.when(k > 0)
        def _():
            store_desc(t0 - 2, o0, ssem0).wait()

        pivot(t0, g0, o0)

        @pl.when(k < SEQ // 2 - 1)
        def _():
            issue_gather(t0 + 2, d0, g0, gsem0)

        store_desc(t0, o0, ssem0).start()

        wait_gather(g1, gsem1, d1)

        @pl.when(k > 0)
        def _():
            store_desc(t1 - 2, o1, ssem1).wait()

        pivot(t1, g1, o1)

        @pl.when(k < SEQ // 2 - 1)
        def _():
            issue_gather(t1 + 2, d1, g1, gsem1)

        store_desc(t1, o1, ssem1).start()

    store_desc(SEQ - 2, o0, ssem0).wait()
    store_desc(SEQ - 1, o1, ssem1).wait()


N_ITEMS = 1000000
NBKT = N_ITEMS // BBLK
NTAIL = N_ITEMS - NBKT * BBLK
PADW = 2 * N_FACTORS + 1


def _relayout_body(tT_hbm, tail_hbm, x2_hbm, i0, i1, ob0, ob1,
                   isem0, isem1, osem0, osem1):
    w = lax.axis_index("s") * NC + lax.axis_index("c")
    cnt = jnp.where(w < 4, NBKT // NW + 1, NBKT // NW)
    start = jnp.where(w < 4, w * (NBKT // NW + 1),
                      4 + w * (NBKT // NW))

    lanes = lax.iota(jnp.int32, 16)
    f_vec = [(16 * g + lanes) & (N_FACTORS - 1) for g in range(NGRP)]

    def in_desc(k, ibuf, isem):
        b = start + k
        return pltpu.make_async_copy(
            tT_hbm.at[:, pl.ds(BBLK * b, BBLK)],
            ibuf.at[:, pl.ds(0, BBLK)], isem)

    def out_desc(k, obuf, osem):
        b = start + k
        return pltpu.make_async_copy(
            obuf, x2_hbm.at[pl.ds(N_FACTORS * b, N_FACTORS), :], osem)

    cols_out = [lanes + 16 * g for g in range(NGRP)]

    def pivot(ibuf, obuf, nrows):
        @plsc.parallel_loop(0, nrows, unroll=4)
        def _(s):
            j = (s + lanes) & (nrows - 1)
            c0 = 2 * j
            c1 = c0 + 1
            for g in range(NGRP):
                v = plsc.load_gather(ibuf, [f_vec[g], c1 if g >= 4 else c0])
                plsc.store_scatter(obuf, [j, cols_out[g]], v)

    in_desc(0, i0, isem0).start()
    in_desc(1, i1, isem1).start()

    @pl.loop(0, (NBKT // NW + 2) // 2)
    def _(k2):
        for (kk, ibuf, isem, obuf, osem) in (
                (2 * k2, i0, isem0, ob0, osem0),
                (2 * k2 + 1, i1, isem1, ob1, osem1)):
            @pl.when(kk < cnt)
            def _():
                in_desc(kk, ibuf, isem).wait()

                @pl.when(kk > 1)
                def _():
                    out_desc(kk - 2, obuf, osem).wait()

                pivot(ibuf, obuf, N_FACTORS)

                @pl.when(kk + 2 < cnt)
                def _():
                    in_desc(kk + 2, ibuf, isem).start()

                out_desc(kk, obuf, osem).start()

    out_desc(0, ob0, osem0).wait()
    out_desc(0, ob1, osem1).wait()

    @pl.when(w == 0)
    def _():
        pltpu.sync_copy(tail_hbm, i0.at[:, pl.ds(0, BBLK)])
        pivot(i0, ob0, N_FACTORS)
        pltpu.sync_copy(ob0, x2_hbm.at[pl.ds(N_ITEMS // 2 - N_FACTORS,
                                             N_FACTORS), :])


def _sc_relayout(tT):
    run = pl.kernel(
        _relayout_body,
        out_type=jax.ShapeDtypeStruct((N_ITEMS // 2, 2 * N_FACTORS),
                                      jnp.float32),
        mesh=plsc.VectorSubcoreMesh(core_axis_name="c", subcore_axis_name="s"),
        scratch_types=[
            pltpu.VMEM((N_FACTORS, PADW), jnp.float32),
            pltpu.VMEM((N_FACTORS, PADW), jnp.float32),
            pltpu.VMEM((N_FACTORS, 2 * N_FACTORS), jnp.float32),
            pltpu.VMEM((N_FACTORS, 2 * N_FACTORS), jnp.float32),
            pltpu.SemaphoreType.DMA,
            pltpu.SemaphoreType.DMA,
            pltpu.SemaphoreType.DMA,
            pltpu.SemaphoreType.DMA,
        ],
        compiler_params=pltpu.CompilerParams(needs_layout_passes=False),
    )
    return run(tT, tT[:, N_ITEMS - BBLK:])


def _sc_gather(idx_flat, table2):
    run = pl.kernel(
        _body,
        out_type=jax.ShapeDtypeStruct((SEQ, N_FACTORS, BATCH), jnp.float32),
        mesh=plsc.VectorSubcoreMesh(core_axis_name="c", subcore_axis_name="s"),
        scratch_types=[
            pltpu.VMEM((IDX_PER_W,), jnp.int32),
            pltpu.VMEM((IDX_PER_W,), jnp.int32),
            pltpu.VMEM((BBLK,), jnp.int32),
            pltpu.VMEM((BBLK,), jnp.int32),
            pltpu.VMEM((BBLK, 2 * N_FACTORS), jnp.float32),
            pltpu.VMEM((BBLK, 2 * N_FACTORS), jnp.float32),
            pltpu.VMEM((N_FACTORS, BBLK), jnp.float32),
            pltpu.VMEM((N_FACTORS, BBLK), jnp.float32),
            pltpu.SemaphoreType.DMA,
            pltpu.SemaphoreType.DMA,
            pltpu.SemaphoreType.DMA,
            pltpu.SemaphoreType.DMA,
        ],
        compiler_params=pltpu.CompilerParams(needs_layout_passes=False),
    )
    return run(idx_flat, table2)


def kernel(items, table):
    idx_flat = items.reshape(-1).astype(jnp.int32)
    table2 = _sc_relayout(table.T)
    out_t = _sc_gather(idx_flat, table2)
    return jnp.transpose(out_t, (2, 0, 1))

# --- scband reference (transcript-rebuilt; emitter-appended) ---
"""Pipeline reference for scband-id-embeddings-item-net-3418793968018 (READ-ONLY COPY).

The authoritative reference and input builder live on the scoring server;
editing this copy changes nothing except your own understanding.
"""

import jax, jax.numpy as jnp
import numpy as np

N_ITEMS = 1000000
N_FACTORS = 64

def setup_inputs(seed: int = 0) -> dict:
    key = jax.random.key(seed)
    k_items, k_table = jax.random.split(key)
    items = jax.random.randint(k_items, (4096, 200), 0, N_ITEMS, dtype=jnp.int64 if jax.config.jax_enable_x64 else jnp.int32)
    table = jax.random.normal(k_table, (N_ITEMS, N_FACTORS), dtype=jnp.float32)
    # padding_idx=0: row 0 is zero (as in nn.Embedding with padding_idx=0)
    table = table.at[0].set(0.0)
    return {"items": items, "table": table}

def reference(items, table):
    # IdEmbeddingsItemNet.forward: embedding lookup (padding_idx=0 row is zero),
    # dropout is identity in eval/inference mode.
    table = table.at[0].set(0.0)
    item_embs = jnp.take(table, items, axis=0)
    return item_embs

if __name__ == "__main__":
    import jax
    _d = setup_inputs()
    print(jax.jit(kernel)(*tuple(_d.values())))

</pallas_src>

<mosaic_0001>
#map = affine_map<(d0, d1) -> (0, 0)>
module attributes {stable_mosaic.version = 14 : i64} {
  func.func @_relayout_body(%arg0: i32, %arg1: i32, %arg2: memref<64x1000000xf32, #tpu.memory_space<hbm>>, %arg3: memref<64x128xf32, #tpu.memory_space<hbm>>, %arg4: memref<500000x128xf32, #tpu.memory_space<hbm>>, %arg5: memref<64x129xf32, #tpu.memory_space<vmem>>, %arg6: memref<64x129xf32, #tpu.memory_space<vmem>>, %arg7: memref<64x128xf32, #tpu.memory_space<vmem>>, %arg8: memref<64x128xf32, #tpu.memory_space<vmem>>, %arg9: memref<!tpu.dma_semaphore, #tpu.memory_space<semaphore_mem>>, %arg10: memref<!tpu.dma_semaphore, #tpu.memory_space<semaphore_mem>>, %arg11: memref<!tpu.dma_semaphore, #tpu.memory_space<semaphore_mem>>, %arg12: memref<!tpu.dma_semaphore, #tpu.memory_space<semaphore_mem>>) attributes {dimension_semantics = [#tpu.dimension_semantics<core_parallel>, #tpu.dimension_semantics<subcore_parallel>], iteration_bounds = array<i64: 2, 16>, scalar_prefetch = 0 : i64, scratch_operands = 8 : i64, tpu.core_type = #tpu.core_type<sc_vector_subcore>, window_params = [{transform_indices = #map}, {transform_indices = #map}, {transform_indices = #map}]} {
    %mul3A = arith.constant 2 : i32
    %mul3A_0 = arith.muli %arg1, %mul3A : i32
    %add3A = arith.addi %mul3A_0, %arg0 : i32
    %lt3A = arith.constant 4 : i32
    %lt3A_1 = arith.cmpi slt, %add3A, %lt3A : i32
    %jit3A = arith.constant 245 : i32
    %jit3A_2 = arith.constant 244 : i32
    %select_n3A = arith.select %lt3A_1, %jit3A, %jit3A_2 : i32
    %lt3A_3 = arith.constant 4 : i32
    %lt3A_4 = arith.cmpi slt, %add3A, %lt3A_3 : i32
    %mul3A_5 = arith.constant 245 : i32
    %mul3A_6 = arith.muli %add3A, %mul3A_5 : i32
    %mul3A_7 = arith.constant 244 : i32
    %mul3A_8 = arith.muli %add3A, %mul3A_7 : i32
    %add3A_9 = arith.constant 4 : i32
    %add3A_10 = arith.addi %add3A_9, %mul3A_8 : i32
    %select_n3A_11 = arith.select %lt3A_4, %mul3A_6, %add3A_10 : i32
    %iota3A = tpu.iota {dimensions = array<i32: 0>} : vector<16xi32>
    %add3A_12 = arith.constant 0 : i32
    %add3A_13 = vector.broadcast %add3A_12 : i32 to vector<16xi32>
    %add3A_14 = arith.addi %add3A_13, %iota3A : vector<16xi32>
    %and3A = arith.constant 63 : i32
    %and3A_15 = vector.broadcast %and3A : i32 to vector<16xi32>
    %and3A_16 = arith.andi %add3A_14, %and3A_15 : vector<16xi32>
    %add3A_17 = arith.constant 16 : i32
    %add3A_18 = vector.broadcast %add3A_17 : i32 to vector<16xi32>
    %add3A_19 = arith.addi %add3A_18, %iota3A : vector<16xi32>
    %and3A_20 = arith.constant 63 : i32
    %and3A_21 = vector.broadcast %and3A_20 : i32 to vector<16xi32>
    %and3A_22 = arith.andi %add3A_19, %and3A_21 : vector<16xi32>
    %add3A_23 = arith.constant 32 : i32
    %add3A_24 = vector.broadcast %add3A_23 : i32 to vector<16xi32>
    %add3A_25 = arith.addi %add3A_24, %iota3A : vector<16xi32>
    %and3A_26 = arith.constant 63 : i32
    %and3A_27 = vector.broadcast %and3A_26 : i32 to vector<16xi32>
    %and3A_28 = arith.andi %add3A_25, %and3A_27 : vector<16xi32>
    %add3A_29 = arith.constant 48 : i32
    %add3A_30 = vector.broadcast %add3A_29 : i32 to vector<16xi32>
    %add3A_31 = arith.addi %add3A_30, %iota3A : vector<16xi32>
    %and3A_32 = arith.constant 63 : i32
    %and3A_33 = vector.broadcast %and3A_32 : i32 to vector<16xi32>
    %and3A_34 = arith.andi %add3A_31, %and3A_33 : vector<16xi32>
    %add3A_35 = arith.constant 64 : i32
    %add3A_36 = vector.broadcast %add3A_35 : i32 to vector<16xi32>
    %add3A_37 = arith.addi %add3A_36, %iota3A : vector<16xi32>
    %and3A_38 = arith.constant 63 : i32
    %and3A_39 = vector.broadcast %and3A_38 : i32 to vector<16xi32>
    %and3A_40 = arith.andi %add3A_37, %and3A_39 : vector<16xi32>
    %add3A_41 = arith.constant 80 : i32
    %add3A_42 = vector.broadcast %add3A_41 : i32 to vector<16xi32>
    %add3A_43 = arith.addi %add3A_42, %iota3A : vector<16xi32>
    %and3A_44 = arith.constant 63 : i32
    %and3A_45 = vector.broadcast %and3A_44 : i32 to vector<16xi32>
    %and3A_46 = arith.andi %add3A_43, %and3A_45 : vector<16xi32>
    %add3A_47 = arith.constant 96 : i32
    %add3A_48 = vector.broadcast %add3A_47 : i32 to vector<16xi32>
    %add3A_49 = arith.addi %add3A_48, %iota3A : vector<16xi32>
    %and3A_50 = arith.constant 63 : i32
    %and3A_51 = vector.broadcast %and3A_50 : i32 to vector<16xi32>
    %and3A_52 = arith.andi %add3A_49, %and3A_51 : vector<16xi32>
    %add3A_53 = arith.constant 112 : i32
    %add3A_54 = vector.broadcast %add3A_53 : i32 to vector<16xi32>
    %add3A_55 = arith.addi %add3A_54, %iota3A : vector<16xi32>
    %and3A_56 = arith.constant 63 : i32
    %and3A_57 = vector.broadcast %and3A_56 : i32 to vector<16xi32>
    %and3A_58 = arith.andi %add3A_55, %and3A_57 : vector<16xi32>
    %add3A_59 = arith.constant 0 : i32
    %add3A_60 = vector.broadcast %add3A_59 : i32 to vector<16xi32>
    %add3A_61 = arith.addi %iota3A, %add3A_60 : vector<16xi32>
    %add3A_62 = arith.constant 16 : i32
    %add3A_63 = vector.broadcast %add3A_62 : i32 to vector<16xi32>
    %add3A_64 = arith.addi %iota3A, %add3A_63 : vector<16xi32>
    %add3A_65 = arith.constant 32 : i32
    %add3A_66 = vector.broadcast %add3A_65 : i32 to vector<16xi32>
    %add3A_67 = arith.addi %iota3A, %add3A_66 : vector<16xi32>
    %add3A_68 = arith.constant 48 : i32
    %add3A_69 = vector.broadcast %add3A_68 : i32 to vector<16xi32>
    %add3A_70 = arith.addi %iota3A, %add3A_69 : vector<16xi32>
    %add3A_71 = arith.constant 64 : i32
    %add3A_72 = vector.broadcast %add3A_71 : i32 to vector<16xi32>
    %add3A_73 = arith.addi %iota3A, %add3A_72 : vector<16xi32>
    %add3A_74 = arith.constant 80 : i32
    %add3A_75 = vector.broadcast %add3A_74 : i32 to vector<16xi32>
    %add3A_76 = arith.addi %iota3A, %add3A_75 : vector<16xi32>
    %add3A_77 = arith.constant 96 : i32
    %add3A_78 = vector.broadcast %add3A_77 : i32 to vector<16xi32>
    %add3A_79 = arith.addi %iota3A, %add3A_78 : vector<16xi32>
    %add3A_80 = arith.constant 112 : i32
    %add3A_81 = vector.broadcast %add3A_80 : i32 to vector<16xi32>
    %add3A_82 = arith.addi %iota3A, %add3A_81 : vector<16xi32>
    %add3A_83 = arith.constant 0 : i32
    %add3A_84 = arith.addi %select_n3A_11, %add3A_83 : i32
    %mul3A_85 = arith.constant 128 : i32
    %mul3A_86 = arith.muli %mul3A_85, %add3A_84 : i32
    %dma_start3A = arith.constant 0 : i32
    %dma_start3A_87 = arith.constant 0 : i32
    %dma_start3A_88 = tpu.memref_slice %arg5[%dma_start3A, %dma_start3A_87] : memref<64x129xf32, #tpu.memory_space<vmem>> -> memref<64x128xf32, #tpu.memory_space<vmem>>
    %dma_start3A_89 = arith.constant 0 : i32
    %dma_start3A_90 = tpu.memref_slice %arg2[%dma_start3A_89, %mul3A_86] : memref<64x1000000xf32, #tpu.memory_space<hbm>> -> memref<64x128xf32, #tpu.memory_space<hbm>>
    %dma_start3A_91 = arith.constant 0 : i32
    %dma_start3A_92 = arith.constant 0 : i32
    %dma_start3A_93 = tpu.memref_slice %arg5[%dma_start3A_91, %dma_start3A_92] : memref<64x129xf32, #tpu.memory_space<vmem>> -> memref<64x128xf32, #tpu.memory_space<vmem>>
    %dma_start3A_94 = arith.constant 0 : i32
    %dma_start3A_95 = tpu.memref_slice %arg2[%dma_start3A_94, %mul3A_86] : memref<64x1000000xf32, #tpu.memory_space<hbm>> -> memref<64x128xf32, #tpu.memory_space<hbm>>
    tpu.enqueue_dma source(%dma_start3A_95 : memref<64x128xf32, #tpu.memory_space<hbm>>) target(%dma_start3A_93 : memref<64x128xf32, #tpu.memory_space<vmem>>) target_semaphore(%arg9 : memref<!tpu.dma_semaphore, #tpu.memory_space<semaphore_mem>>)
    %add3A_96 = arith.constant 1 : i32
    %add3A_97 = arith.addi %select_n3A_11, %add3A_96 : i32
    %mul3A_98 = arith.constant 128 : i32
    %mul3A_99 = arith.muli %mul3A_98, %add3A_97 : i32
    %dma_start3A_100 = arith.constant 0 : i32
    %dma_start3A_101 = arith.constant 0 : i32
    %dma_start3A_102 = tpu.memref_slice %arg6[%dma_start3A_100, %dma_start3A_101] : memref<64x129xf32, #tpu.memory_space<vmem>> -> memref<64x128xf32, #tpu.memory_space<vmem>>
    %dma_start3A_103 = arith.constant 0 : i32
    %dma_start3A_104 = tpu.memref_slice %arg2[%dma_start3A_103, %mul3A_99] : memref<64x1000000xf32, #tpu.memory_space<hbm>> -> memref<64x128xf32, #tpu.memory_space<hbm>>
    %dma_start3A_105 = arith.constant 0 : i32
    %dma_start3A_106 = arith.constant 0 : i32
    %dma_start3A_107 = tpu.memref_slice %arg6[%dma_start3A_105, %dma_start3A_106] : memref<64x129xf32, #tpu.memory_space<vmem>> -> memref<64x128xf32, #tpu.memory_space<vmem>>
    %dma_start3A_108 = arith.constant 0 : i32
    %dma_start3A_109 = tpu.memref_slice %arg2[%dma_start3A_108, %mul3A_99] : memref<64x1000000xf32, #tpu.memory_space<hbm>> -> memref<64x128xf32, #tpu.memory_space<hbm>>
    tpu.enqueue_dma source(%dma_start3A_109 : memref<64x128xf32, #tpu.memory_space<hbm>>) target(%dma_start3A_107 : memref<64x128xf32, #tpu.memory_space<vmem>>) target_semaphore(%arg10 : memref<!tpu.dma_semaphore, #tpu.memory_space<semaphore_mem>>)
    %scan3A = arith.constant 0 : i32
    %scan3A_110 = arith.constant 123 : i32
    %scan3A_111 = arith.addi %scan3A, %scan3A_110 : i32
    %scan3A_112 = arith.constant 1 : i32
    scf.for %scan3A_131 = %scan3A to %scan3A_111 step %scan3A_112  : i32 {
      %mul3A_132 = arith.constant 1 : i32
      %mul3A_133 = arith.muli %scan3A_131, %mul3A_132 : i32
      %add3A_134 = arith.constant 0 : i32
      %add3A_135 = arith.addi %add3A_134, %mul3A_133 : i32
      %mul3A_136 = arith.constant 2 : i32
      %mul3A_137 = arith.muli %mul3A_136, %add3A_135 : i32
      %mul3A_138 = arith.constant 2 : i32
      %mul3A_139 = arith.muli %mul3A_138, %add3A_135 : i32
      %add3A_140 = arith.constant 1 : i32
      %add3A_141 = arith.addi %mul3A_139, %add3A_140 : i32
      %lt3A_142 = arith.cmpi slt, %mul3A_137, %select_n3A : i32
      %convert_element_type3A_143 = arith.extui %lt3A_142 : i1 to i32
      %cond3A_144 = arith.constant 0 : i32
      %cond3A_145 = arith.cmpi ne, %convert_element_type3A_143, %cond3A_144 : i32
      scf.if %cond3A_145 {
        %add3A_150 = arith.addi %select_n3A_11, %mul3A_137 : i32
        %mul3A_151 = arith.constant 128 : i32
        %mul3A_152 = arith.muli %mul3A_151, %add3A_150 : i32
        %dma_wait3A_153 = arith.constant 0 : i32
        %dma_wait3A_154 = arith.constant 0 : i32
        %dma_wait3A_155 = tpu.memref_slice %arg5[%dma_wait3A_153, %dma_wait3A_154] : memref<64x129xf32, #tpu.memory_space<vmem>> -> memref<64x128xf32, #tpu.memory_space<vmem>>
        %dma_wait3A_156 = arith.constant 0 : i32
        %dma_wait3A_157 = tpu.memref_slice %arg2[%dma_wait3A_156, %mul3A_152] : memref<64x1000000xf32, #tpu.memory_space<hbm>> -> memref<64x128xf32, #tpu.memory_space<hbm>>
        %dma_wait3A_158 = arith.constant 0 : i32
        %dma_wait3A_159 = arith.constant 0 : i32
        %dma_wait3A_160 = tpu.memref_slice %arg5[%dma_wait3A_158, %dma_wait3A_159] : memref<64x129xf32, #tpu.memory_space<vmem>> -> memref<64x128xf32, #tpu.memory_space<vmem>>
        %dma_wait3A_161 = arith.constant 0 : i32
        %dma_wait3A_162 = tpu.memref_slice %arg2[%dma_wait3A_161, %mul3A_152] : memref<64x1000000xf32, #tpu.memory_space<hbm>> -> memref<64x128xf32, #tpu.memory_space<hbm>>
        tpu.wait_dma2 semaphore(%arg9 : memref<!tpu.dma_semaphore, #tpu.memory_space<semaphore_mem>>) src(%dma_wait3A_162 : memref<64x128xf32, #tpu.memory_space<hbm>>) dst(%dma_wait3A_160 : memref<64x128xf32, #tpu.memory_space<vmem>>)
        %gt3A = arith.constant 1 : i32
        %gt3A_163 = arith.cmpi sgt, %mul3A_137, %gt3A : i32
        %convert_element_type3A_164 = arith.extui %gt3A_163 : i1 to i32
        %cond3A_165 = arith.constant 0 : i32
        %cond3A_166 = arith.cmpi ne, %convert_element_type3A_164, %cond3A_165 : i32
        scf.if %cond3A_166 {
          %sub3A = arith.constant 2 : i32
          %sub3A_182 = arith.subi %mul3A_137, %sub3A : i32
          %add3A_183 = arith.addi %select_n3A_11, %sub3A_182 : i32
          %mul3A_184 = arith.constant 64 : i32
          %mul3A_185 = arith.muli %mul3A_184, %add3A_183 : i32
          %dma_wait3A_186 = arith.constant 0 : i32
          %dma_wait3A_187 = tpu.memref_slice %arg4[%mul3A_185, %dma_wait3A_186] : memref<500000x128xf32, #tpu.memory_space<hbm>> -> memref<64x128xf32, #tpu.memory_space<hbm>>
          %dma_wait3A_188 = arith.constant 0 : i32
          %dma_wait3A_189 = tpu.memref_slice %arg4[%mul3A_185, %dma_wait3A_188] : memref<500000x128xf32, #tpu.memory_space<hbm>> -> memref<64x128xf32, #tpu.memory_space<hbm>>
          tpu.wait_dma2 semaphore(%arg11 : memref<!tpu.dma_semaphore, #tpu.memory_space<semaphore_mem>>) src(%arg7 : memref<64x128xf32, #tpu.memory_space<vmem>>) dst(%dma_wait3A_189 : memref<64x128xf32, #tpu.memory_space<hbm>>)
        } else {
        }
        %parallel_loop3A = arith.constant 0 : i32
        %parallel_loop3A_167 = arith.constant 64 : i32
        %parallel_loop3A_168 = arith.constant 1 : i32
        scf.for %parallel_loop3A_182 = %parallel_loop3A to %parallel_loop3A_167 step %parallel_loop3A_168  : i32 {
          %parallel_loop3A_183 = vector.broadcast %parallel_loop3A_182 : i32 to vector<16xi32>
          %parallel_loop3A_184 = arith.addi %parallel_loop3A_183, %iota3A : vector<16xi32>
          %parallel_loop3A_185 = arith.constant 63 : i32
          %parallel_loop3A_186 = vector.broadcast %parallel_loop3A_185 : i32 to vector<16xi32>
          %parallel_loop3A_187 = arith.andi %parallel_loop3A_184, %parallel_loop3A_186 : vector<16xi32>
          %parallel_loop3A_188 = arith.constant 2 : i32
          %parallel_loop3A_189 = vector.broadcast %parallel_loop3A_188 : i32 to vector<16xi32>
          %parallel_loop3A_190 = arith.muli %parallel_loop3A_189, %parallel_loop3A_187 : vector<16xi32>
          %parallel_loop3A_191 = arith.constant 1 : i32
          %parallel_loop3A_192 = vector.broadcast %parallel_loop3A_191 : i32 to vector<16xi32>
          %parallel_loop3A_193 = arith.addi %parallel_loop3A_190, %parallel_loop3A_192 : vector<16xi32>
          %parallel_loop3A_194 = tpu.vector_load_idx %arg5[%and3A_16, %parallel_loop3A_190] : memref<64x129xf32, #tpu.memory_space<vmem>>[vector<16xi32>, vector<16xi32>], vector<16xf32>,
          tpu.vector_store_idx %arg7[%parallel_loop3A_187, %add3A_61], %parallel_loop3A_194 : memref<64x128xf32, #tpu.memory_space<vmem>>[vector<16xi32>, vector<16xi32>], vector<16xf32>,
          %parallel_loop3A_195 = tpu.vector_load_idx %arg5[%and3A_22, %parallel_loop3A_190] : memref<64x129xf32, #tpu.memory_space<vmem>>[vector<16xi32>, vector<16xi32>], vector<16xf32>,
          tpu.vector_store_idx %arg7[%parallel_loop3A_187, %add3A_64], %parallel_loop3A_195 : memref<64x128xf32, #tpu.memory_space<vmem>>[vector<16xi32>, vector<16xi32>], vector<16xf32>,
          %parallel_loop3A_196 = tpu.vector_load_idx %arg5[%and3A_28, %parallel_loop3A_190] : memref<64x129xf32, #tpu.memory_space<vmem>>[vector<16xi32>, vector<16xi32>], vector<16xf32>,
          tpu.vector_store_idx %arg7[%parallel_loop3A_187, %add3A_67], %parallel_loop3A_196 : memref<64x128xf32, #tpu.memory_space<vmem>>[vector<16xi32>, vector<16xi32>], vector<16xf32>,
          %parallel_loop3A_197 = tpu.vector_load_idx %arg5[%and3A_34, %parallel_loop3A_190] : memref<64x129xf32, #tpu.memory_space<vmem>>[vector<16xi32>, vector<16xi32>], vector<16xf32>,
          tpu.vector_store_idx %arg7[%parallel_loop3A_187, %add3A_70], %parallel_loop3A_197 : memref<64x128xf32, #tpu.memory_space<vmem>>[vector<16xi32>, vector<16xi32>], vector<16xf32>,
          %parallel_loop3A_198 = tpu.vector_load_idx %arg5[%and3A_40, %parallel_loop3A_193] : memref<64x129xf32, #tpu.memory_space<vmem>>[vector<16xi32>, vector<16xi32>], vector<16xf32>,
          tpu.vector_store_idx %arg7[%parallel_loop3A_187, %add3A_73], %parallel_loop3A_198 : memref<64x128xf32, #tpu.memory_space<vmem>>[vector<16xi32>, vector<16xi32>], vector<16xf32>,
          %parallel_loop3A_199 = tpu.vector_load_idx %arg5[%and3A_46, %parallel_loop3A_193] : memref<64x129xf32, #tpu.memory_space<vmem>>[vector<16xi32>, vector<16xi32>], vector<16xf32>,
          tpu.vector_store_idx %arg7[%parallel_loop3A_187, %add3A_76], %parallel_loop3A_199 : memref<64x128xf32, #tpu.memory_space<vmem>>[vector<16xi32>, vector<16xi32>], vector<16xf32>,
          %parallel_loop3A_200 = tpu.vector_load_idx %arg5[%and3A_52, %parallel_loop3A_193] : memref<64x129xf32, #tpu.memory_space<vmem>>[vector<16xi32>, vector<16xi32>], vector<16xf32>,
          tpu.vector_store_idx %arg7[%parallel_loop3A_187, %add3A_79], %parallel_loop3A_200 : memref<64x128xf32, #tpu.memory_space<vmem>>[vector<16xi32>, vector<16xi32>], vector<16xf32>,
          %parallel_loop3A_201 = tpu.vector_load_idx %arg5[%and3A_58, %parallel_loop3A_193] : memref<64x129xf32, #tpu.memory_space<vmem>>[vector<16xi32>, vector<16xi32>], vector<16xf32>,
          tpu.vector_store_idx %arg7[%parallel_loop3A_187, %add3A_82], %parallel_loop3A_201 : memref<64x128xf32, #tpu.memory_space<vmem>>[vector<16xi32>, vector<16xi32>], vector<16xf32>,
        } {sc.loop_unroll_factor = 4 : i64, sc.parallel_access}
        %add3A_169 = arith.constant 2 : i32
        %add3A_170 = arith.addi %mul3A_137, %add3A_169 : i32
        %lt3A_171 = arith.cmpi slt, %add3A_170, %select_n3A : i32
        %convert_element_type3A_172 = arith.extui %lt3A_171 : i1 to i32
        %cond3A_173 = arith.constant 0 : i32
        %cond3A_174 = arith.cmpi ne, %convert_element_type3A_172, %cond3A_173 : i32
        scf.if %cond3A_174 {
          %add3A_182 = arith.constant 2 : i32
          %add3A_183 = arith.addi %mul3A_137, %add3A_182 : i32
          %add3A_184 = arith.addi %select_n3A_11, %add3A_183 : i32
          %mul3A_185 = arith.constant 128 : i32
          %mul3A_186 = arith.muli %mul3A_185, %add3A_184 : i32
          %dma_start3A_187 = arith.constant 0 : i32
          %dma_start3A_188 = arith.constant 0 : i32
          %dma_start3A_189 = tpu.memref_slice %arg5[%dma_start3A_187, %dma_start3A_188] : memref<64x129xf32, #tpu.memory_space<vmem>> -> memref<64x128xf32, #tpu.memory_space<vmem>>
          %dma_start3A_190 = arith.constant 0 : i32
          %dma_start3A_191 = tpu.memref_slice %arg2[%dma_start3A_190, %mul3A_186] : memref<64x1000000xf32, #tpu.memory_space<hbm>> -> memref<64x128xf32, #tpu.memory_space<hbm>>
          %dma_start3A_192 = arith.constant 0 : i32
          %dma_start3A_193 = arith.constant 0 : i32
          %dma_start3A_194 = tpu.memref_slice %arg5[%dma_start3A_192, %dma_start3A_193] : memref<64x129xf32, #tpu.memory_space<vmem>> -> memref<64x128xf32, #tpu.memory_space<vmem>>
          %dma_start3A_195 = arith.constant 0 : i32
          %dma_start3A_196 = tpu.memref_slice %arg2[%dma_start3A_195, %mul3A_186] : memref<64x1000000xf32, #tpu.memory_space<hbm>> -> memref<64x128xf32, #tpu.memory_space<hbm>>
          tpu.enqueue_dma source(%dma_start3A_196 : memref<64x128xf32, #tpu.memory_space<hbm>>) target(%dma_start3A_194 : memref<64x128xf32, #tpu.memory_space<vmem>>) target_semaphore(%arg9 : memref<!tpu.dma_semaphore, #tpu.memory_space<semaphore_mem>>)
        } else {
        }
        %add3A_175 = arith.addi %select_n3A_11, %mul3A_137 : i32
        %mul3A_176 = arith.constant 64 : i32
        %mul3A_177 = arith.muli %mul3A_176, %add3A_175 : i32
        %dma_start3A_178 = arith.constant 0 : i32
        %dma_start3A_179 = tpu.memref_slice %arg4[%mul3A_177, %dma_start3A_178] : memref<500000x128xf32, #tpu.memory_space<hbm>> -> memref<64x128xf32, #tpu.memory_space<hbm>>
        %dma_start3A_180 = arith.constant 0 : i32
        %dma_start3A_181 = tpu.memref_slice %arg4[%mul3A_177, %dma_start3A_180] : memref<500000x128xf32, #tpu.memory_space<hbm>> -> memref<64x128xf32, #tpu.memory_space<hbm>>
        tpu.enqueue_dma source(%arg7 : memref<64x128xf32, #tpu.memory_space<vmem>>) target(%dma_start3A_181 : memref<64x128xf32, #tpu.memory_space<hbm>>) target_semaphore(%arg11 : memref<!tpu.dma_semaphore, #tpu.memory_space<semaphore_mem>>)
      } else {
      }
      %lt3A_146 = arith.cmpi slt, %add3A_141, %select_n3A : i32
      %convert_element_type3A_147 = arith.extui %lt3A_146 : i1 to i32
      %cond3A_148 = arith.constant 0 : i32
      %cond3A_149 = arith.cmpi ne, %convert_element_type3A_147, %cond3A_148 : i32
      scf.if %cond3A_149 {
        %add3A_150 = arith.addi %select_n3A_11, %add3A_141 : i32
        %mul3A_151 = arith.constant 128 : i32
        %mul3A_152 = arith.muli %mul3A_151, %add3A_150 : i32
        %dma_wait3A_153 = arith.constant 0 : i32
        %dma_wait3A_154 = arith.constant 0 : i32
        %dma_wait3A_155 = tpu.memref_slice %arg6[%dma_wait3A_153, %dma_wait3A_154] : memref<64x129xf32, #tpu.memory_space<vmem>> -> memref<64x128xf32, #tpu.memory_space<vmem>>
        %dma_wait3A_156 = arith.constant 0 : i32
        %dma_wait3A_157 = tpu.memref_slice %arg2[%dma_wait3A_156, %mul3A_152] : memref<64x1000000xf32, #tpu.memory_space<hbm>> -> memref<64x128xf32, #tpu.memory_space<hbm>>
        %dma_wait3A_158 = arith.constant 0 : i32
        %dma_wait3A_159 = arith.constant 0 : i32
        %dma_wait3A_160 = tpu.memref_slice %arg6[%dma_wait3A_158, %dma_wait3A_159] : memref<64x129xf32, #tpu.memory_space<vmem>> -> memref<64x128xf32, #tpu.memory_space<vmem>>
        %dma_wait3A_161 = arith.constant 0 : i32
        %dma_wait3A_162 = tpu.memref_slice %arg2[%dma_wait3A_161, %mul3A_152] : memref<64x1000000xf32, #tpu.memory_space<hbm>> -> memref<64x128xf32, #tpu.memory_space<hbm>>
        tpu.wait_dma2 semaphore(%arg10 : memref<!tpu.dma_semaphore, #tpu.memory_space<semaphore_mem>>) src(%dma_wait3A_162 : memref<64x128xf32, #tpu.memory_space<hbm>>) dst(%dma_wait3A_160 : memref<64x128xf32, #tpu.memory_space<vmem>>)
        %gt3A = arith.constant 1 : i32
        %gt3A_163 = arith.cmpi sgt, %add3A_141, %gt3A : i32
        %convert_element_type3A_164 = arith.extui %gt3A_163 : i1 to i32
        %cond3A_165 = arith.constant 0 : i32
        %cond3A_166 = arith.cmpi ne, %convert_element_type3A_164, %cond3A_165 : i32
        scf.if %cond3A_166 {
          %sub3A = arith.constant 2 : i32
          %sub3A_182 = arith.subi %add3A_141, %sub3A : i32
          %add3A_183 = arith.addi %select_n3A_11, %sub3A_182 : i32
          %mul3A_184 = arith.constant 64 : i32
          %mul3A_185 = arith.muli %mul3A_184, %add3A_183 : i32
          %dma_wait3A_186 = arith.constant 0 : i32
          %dma_wait3A_187 = tpu.memref_slice %arg4[%mul3A_185, %dma_wait3A_186] : memref<500000x128xf32, #tpu.memory_space<hbm>> -> memref<64x128xf32, #tpu.memory_space<hbm>>
          %dma_wait3A_188 = arith.constant 0 : i32
          %dma_wait3A_189 = tpu.memref_slice %arg4[%mul3A_185, %dma_wait3A_188] : memref<500000x128xf32, #tpu.memory_space<hbm>> -> memref<64x128xf32, #tpu.memory_space<hbm>>
          tpu.wait_dma2 semaphore(%arg12 : memref<!tpu.dma_semaphore, #tpu.memory_space<semaphore_mem>>) src(%arg8 : memref<64x128xf32, #tpu.memory_space<vmem>>) dst(%dma_wait3A_189 : memref<64x128xf32, #tpu.memory_space<hbm>>)
        } else {
        }
        %parallel_loop3A = arith.constant 0 : i32
        %parallel_loop3A_167 = arith.constant 64 : i32
        %parallel_loop3A_168 = arith.constant 1 : i32
        scf.for %parallel_loop3A_182 = %parallel_loop3A to %parallel_loop3A_167 step %parallel_loop3A_168  : i32 {
          %parallel_loop3A_183 = vector.broadcast %parallel_loop3A_182 : i32 to vector<16xi32>
          %parallel_loop3A_184 = arith.addi %parallel_loop3A_183, %iota3A : vector<16xi32>
          %parallel_loop3A_185 = arith.constant 63 : i32
          %parallel_loop3A_186 = vector.broadcast %parallel_loop3A_185 : i32 to vector<16xi32>
          %parallel_loop3A_187 = arith.andi %parallel_loop3A_184, %parallel_loop3A_186 : vector<16xi32>
          %parallel_loop3A_188 = arith.constant 2 : i32
          %parallel_loop3A_189 = vector.broadcast %parallel_loop3A_188 : i32 to vector<16xi32>
          %parallel_loop3A_190 = arith.muli %parallel_loop3A_189, %parallel_loop3A_187 : vector<16xi32>
          %parallel_loop3A_191 = arith.constant 1 : i32
          %parallel_loop3A_192 = vector.broadcast %parallel_loop3A_191 : i32 to vector<16xi32>
          %parallel_loop3A_193 = arith.addi %parallel_loop3A_190, %parallel_loop3A_192 : vector<16xi32>
          %parallel_loop3A_194 = tpu.vector_load_idx %arg6[%and3A_16, %parallel_loop3A_190] : memref<64x129xf32, #tpu.memory_space<vmem>>[vector<16xi32>, vector<16xi32>], vector<16xf32>,
          tpu.vector_store_idx %arg8[%parallel_loop3A_187, %add3A_61], %parallel_loop3A_194 : memref<64x128xf32, #tpu.memory_space<vmem>>[vector<16xi32>, vector<16xi32>], vector<16xf32>,
          %parallel_loop3A_195 = tpu.vector_load_idx %arg6[%and3A_22, %parallel_loop3A_190] : memref<64x129xf32, #tpu.memory_space<vmem>>[vector<16xi32>, vector<16xi32>], vector<16xf32>,
          tpu.vector_store_idx %arg8[%parallel_loop3A_187, %add3A_64], %parallel_loop3A_195 : memref<64x128xf32, #tpu.memory_space<vmem>>[vector<16xi32>, vector<16xi32>], vector<16xf32>,
          %parallel_loop3A_196 = tpu.vector_load_idx %arg6[%and3A_28, %parallel_loop3A_190] : memref<64x129xf32, #tpu.memory_space<vmem>>[vector<16xi32>, vector<16xi32>], vector<16xf32>,
          tpu.vector_store_idx %arg8[%parallel_loop3A_187, %add3A_67], %parallel_loop3A_196 : memref<64x128xf32, #tpu.memory_space<vmem>>[vector<16xi32>, vector<16xi32>], vector<16xf32>,
          %parallel_loop3A_197 = tpu.vector_load_idx %arg6[%and3A_34, %parallel_loop3A_190] : memref<64x129xf32, #tpu.memory_space<vmem>>[vector<16xi32>, vector<16xi32>], vector<16xf32>,
          tpu.vector_store_idx %arg8[%parallel_loop3A_187, %add3A_70], %parallel_loop3A_197 : memref<64x128xf32, #tpu.memory_space<vmem>>[vector<16xi32>, vector<16xi32>], vector<16xf32>,
          %parallel_loop3A_198 = tpu.vector_load_idx %arg6[%and3A_40, %parallel_loop3A_193] : memref<64x129xf32, #tpu.memory_space<vmem>>[vector<16xi32>, vector<16xi32>], vector<16xf32>,
          tpu.vector_store_idx %arg8[%parallel_loop3A_187, %add3A_73], %parallel_loop3A_198 : memref<64x128xf32, #tpu.memory_space<vmem>>[vector<16xi32>, vector<16xi32>], vector<16xf32>,
          %parallel_loop3A_199 = tpu.vector_load_idx %arg6[%and3A_46, %parallel_loop3A_193] : memref<64x129xf32, #tpu.memory_space<vmem>>[vector<16xi32>, vector<16xi32>], vector<16xf32>,
          tpu.vector_store_idx %arg8[%parallel_loop3A_187, %add3A_76], %parallel_loop3A_199 : memref<64x128xf32, #tpu.memory_space<vmem>>[vector<16xi32>, vector<16xi32>], vector<16xf32>,
          %parallel_loop3A_200 = tpu.vector_load_idx %arg6[%and3A_52, %parallel_loop3A_193] : memref<64x129xf32, #tpu.memory_space<vmem>>[vector<16xi32>, vector<16xi32>], vector<16xf32>,
          tpu.vector_store_idx %arg8[%parallel_loop3A_187, %add3A_79], %parallel_loop3A_200 : memref<64x128xf32, #tpu.memory_space<vmem>>[vector<16xi32>, vector<16xi32>], vector<16xf32>,
          %parallel_loop3A_201 = tpu.vector_load_idx %arg6[%and3A_58, %parallel_loop3A_193] : memref<64x129xf32, #tpu.memory_space<vmem>>[vector<16xi32>, vector<16xi32>], vector<16xf32>,
          tpu.vector_store_idx %arg8[%parallel_loop3A_187, %add3A_82], %parallel_loop3A_201 : memref<64x128xf32, #tpu.memory_space<vmem>>[vector<16xi32>, vector<16xi32>], vector<16xf32>,
        } {sc.loop_unroll_factor = 4 : i64, sc.parallel_access}
        %add3A_169 = arith.constant 2 : i32
        %add3A_170 = arith.addi %add3A_141, %add3A_169 : i32
        %lt3A_171 = arith.cmpi slt, %add3A_170, %select_n3A : i32
        %convert_element_type3A_172 = arith.extui %lt3A_171 : i1 to i32
        %cond3A_173 = arith.constant 0 : i32
        %cond3A_174 = arith.cmpi ne, %convert_element_type3A_172, %cond3A_173 : i32
        scf.if %cond3A_174 {
          %add3A_182 = arith.constant 2 : i32
          %add3A_183 = arith.addi %add3A_141, %add3A_182 : i32
          %add3A_184 = arith.addi %select_n3A_11, %add3A_183 : i32
          %mul3A_185 = arith.constant 128 : i32
          %mul3A_186 = arith.muli %mul3A_185, %add3A_184 : i32
          %dma_start3A_187 = arith.constant 0 : i32
          %dma_start3A_188 = arith.constant 0 : i32
          %dma_start3A_189 = tpu.memref_slice %arg6[%dma_start3A_187, %dma_start3A_188] : memref<64x129xf32, #tpu.memory_space<vmem>> -> memref<64x128xf32, #tpu.memory_space<vmem>>
          %dma_start3A_190 = arith.constant 0 : i32
          %dma_start3A_191 = tpu.memref_slice %arg2[%dma_start3A_190, %mul3A_186] : memref<64x1000000xf32, #tpu.memory_space<hbm>> -> memref<64x128xf32, #tpu.memory_space<hbm>>
          %dma_start3A_192 = arith.constant 0 : i32
          %dma_start3A_193 = arith.constant 0 : i32
          %dma_start3A_194 = tpu.memref_slice %arg6[%dma_start3A_192, %dma_start3A_193] : memref<64x129xf32, #tpu.memory_space<vmem>> -> memref<64x128xf32, #tpu.memory_space<vmem>>
          %dma_start3A_195 = arith.constant 0 : i32
          %dma_start3A_196 = tpu.memref_slice %arg2[%dma_start3A_195, %mul3A_186] : memref<64x1000000xf32, #tpu.memory_space<hbm>> -> memref<64x128xf32, #tpu.memory_space<hbm>>
          tpu.enqueue_dma source(%dma_start3A_196 : memref<64x128xf32, #tpu.memory_space<hbm>>) target(%dma_start3A_194 : memref<64x128xf32, #tpu.memory_space<vmem>>) target_semaphore(%arg10 : memref<!tpu.dma_semaphore, #tpu.memory_space<semaphore_mem>>)
        } else {
        }
        %add3A_175 = arith.addi %select_n3A_11, %add3A_141 : i32
        %mul3A_176 = arith.constant 64 : i32
        %mul3A_177 = arith.muli %mul3A_176, %add3A_175 : i32
        %dma_start3A_178 = arith.constant 0 : i32
        %dma_start3A_179 = tpu.memref_slice %arg4[%mul3A_177, %dma_start3A_178] : memref<500000x128xf32, #tpu.memory_space<hbm>> -> memref<64x128xf32, #tpu.memory_space<hbm>>
        %dma_start3A_180 = arith.constant 0 : i32
        %dma_start3A_181 = tpu.memref_slice %arg4[%mul3A_177, %dma_start3A_180] : memref<500000x128xf32, #tpu.memory_space<hbm>> -> memref<64x128xf32, #tpu.memory_space<hbm>>
        tpu.enqueue_dma source(%arg8 : memref<64x128xf32, #tpu.memory_space<vmem>>) target(%dma_start3A_181 : memref<64x128xf32, #tpu.memory_space<hbm>>) target_semaphore(%arg12 : memref<!tpu.dma_semaphore, #tpu.memory_space<semaphore_mem>>)
      } else {
      }
    }
    %scan3A_113 = arith.constant 123 : i32
    %add3A_114 = arith.constant 0 : i32
    %add3A_115 = arith.addi %select_n3A_11, %add3A_114 : i32
    %mul3A_116 = arith.constant 64 : i32
    %mul3A_117 = arith.muli %mul3A_116, %add3A_115 : i32
    %dma_wait3A = arith.constant 0 : i32
    %dma_wait3A_118 = tpu.memref_slice %arg4[%mul3A_117, %dma_wait3A] : memref<500000x128xf32, #tpu.memory_space<hbm>> -> memref<64x128xf32, #tpu.memory_space<hbm>>
    %dma_wait3A_119 = arith.constant 0 : i32
    %dma_wait3A_120 = tpu.memref_slice %arg4[%mul3A_117, %dma_wait3A_119] : memref<500000x128xf32, #tpu.memory_space<hbm>> -> memref<64x128xf32, #tpu.memory_space<hbm>>
    tpu.wait_dma2 semaphore(%arg11 : memref<!tpu.dma_semaphore, #tpu.memory_space<semaphore_mem>>) src(%arg7 : memref<64x128xf32, #tpu.memory_space<vmem>>) dst(%dma_wait3A_120 : memref<64x128xf32, #tpu.memory_space<hbm>>)
    %add3A_121 = arith.constant 0 : i32
    %add3A_122 = arith.addi %select_n3A_11, %add3A_121 : i32
    %mul3A_123 = arith.constant 64 : i32
    %mul3A_124 = arith.muli %mul3A_123, %add3A_122 : i32
    %dma_wait3A_125 = arith.constant 0 : i32
    %dma_wait3A_126 = tpu.memref_slice %arg4[%mul3A_124, %dma_wait3A_125] : memref<500000x128xf32, #tpu.memory_space<hbm>> -> memref<64x128xf32, #tpu.memory_space<hbm>>
    %dma_wait3A_127 = arith.constant 0 : i32
    %dma_wait3A_128 = tpu.memref_slice %arg4[%mul3A_124, %dma_wait3A_127] : memref<500000x128xf32, #tpu.memory_space<hbm>> -> memref<64x128xf32, #tpu.memory_space<hbm>>
    tpu.wait_dma2 semaphore(%arg12 : memref<!tpu.dma_semaphore, #tpu.memory_space<semaphore_mem>>) src(%arg8 : memref<64x128xf32, #tpu.memory_space<vmem>>) dst(%dma_wait3A_128 : memref<64x128xf32, #tpu.memory_space<hbm>>)
    %eq3A = arith.constant 0 : i32
    %eq3A_129 = arith.cmpi eq, %add3A, %eq3A : i32
    %convert_element_type3A = arith.extui %eq3A_129 : i1 to i32
    %cond3A = arith.constant 0 : i32
    %cond3A_130 = arith.cmpi ne, %convert_element_type3A, %cond3A : i32
    scf.if %cond3A_130 {
      "tpu.region"() ({
        %run_scoped3A = tpu.sem_alloc : memref<!tpu.dma_semaphore, #tpu.memory_space<semaphore_mem>>
        %dma_start3A_133 = arith.constant 0 : i32
        %dma_start3A_134 = arith.constant 0 : i32
        %dma_start3A_135 = tpu.memref_slice %arg5[%dma_start3A_133, %dma_start3A_134] : memref<64x129xf32, #tpu.memory_space<vmem>> -> memref<64x128xf32, #tpu.memory_space<vmem>>
        %dma_start3A_136 = arith.constant 0 : i32
        %dma_start3A_137 = arith.constant 0 : i32
        %dma_start3A_138 = tpu.memref_slice %arg5[%dma_start3A_136, %dma_start3A_137] : memref<64x129xf32, #tpu.memory_space<vmem>> -> memref<64x128xf32, #tpu.memory_space<vmem>>
        tpu.enqueue_dma source(%arg3 : memref<64x128xf32, #tpu.memory_space<hbm>>) target(%dma_start3A_138 : memref<64x128xf32, #tpu.memory_space<vmem>>) target_semaphore(%run_scoped3A : memref<!tpu.dma_semaphore, #tpu.memory_space<semaphore_mem>>)
        %dma_wait3A_139 = arith.constant 0 : i32
        %dma_wait3A_140 = arith.constant 0 : i32
        %dma_wait3A_141 = tpu.memref_slice %arg5[%dma_wait3A_139, %dma_wait3A_140] : memref<64x129xf32, #tpu.memory_space<vmem>> -> memref<64x128xf32, #tpu.memory_space<vmem>>
        %dma_wait3A_142 = arith.constant 0 : i32
        %dma_wait3A_143 = arith.constant 0 : i32
        %dma_wait3A_144 = tpu.memref_slice %arg5[%dma_wait3A_142, %dma_wait3A_143] : memref<64x129xf32, #tpu.memory_space<vmem>> -> memref<64x128xf32, #tpu.memory_space<vmem>>
        tpu.wait_dma2 semaphore(%run_scoped3A : memref<!tpu.dma_semaphore, #tpu.memory_space<semaphore_mem>>) src(%arg3 : memref<64x128xf32, #tpu.memory_space<hbm>>) dst(%dma_wait3A_144 : memref<64x128xf32, #tpu.memory_space<vmem>>)
        tpu.yield
      }) : () -> ()
      %parallel_loop3A = arith.constant 0 : i32
      %parallel_loop3A_131 = arith.constant 64 : i32
      %parallel_loop3A_132 = arith.constant 1 : i32
      scf.for %parallel_loop3A_133 = %parallel_loop3A to %parallel_loop3A_131 step %parallel_loop3A_132  : i32 {
        %parallel_loop3A_134 = vector.broadcast %parallel_loop3A_133 : i32 to vector<16xi32>
        %parallel_loop3A_135 = arith.addi %parallel_loop3A_134, %iota3A : vector<16xi32>
        %parallel_loop3A_136 = arith.constant 63 : i32
        %parallel_loop3A_137 = vector.broadcast %parallel_loop3A_136 : i32 to vector<16xi32>
        %parallel_loop3A_138 = arith.andi %parallel_loop3A_135, %parallel_loop3A_137 : vector<16xi32>
        %parallel_loop3A_139 = arith.constant 2 : i32
        %parallel_loop3A_140 = vector.broadcast %parallel_loop3A_139 : i32 to vector<16xi32>
        %parallel_loop3A_141 = arith.muli %parallel_loop3A_140, %parallel_loop3A_138 : vector<16xi32>
        %parallel_loop3A_142 = arith.constant 1 : i32
        %parallel_loop3A_143 = vector.broadcast %parallel_loop3A_142 : i32 to vector<16xi32>
        %parallel_loop3A_144 = arith.addi %parallel_loop3A_141, %parallel_loop3A_143 : vector<16xi32>
        %parallel_loop3A_145 = tpu.vector_load_idx %arg5[%and3A_16, %parallel_loop3A_141] : memref<64x129xf32, #tpu.memory_space<vmem>>[vector<16xi32>, vector<16xi32>], vector<16xf32>,
        tpu.vector_store_idx %arg7[%parallel_loop3A_138, %add3A_61], %parallel_loop3A_145 : memref<64x128xf32, #tpu.memory_space<vmem>>[vector<16xi32>, vector<16xi32>], vector<16xf32>,
        %parallel_loop3A_146 = tpu.vector_load_idx %arg5[%and3A_22, %parallel_loop3A_141] : memref<64x129xf32, #tpu.memory_space<vmem>>[vector<16xi32>, vector<16xi32>], vector<16xf32>,
        tpu.vector_store_idx %arg7[%parallel_loop3A_138, %add3A_64], %parallel_loop3A_146 : memref<64x128xf32, #tpu.memory_space<vmem>>[vector<16xi32>, vector<16xi32>], vector<16xf32>,
        %parallel_loop3A_147 = tpu.vector_load_idx %arg5[%and3A_28, %parallel_loop3A_141] : memref<64x129xf32, #tpu.memory_space<vmem>>[vector<16xi32>, vector<16xi32>], vector<16xf32>,
        tpu.vector_store_idx %arg7[%parallel_loop3A_138, %add3A_67], %parallel_loop3A_147 : memref<64x128xf32, #tpu.memory_space<vmem>>[vector<16xi32>, vector<16xi32>], vector<16xf32>,
        %parallel_loop3A_148 = tpu.vector_load_idx %arg5[%and3A_34, %parallel_loop3A_141] : memref<64x129xf32, #tpu.memory_space<vmem>>[vector<16xi32>, vector<16xi32>], vector<16xf32>,
        tpu.vector_store_idx %arg7[%parallel_loop3A_138, %add3A_70], %parallel_loop3A_148 : memref<64x128xf32, #tpu.memory_space<vmem>>[vector<16xi32>, vector<16xi32>], vector<16xf32>,
        %parallel_loop3A_149 = tpu.vector_load_idx %arg5[%and3A_40, %parallel_loop3A_144] : memref<64x129xf32, #tpu.memory_space<vmem>>[vector<16xi32>, vector<16xi32>], vector<16xf32>,
        tpu.vector_store_idx %arg7[%parallel_loop3A_138, %add3A_73], %parallel_loop3A_149 : memref<64x128xf32, #tpu.memory_space<vmem>>[vector<16xi32>, vector<16xi32>], vector<16xf32>,
        %parallel_loop3A_150 = tpu.vector_load_idx %arg5[%and3A_46, %parallel_loop3A_144] : memref<64x129xf32, #tpu.memory_space<vmem>>[vector<16xi32>, vector<16xi32>], vector<16xf32>,
        tpu.vector_store_idx %arg7[%parallel_loop3A_138, %add3A_76], %parallel_loop3A_150 : memref<64x128xf32, #tpu.memory_space<vmem>>[vector<16xi32>, vector<16xi32>], vector<16xf32>,
        %parallel_loop3A_151 = tpu.vector_load_idx %arg5[%and3A_52, %parallel_loop3A_144] : memref<64x129xf32, #tpu.memory_space<vmem>>[vector<16xi32>, vector<16xi32>], vector<16xf32>,
        tpu.vector_store_idx %arg7[%parallel_loop3A_138, %add3A_79], %parallel_loop3A_151 : memref<64x128xf32, #tpu.memory_space<vmem>>[vector<16xi32>, vector<16xi32>], vector<16xf32>,
        %parallel_loop3A_152 = tpu.vector_load_idx %arg5[%and3A_58, %parallel_loop3A_144] : memref<64x129xf32, #tpu.memory_space<vmem>>[vector<16xi32>, vector<16xi32>], vector<16xf32>,
        tpu.vector_store_idx %arg7[%parallel_loop3A_138, %add3A_82], %parallel_loop3A_152 : memref<64x128xf32, #tpu.memory_space<vmem>>[vector<16xi32>, vector<16xi32>], vector<16xf32>,
      } {sc.loop_unroll_factor = 4 : i64, sc.parallel_access}
      "tpu.region"() ({
        %run_scoped3A = tpu.sem_alloc : memref<!tpu.dma_semaphore, #tpu.memory_space<semaphore_mem>>
        %dma_start3A_133 = arith.constant 499936 : i32
        %dma_start3A_134 = arith.constant 0 : i32
        %dma_start3A_135 = tpu.memref_slice %arg4[%dma_start3A_133, %dma_start3A_134] : memref<500000x128xf32, #tpu.memory_space<hbm>> -> memref<64x128xf32, #tpu.memory_space<hbm>>
        %dma_start3A_136 = arith.constant 499936 : i32
        %dma_start3A_137 = arith.constant 0 : i32
        %dma_start3A_138 = tpu.memref_slice %arg4[%dma_start3A_136, %dma_start3A_137] : memref<500000x128xf32, #tpu.memory_space<hbm>> -> memref<64x128xf32, #tpu.memory_space<hbm>>
        tpu.enqueue_dma source(%arg7 : memref<64x128xf32, #tpu.memory_space<vmem>>) target(%dma_start3A_138 : memref<64x128xf32, #tpu.memory_space<hbm>>) target_semaphore(%run_scoped3A : memref<!tpu.dma_semaphore, #tpu.memory_space<semaphore_mem>>)
        %dma_wait3A_139 = arith.constant 499936 : i32
        %dma_wait3A_140 = arith.constant 0 : i32
        %dma_wait3A_141 = tpu.memref_slice %arg4[%dma_wait3A_139, %dma_wait3A_140] : memref<500000x128xf32, #tpu.memory_space<hbm>> -> memref<64x128xf32, #tpu.memory_space<hbm>>
        %dma_wait3A_142 = arith.constant 499936 : i32
        %dma_wait3A_143 = arith.constant 0 : i32
        %dma_wait3A_144 = tpu.memref_slice %arg4[%dma_wait3A_142, %dma_wait3A_143] : memref<500000x128xf32, #tpu.memory_space<hbm>> -> memref<64x128xf32, #tpu.memory_space<hbm>>
        tpu.wait_dma2 semaphore(%run_scoped3A : memref<!tpu.dma_semaphore, #tpu.memory_space<semaphore_mem>>) src(%arg7 : memref<64x128xf32, #tpu.memory_space<vmem>>) dst(%dma_wait3A_144 : memref<64x128xf32, #tpu.memory_space<hbm>>)
        tpu.yield
      }) : () -> ()
    } else {
    }
    return
  }
}

#map = affine_map<(d0, d1) -> (0)>
#map1 = affine_map<(d0, d1) -> (0, 0)>
#map2 = affine_map<(d0, d1) -> (0, 0, 0)>
module attributes {stable_mosaic.version = 14 : i64} {
  func.func @_body(%arg0: i32, %arg1: i32, %arg2: memref<819200xi32, #tpu.memory_space<hbm>>, %arg3: memref<500000x128xf32, #tpu.memory_space<hbm>>, %arg4: memref<200x64x4096xf32, #tpu.memory_space<hbm>>, %arg5: memref<25600xi32, #tpu.memory_space<vmem>>, %arg6: memref<25600xi32, #tpu.memory_space<vmem>>, %arg7: memref<128xi32, #tpu.memory_space<vmem>>, %arg8: memref<128xi32, #tpu.memory_space<vmem>>, %arg9: memref<128x128xf32, #tpu.memory_space<vmem>>, %arg10: memref<128x128xf32, #tpu.memory_space<vmem>>, %arg11: memref<64x128xf32, #tpu.memory_space<vmem>>, %arg12: memref<64x128xf32, #tpu.memory_space<vmem>>, %arg13: memref<!tpu.dma_semaphore, #tpu.memory_space<semaphore_mem>>, %arg14: memref<!tpu.dma_semaphore, #tpu.memory_space<semaphore_mem>>, %arg15: memref<!tpu.dma_semaphore, #tpu.memory_space<semaphore_mem>>, %arg16: memref<!tpu.dma_semaphore, #tpu.memory_space<semaphore_mem>>) attributes {dimension_semantics = [#tpu.dimension_semantics<core_parallel>, #tpu.dimension_semantics<subcore_parallel>], iteration_bounds = array<i64: 2, 16>, scalar_prefetch = 0 : i64, scratch_operands = 12 : i64, tpu.core_type = #tpu.core_type<sc_vector_subcore>, window_params = [{transform_indices = #map}, {transform_indices = #map1}, {transform_indices = #map2}]} {
    %mul3A = arith.constant 2 : i32
    %mul3A_0 = arith.muli %arg1, %mul3A : i32
    %add3A = arith.addi %mul3A_0, %arg0 : i32
    %mul3A_1 = arith.constant 25600 : i32
    %mul3A_2 = arith.muli %add3A, %mul3A_1 : i32
    "tpu.region"() ({
      %run_scoped3A = tpu.sem_alloc : memref<!tpu.dma_semaphore, #tpu.memory_space<semaphore_mem>>
      %dma_start3A_188 = tpu.memref_slice %arg2[%mul3A_2] : memref<819200xi32, #tpu.memory_space<hbm>> -> memref<25600xi32, #tpu.memory_space<hbm>>
      %dma_start3A_189 = tpu.memref_slice %arg2[%mul3A_2] : memref<819200xi32, #tpu.memory_space<hbm>> -> memref<25600xi32, #tpu.memory_space<hbm>>
      tpu.enqueue_dma source(%dma_start3A_189 : memref<25600xi32, #tpu.memory_space<hbm>>) target(%arg5 : memref<25600xi32, #tpu.memory_space<vmem>>) target_semaphore(%run_scoped3A : memref<!tpu.dma_semaphore, #tpu.memory_space<semaphore_mem>>)
      %dma_wait3A_190 = tpu.memref_slice %arg2[%mul3A_2] : memref<819200xi32, #tpu.memory_space<hbm>> -> memref<25600xi32, #tpu.memory_space<hbm>>
      %dma_wait3A_191 = tpu.memref_slice %arg2[%mul3A_2] : memref<819200xi32, #tpu.memory_space<hbm>> -> memref<25600xi32, #tpu.memory_space<hbm>>
      tpu.wait_dma2 semaphore(%run_scoped3A : memref<!tpu.dma_semaphore, #tpu.memory_space<semaphore_mem>>) src(%dma_wait3A_191 : memref<25600xi32, #tpu.memory_space<hbm>>) dst(%arg5 : memref<25600xi32, #tpu.memory_space<vmem>>)
      tpu.yield
    }) : () -> ()
    %iota3A = tpu.iota {dimensions = array<i32: 0>} : vector<16xi32>
    %mul3A_3 = arith.constant 200 : i32
    %mul3A_4 = vector.broadcast %mul3A_3 : i32 to vector<16xi32>
    %mul3A_5 = arith.muli %iota3A, %mul3A_4 : vector<16xi32>
    %add3A_6 = arith.constant 0 : i32
    %add3A_7 = vector.broadcast %add3A_6 : i32 to vector<16xi32>
    %add3A_8 = arith.addi %mul3A_5, %add3A_7 : vector<16xi32>
    %mul3A_9 = arith.constant 200 : i32
    %mul3A_10 = vector.broadcast %mul3A_9 : i32 to vector<16xi32>
    %mul3A_11 = arith.muli %iota3A, %mul3A_10 : vector<16xi32>
    %add3A_12 = arith.constant 3200 : i32
    %add3A_13 = vector.broadcast %add3A_12 : i32 to vector<16xi32>
    %add3A_14 = arith.addi %mul3A_11, %add3A_13 : vector<16xi32>
    %mul3A_15 = arith.constant 200 : i32
    %mul3A_16 = vector.broadcast %mul3A_15 : i32 to vector<16xi32>
    %mul3A_17 = arith.muli %iota3A, %mul3A_16 : vector<16xi32>
    %add3A_18 = arith.constant 6400 : i32
    %add3A_19 = vector.broadcast %add3A_18 : i32 to vector<16xi32>
    %add3A_20 = arith.addi %mul3A_17, %add3A_19 : vector<16xi32>
    %mul3A_21 = arith.constant 200 : i32
    %mul3A_22 = vector.broadcast %mul3A_21 : i32 to vector<16xi32>
    %mul3A_23 = arith.muli %iota3A, %mul3A_22 : vector<16xi32>
    %add3A_24 = arith.constant 9600 : i32
    %add3A_25 = vector.broadcast %add3A_24 : i32 to vector<16xi32>
    %add3A_26 = arith.addi %mul3A_23, %add3A_25 : vector<16xi32>
    %mul3A_27 = arith.constant 200 : i32
    %mul3A_28 = vector.broadcast %mul3A_27 : i32 to vector<16xi32>
    %mul3A_29 = arith.muli %iota3A, %mul3A_28 : vector<16xi32>
    %add3A_30 = arith.constant 12800 : i32
    %add3A_31 = vector.broadcast %add3A_30 : i32 to vector<16xi32>
    %add3A_32 = arith.addi %mul3A_29, %add3A_31 : vector<16xi32>
    %mul3A_33 = arith.constant 200 : i32
    %mul3A_34 = vector.broadcast %mul3A_33 : i32 to vector<16xi32>
    %mul3A_35 = arith.muli %iota3A, %mul3A_34 : vector<16xi32>
    %add3A_36 = arith.constant 16000 : i32
    %add3A_37 = vector.broadcast %add3A_36 : i32 to vector<16xi32>
    %add3A_38 = arith.addi %mul3A_35, %add3A_37 : vector<16xi32>
    %mul3A_39 = arith.constant 200 : i32
    %mul3A_40 = vector.broadcast %mul3A_39 : i32 to vector<16xi32>
    %mul3A_41 = arith.muli %iota3A, %mul3A_40 : vector<16xi32>
    %add3A_42 = arith.constant 19200 : i32
    %add3A_43 = vector.broadcast %add3A_42 : i32 to vector<16xi32>
    %add3A_44 = arith.addi %mul3A_41, %add3A_43 : vector<16xi32>
    %mul3A_45 = arith.constant 200 : i32
    %mul3A_46 = vector.broadcast %mul3A_45 : i32 to vector<16xi32>
    %mul3A_47 = arith.muli %iota3A, %mul3A_46 : vector<16xi32>
    %add3A_48 = arith.constant 22400 : i32
    %add3A_49 = vector.broadcast %add3A_48 : i32 to vector<16xi32>
    %add3A_50 = arith.addi %mul3A_47, %add3A_49 : vector<16xi32>
    %parallel_loop3A = arith.constant 0 : i32
    %parallel_loop3A_51 = arith.constant 200 : i32
    %parallel_loop3A_52 = arith.constant 1 : i32
    scf.for %parallel_loop3A_188 = %parallel_loop3A to %parallel_loop3A_51 step %parallel_loop3A_52  : i32 {
      %parallel_loop3A_189 = vector.broadcast %parallel_loop3A_188 : i32 to vector<16xi32>
      %parallel_loop3A_190 = arith.addi %add3A_8, %parallel_loop3A_189 : vector<16xi32>
      %parallel_loop3A_191 = tpu.vector_load_idx %arg5[%parallel_loop3A_190] : memref<25600xi32, #tpu.memory_space<vmem>>[vector<16xi32>], vector<16xi32>,
      %parallel_loop3A_192 = arith.constant 128 : i32
      %parallel_loop3A_193 = arith.muli %parallel_loop3A_188, %parallel_loop3A_192 : i32
      %parallel_loop3A_194 = arith.constant 0 : i32
      %parallel_loop3A_195 = arith.addi %parallel_loop3A_193, %parallel_loop3A_194 : i32
      %parallel_loop3A_196 = arith.index_cast %parallel_loop3A_195 : i32 to index
      %parallel_loop3A_197 = tpu.vector_load %arg6[%parallel_loop3A_196] {strides = array<i32>} : memref<25600xi32, #tpu.memory_space<vmem>>, vector<16xi32>,
      tpu.vector_store %arg6[%parallel_loop3A_196], %parallel_loop3A_191 {strides = array<i32>} : memref<25600xi32, #tpu.memory_space<vmem>>, vector<16xi32>,
      %parallel_loop3A_198 = vector.broadcast %parallel_loop3A_188 : i32 to vector<16xi32>
      %parallel_loop3A_199 = arith.addi %add3A_14, %parallel_loop3A_198 : vector<16xi32>
      %parallel_loop3A_200 = tpu.vector_load_idx %arg5[%parallel_loop3A_199] : memref<25600xi32, #tpu.memory_space<vmem>>[vector<16xi32>], vector<16xi32>,
      %parallel_loop3A_201 = arith.constant 128 : i32
      %parallel_loop3A_202 = arith.muli %parallel_loop3A_188, %parallel_loop3A_201 : i32
      %parallel_loop3A_203 = arith.constant 16 : i32
      %parallel_loop3A_204 = arith.addi %parallel_loop3A_202, %parallel_loop3A_203 : i32
      %parallel_loop3A_205 = arith.index_cast %parallel_loop3A_204 : i32 to index
      %parallel_loop3A_206 = tpu.vector_load %arg6[%parallel_loop3A_205] {strides = array<i32>} : memref<25600xi32, #tpu.memory_space<vmem>>, vector<16xi32>,
      tpu.vector_store %arg6[%parallel_loop3A_205], %parallel_loop3A_200 {strides = array<i32>} : memref<25600xi32, #tpu.memory_space<vmem>>, vector<16xi32>,
      %parallel_loop3A_207 = vector.broadcast %parallel_loop3A_188 : i32 to vector<16xi32>
      %parallel_loop3A_208 = arith.addi %add3A_20, %parallel_loop3A_207 : vector<16xi32>
      %parallel_loop3A_209 = tpu.vector_load_idx %arg5[%parallel_loop3A_208] : memref<25600xi32, #tpu.memory_space<vmem>>[vector<16xi32>], vector<16xi32>,
      %parallel_loop3A_210 = arith.constant 128 : i32
      %parallel_loop3A_211 = arith.muli %parallel_loop3A_188, %parallel_loop3A_210 : i32
      %parallel_loop3A_212 = arith.constant 32 : i32
      %parallel_loop3A_213 = arith.addi %parallel_loop3A_211, %parallel_loop3A_212 : i32
      %parallel_loop3A_214 = arith.index_cast %parallel_loop3A_213 : i32 to index
      %parallel_loop3A_215 = tpu.vector_load %arg6[%parallel_loop3A_214] {strides = array<i32>} : memref<25600xi32, #tpu.memory_space<vmem>>, vector<16xi32>,
      tpu.vector_store %arg6[%parallel_loop3A_214], %parallel_loop3A_209 {strides = array<i32>} : memref<25600xi32, #tpu.memory_space<vmem>>, vector<16xi32>,
      %parallel_loop3A_216 = vector.broadcast %parallel_loop3A_188 : i32 to vector<16xi32>
      %parallel_loop3A_217 = arith.addi %add3A_26, %parallel_loop3A_216 : vector<16xi32>
      %parallel_loop3A_218 = tpu.vector_load_idx %arg5[%parallel_loop3A_217] : memref<25600xi32, #tpu.memory_space<vmem>>[vector<16xi32>], vector<16xi32>,
      %parallel_loop3A_219 = arith.constant 128 : i32
      %parallel_loop3A_220 = arith.muli %parallel_loop3A_188, %parallel_loop3A_219 : i32
      %parallel_loop3A_221 = arith.constant 48 : i32
      %parallel_loop3A_222 = arith.addi %parallel_loop3A_220, %parallel_loop3A_221 : i32
      %parallel_loop3A_223 = arith.index_cast %parallel_loop3A_222 : i32 to index
      %parallel_loop3A_224 = tpu.vector_load %arg6[%parallel_loop3A_223] {strides = array<i32>} : memref<25600xi32, #tpu.memory_space<vmem>>, vector<16xi32>,
      tpu.vector_store %arg6[%parallel_loop3A_223], %parallel_loop3A_218 {strides = array<i32>} : memref<25600xi32, #tpu.memory_space<vmem>>, vector<16xi32>,
      %parallel_loop3A_225 = vector.broadcast %parallel_loop3A_188 : i32 to vector<16xi32>
      %parallel_loop3A_226 = arith.addi %add3A_32, %parallel_loop3A_225 : vector<16xi32>
      %parallel_loop3A_227 = tpu.vector_load_idx %arg5[%parallel_loop3A_226] : memref<25600xi32, #tpu.memory_space<vmem>>[vector<16xi32>], vector<16xi32>,
      %parallel_loop3A_228 = arith.constant 128 : i32
      %parallel_loop3A_229 = arith.muli %parallel_loop3A_188, %parallel_loop3A_228 : i32
      %parallel_loop3A_230 = arith.constant 64 : i32
      %parallel_loop3A_231 = arith.addi %parallel_loop3A_229, %parallel_loop3A_230 : i32
      %parallel_loop3A_232 = arith.index_cast %parallel_loop3A_231 : i32 to index
      %parallel_loop3A_233 = tpu.vector_load %arg6[%parallel_loop3A_232] {strides = array<i32>} : memref<25600xi32, #tpu.memory_space<vmem>>, vector<16xi32>,
      tpu.vector_store %arg6[%parallel_loop3A_232], %parallel_loop3A_227 {strides = array<i32>} : memref<25600xi32, #tpu.memory_space<vmem>>, vector<16xi32>,
      %parallel_loop3A_234 = vector.broadcast %parallel_loop3A_188 : i32 to vector<16xi32>
      %parallel_loop3A_235 = arith.addi %add3A_38, %parallel_loop3A_234 : vector<16xi32>
      %parallel_loop3A_236 = tpu.vector_load_idx %arg5[%parallel_loop3A_235] : memref<25600xi32, #tpu.memory_space<vmem>>[vector<16xi32>], vector<16xi32>,
      %parallel_loop3A_237 = arith.constant 128 : i32
      %parallel_loop3A_238 = arith.muli %parallel_loop3A_188, %parallel_loop3A_237 : i32
      %parallel_loop3A_239 = arith.constant 80 : i32
      %parallel_loop3A_240 = arith.addi %parallel_loop3A_238, %parallel_loop3A_239 : i32
      %parallel_loop3A_241 = arith.index_cast %parallel_loop3A_240 : i32 to index
      %parallel_loop3A_242 = tpu.vector_load %arg6[%parallel_loop3A_241] {strides = array<i32>} : memref<25600xi32, #tpu.memory_space<vmem>>, vector<16xi32>,
      tpu.vector_store %arg6[%parallel_loop3A_241], %parallel_loop3A_236 {strides = array<i32>} : memref<25600xi32, #tpu.memory_space<vmem>>, vector<16xi32>,
      %parallel_loop3A_243 = vector.broadcast %parallel_loop3A_188 : i32 to vector<16xi32>
      %parallel_loop3A_244 = arith.addi %add3A_44, %parallel_loop3A_243 : vector<16xi32>
      %parallel_loop3A_245 = tpu.vector_load_idx %arg5[%parallel_loop3A_244] : memref<25600xi32, #tpu.memory_space<vmem>>[vector<16xi32>], vector<16xi32>,
      %parallel_loop3A_246 = arith.constant 128 : i32
      %parallel_loop3A_247 = arith.muli %parallel_loop3A_188, %parallel_loop3A_246 : i32
      %parallel_loop3A_248 = arith.constant 96 : i32
      %parallel_loop3A_249 = arith.addi %parallel_loop3A_247, %parallel_loop3A_248 : i32
      %parallel_loop3A_250 = arith.index_cast %parallel_loop3A_249 : i32 to index
      %parallel_loop3A_251 = tpu.vector_load %arg6[%parallel_loop3A_250] {strides = array<i32>} : memref<25600xi32, #tpu.memory_space<vmem>>, vector<16xi32>,
      tpu.vector_store %arg6[%parallel_loop3A_250], %parallel_loop3A_245 {strides = array<i32>} : memref<25600xi32, #tpu.memory_space<vmem>>, vector<16xi32>,
      %parallel_loop3A_252 = vector.broadcast %parallel_loop3A_188 : i32 to vector<16xi32>
      %parallel_loop3A_253 = arith.addi %add3A_50, %parallel_loop3A_252 : vector<16xi32>
      %parallel_loop3A_254 = tpu.vector_load_idx %arg5[%parallel_loop3A_253] : memref<25600xi32, #tpu.memory_space<vmem>>[vector<16xi32>], vector<16xi32>,
      %parallel_loop3A_255 = arith.constant 128 : i32
      %parallel_loop3A_256 = arith.muli %parallel_loop3A_188, %parallel_loop3A_255 : i32
      %parallel_loop3A_257 = arith.constant 112 : i32
      %parallel_loop3A_258 = arith.addi %parallel_loop3A_256, %parallel_loop3A_257 : i32
      %parallel_loop3A_259 = arith.index_cast %parallel_loop3A_258 : i32 to index
      %parallel_loop3A_260 = tpu.vector_load %arg6[%parallel_loop3A_259] {strides = array<i32>} : memref<25600xi32, #tpu.memory_space<vmem>>, vector<16xi32>,
      tpu.vector_store %arg6[%parallel_loop3A_259], %parallel_loop3A_254 {strides = array<i32>} : memref<25600xi32, #tpu.memory_space<vmem>>, vector<16xi32>,
    } {sc.loop_unroll_factor = 2 : i64, sc.parallel_access}
    %get3A = arith.constant 0 : index
    %get3A_53 = tpu.vector_load %arg6[%get3A] {strides = array<i32>} : memref<25600xi32, #tpu.memory_space<vmem>>, vector<16xi32>,
    %shift_right_logical3A = arith.constant 1 : i32
    %shift_right_logical3A_54 = vector.broadcast %shift_right_logical3A : i32 to vector<16xi32>
    %shift_right_logical3A_55 = arith.shrui %get3A_53, %shift_right_logical3A_54 : vector<16xi32>
    %swap3A = arith.constant 0 : index
    %swap3A_56 = tpu.vector_load %arg7[%swap3A] {strides = array<i32>} : memref<128xi32, #tpu.memory_space<vmem>>, vector<16xi32>,
    tpu.vector_store %arg7[%swap3A], %shift_right_logical3A_55 {strides = array<i32>} : memref<128xi32, #tpu.memory_space<vmem>>, vector<16xi32>,
    %get3A_57 = arith.constant 16 : index
    %get3A_58 = tpu.vector_load %arg6[%get3A_57] {strides = array<i32>} : memref<25600xi32, #tpu.memory_space<vmem>>, vector<16xi32>,
    %shift_right_logical3A_59 = arith.constant 1 : i32
    %shift_right_logical3A_60 = vector.broadcast %shift_right_logical3A_59 : i32 to vector<16xi32>
    %shift_right_logical3A_61 = arith.shrui %get3A_58, %shift_right_logical3A_60 : vector<16xi32>
    %swap3A_62 = arith.constant 16 : index
    %swap3A_63 = tpu.vector_load %arg7[%swap3A_62] {strides = array<i32>} : memref<128xi32, #tpu.memory_space<vmem>>, vector<16xi32>,
    tpu.vector_store %arg7[%swap3A_62], %shift_right_logical3A_61 {strides = array<i32>} : memref<128xi32, #tpu.memory_space<vmem>>, vector<16xi32>,
    %get3A_64 = arith.constant 32 : index
    %get3A_65 = tpu.vector_load %arg6[%get3A_64] {strides = array<i32>} : memref<25600xi32, #tpu.memory_space<vmem>>, vector<16xi32>,
    %shift_right_logical3A_66 = arith.constant 1 : i32
    %shift_right_logical3A_67 = vector.broadcast %shift_right_logical3A_66 : i32 to vector<16xi32>
    %shift_right_logical3A_68 = arith.shrui %get3A_65, %shift_right_logical3A_67 : vector<16xi32>
    %swap3A_69 = arith.constant 32 : index
    %swap3A_70 = tpu.vector_load %arg7[%swap3A_69] {strides = array<i32>} : memref<128xi32, #tpu.memory_space<vmem>>, vector<16xi32>,
    tpu.vector_store %arg7[%swap3A_69], %shift_right_logical3A_68 {strides = array<i32>} : memref<128xi32, #tpu.memory_space<vmem>>, vector<16xi32>,
    %get3A_71 = arith.constant 48 : index
    %get3A_72 = tpu.vector_load %arg6[%get3A_71] {strides = array<i32>} : memref<25600xi32, #tpu.memory_space<vmem>>, vector<16xi32>,
    %shift_right_logical3A_73 = arith.constant 1 : i32
    %shift_right_logical3A_74 = vector.broadcast %shift_right_logical3A_73 : i32 to vector<16xi32>
    %shift_right_logical3A_75 = arith.shrui %get3A_72, %shift_right_logical3A_74 : vector<16xi32>
    %swap3A_76 = arith.constant 48 : index
    %swap3A_77 = tpu.vector_load %arg7[%swap3A_76] {strides = array<i32>} : memref<128xi32, #tpu.memory_space<vmem>>, vector<16xi32>,
    tpu.vector_store %arg7[%swap3A_76], %shift_right_logical3A_75 {strides = array<i32>} : memref<128xi32, #tpu.memory_space<vmem>>, vector<16xi32>,
    %get3A_78 = arith.constant 64 : index
    %get3A_79 = tpu.vector_load %arg6[%get3A_78] {strides = array<i32>} : memref<25600xi32, #tpu.memory_space<vmem>>, vector<16xi32>,
    %shift_right_logical3A_80 = arith.constant 1 : i32
    %shift_right_logical3A_81 = vector.broadcast %shift_right_logical3A_80 : i32 to vector<16xi32>
    %shift_right_logical3A_82 = arith.shrui %get3A_79, %shift_right_logical3A_81 : vector<16xi32>
    %swap3A_83 = arith.constant 64 : index
    %swap3A_84 = tpu.vector_load %arg7[%swap3A_83] {strides = array<i32>} : memref<128xi32, #tpu.memory_space<vmem>>, vector<16xi32>,
    tpu.vector_store %arg7[%swap3A_83], %shift_right_logical3A_82 {strides = array<i32>} : memref<128xi32, #tpu.memory_space<vmem>>, vector<16xi32>,
    %get3A_85 = arith.constant 80 : index
    %get3A_86 = tpu.vector_load %arg6[%get3A_85] {strides = array<i32>} : memref<25600xi32, #tpu.memory_space<vmem>>, vector<16xi32>,
    %shift_right_logical3A_87 = arith.constant 1 : i32
    %shift_right_logical3A_88 = vector.broadcast %shift_right_logical3A_87 : i32 to vector<16xi32>
    %shift_right_logical3A_89 = arith.shrui %get3A_86, %shift_right_logical3A_88 : vector<16xi32>
    %swap3A_90 = arith.constant 80 : index
    %swap3A_91 = tpu.vector_load %arg7[%swap3A_90] {strides = array<i32>} : memref<128xi32, #tpu.memory_space<vmem>>, vector<16xi32>,
    tpu.vector_store %arg7[%swap3A_90], %shift_right_logical3A_89 {strides = array<i32>} : memref<128xi32, #tpu.memory_space<vmem>>, vector<16xi32>,
    %get3A_92 = arith.constant 96 : index
    %get3A_93 = tpu.vector_load %arg6[%get3A_92] {strides = array<i32>} : memref<25600xi32, #tpu.memory_space<vmem>>, vector<16xi32>,
    %shift_right_logical3A_94 = arith.constant 1 : i32
    %shift_right_logical3A_95 = vector.broadcast %shift_right_logical3A_94 : i32 to vector<16xi32>
    %shift_right_logical3A_96 = arith.shrui %get3A_93, %shift_right_logical3A_95 : vector<16xi32>
    %swap3A_97 = arith.constant 96 : index
    %swap3A_98 = tpu.vector_load %arg7[%swap3A_97] {strides = array<i32>} : memref<128xi32, #tpu.memory_space<vmem>>, vector<16xi32>,
    tpu.vector_store %arg7[%swap3A_97], %shift_right_logical3A_96 {strides = array<i32>} : memref<128xi32, #tpu.memory_space<vmem>>, vector<16xi32>,
    %get3A_99 = arith.constant 112 : index
    %get3A_100 = tpu.vector_load %arg6[%get3A_99] {strides = array<i32>} : memref<25600xi32, #tpu.memory_space<vmem>>, vector<16xi32>,
    %shift_right_logical3A_101 = arith.constant 1 : i32
    %shift_right_logical3A_102 = vector.broadcast %shift_right_logical3A_101 : i32 to vector<16xi32>
    %shift_right_logical3A_103 = arith.shrui %get3A_100, %shift_right_logical3A_102 : vector<16xi32>
    %swap3A_104 = arith.constant 112 : index
    %swap3A_105 = tpu.vector_load %arg7[%swap3A_104] {strides = array<i32>} : memref<128xi32, #tpu.memory_space<vmem>>, vector<16xi32>,
    tpu.vector_store %arg7[%swap3A_104], %shift_right_logical3A_103 {strides = array<i32>} : memref<128xi32, #tpu.memory_space<vmem>>, vector<16xi32>,
    %dma_start3A = arith.constant 0 : i32
    %dma_start3A_106 = arith.constant 0 : i32
    %dma_start3A_107 = tpu.memref_slice %arg3[%dma_start3A, %dma_start3A_106] : memref<500000x128xf32, #tpu.memory_space<hbm>> -> memref<500000x128xf32, #tpu.memory_space<hbm>>
    tpu.enqueue_indirect_dma source(%dma_start3A_107 : memref<500000x128xf32, #tpu.memory_space<hbm>>) target(%arg9 : memref<128x128xf32, #tpu.memory_space<vmem>>) offsets(%arg7 : memref<128xi32, #tpu.memory_space<vmem>>) semaphore(%arg13 : memref<!tpu.dma_semaphore, #tpu.memory_space<semaphore_mem>>)
    %get3A_108 = arith.constant 128 : index
    %get3A_109 = tpu.vector_load %arg6[%get3A_108] {strides = array<i32>} : memref<25600xi32, #tpu.memory_space<vmem>>, vector<16xi32>,
    %shift_right_logical3A_110 = arith.constant 1 : i32
    %shift_right_logical3A_111 = vector.broadcast %shift_right_logical3A_110 : i32 to vector<16xi32>
    %shift_right_logical3A_112 = arith.shrui %get3A_109, %shift_right_logical3A_111 : vector<16xi32>
    %swap3A_113 = arith.constant 0 : index
    %swap3A_114 = tpu.vector_load %arg8[%swap3A_113] {strides = array<i32>} : memref<128xi32, #tpu.memory_space<vmem>>, vector<16xi32>,
    tpu.vector_store %arg8[%swap3A_113], %shift_right_logical3A_112 {strides = array<i32>} : memref<128xi32, #tpu.memory_space<vmem>>, vector<16xi32>,
    %get3A_115 = arith.constant 144 : index
    %get3A_116 = tpu.vector_load %arg6[%get3A_115] {strides = array<i32>} : memref<25600xi32, #tpu.memory_space<vmem>>, vector<16xi32>,
    %shift_right_logical3A_117 = arith.constant 1 : i32
    %shift_right_logical3A_118 = vector.broadcast %shift_right_logical3A_117 : i32 to vector<16xi32>
    %shift_right_logical3A_119 = arith.shrui %get3A_116, %shift_right_logical3A_118 : vector<16xi32>
    %swap3A_120 = arith.constant 16 : index
    %swap3A_121 = tpu.vector_load %arg8[%swap3A_120] {strides = array<i32>} : memref<128xi32, #tpu.memory_space<vmem>>, vector<16xi32>,
    tpu.vector_store %arg8[%swap3A_120], %shift_right_logical3A_119 {strides = array<i32>} : memref<128xi32, #tpu.memory_space<vmem>>, vector<16xi32>,
    %get3A_122 = arith.constant 160 : index
    %get3A_123 = tpu.vector_load %arg6[%get3A_122] {strides = array<i32>} : memref<25600xi32, #tpu.memory_space<vmem>>, vector<16xi32>,
    %shift_right_logical3A_124 = arith.constant 1 : i32
    %shift_right_logical3A_125 = vector.broadcast %shift_right_logical3A_124 : i32 to vector<16xi32>
    %shift_right_logical3A_126 = arith.shrui %get3A_123, %shift_right_logical3A_125 : vector<16xi32>
    %swap3A_127 = arith.constant 32 : index
    %swap3A_128 = tpu.vector_load %arg8[%swap3A_127] {strides = array<i32>} : memref<128xi32, #tpu.memory_space<vmem>>, vector<16xi32>,
    tpu.vector_store %arg8[%swap3A_127], %shift_right_logical3A_126 {strides = array<i32>} : memref<128xi32, #tpu.memory_space<vmem>>, vector<16xi32>,
    %get3A_129 = arith.constant 176 : index
    %get3A_130 = tpu.vector_load %arg6[%get3A_129] {strides = array<i32>} : memref<25600xi32, #tpu.memory_space<vmem>>, vector<16xi32>,
    %shift_right_logical3A_131 = arith.constant 1 : i32
    %shift_right_logical3A_132 = vector.broadcast %shift_right_logical3A_131 : i32 to vector<16xi32>
    %shift_right_logical3A_133 = arith.shrui %get3A_130, %shift_right_logical3A_132 : vector<16xi32>
    %swap3A_134 = arith.constant 48 : index
    %swap3A_135 = tpu.vector_load %arg8[%swap3A_134] {strides = array<i32>} : memref<128xi32, #tpu.memory_space<vmem>>, vector<16xi32>,
    tpu.vector_store %arg8[%swap3A_134], %shift_right_logical3A_133 {strides = array<i32>} : memref<128xi32, #tpu.memory_space<vmem>>, vector<16xi32>,
    %get3A_136 = arith.constant 192 : index
    %get3A_137 = tpu.vector_load %arg6[%get3A_136] {strides = array<i32>} : memref<25600xi32, #tpu.memory_space<vmem>>, vector<16xi32>,
    %shift_right_logical3A_138 = arith.constant 1 : i32
    %shift_right_logical3A_139 = vector.broadcast %shift_right_logical3A_138 : i32 to vector<16xi32>
    %shift_right_logical3A_140 = arith.shrui %get3A_137, %shift_right_logical3A_139 : vector<16xi32>
    %swap3A_141 = arith.constant 64 : index
    %swap3A_142 = tpu.vector_load %arg8[%swap3A_141] {strides = array<i32>} : memref<128xi32, #tpu.memory_space<vmem>>, vector<16xi32>,
    tpu.vector_store %arg8[%swap3A_141], %shift_right_logical3A_140 {strides = array<i32>} : memref<128xi32, #tpu.memory_space<vmem>>, vector<16xi32>,
    %get3A_143 = arith.constant 208 : index
    %get3A_144 = tpu.vector_load %arg6[%get3A_143] {strides = array<i32>} : memref<25600xi32, #tpu.memory_space<vmem>>, vector<16xi32>,
    %shift_right_logical3A_145 = arith.constant 1 : i32
    %shift_right_logical3A_146 = vector.broadcast %shift_right_logical3A_145 : i32 to vector<16xi32>
    %shift_right_logical3A_147 = arith.shrui %get3A_144, %shift_right_logical3A_146 : vector<16xi32>
    %swap3A_148 = arith.constant 80 : index
    %swap3A_149 = tpu.vector_load %arg8[%swap3A_148] {strides = array<i32>} : memref<128xi32, #tpu.memory_space<vmem>>, vector<16xi32>,
    tpu.vector_store %arg8[%swap3A_148], %shift_right_logical3A_147 {strides = array<i32>} : memref<128xi32, #tpu.memory_space<vmem>>, vector<16xi32>,
    %get3A_150 = arith.constant 224 : index
    %get3A_151 = tpu.vector_load %arg6[%get3A_150] {strides = array<i32>} : memref<25600xi32, #tpu.memory_space<vmem>>, vector<16xi32>,
    %shift_right_logical3A_152 = arith.constant 1 : i32
    %shift_right_logical3A_153 = vector.broadcast %shift_right_logical3A_152 : i32 to vector<16xi32>
    %shift_right_logical3A_154 = arith.shrui %get3A_151, %shift_right_logical3A_153 : vector<16xi32>
    %swap3A_155 = arith.constant 96 : index
    %swap3A_156 = tpu.vector_load %arg8[%swap3A_155] {strides = array<i32>} : memref<128xi32, #tpu.memory_space<vmem>>, vector<16xi32>,
    tpu.vector_store %arg8[%swap3A_155], %shift_right_logical3A_154 {strides = array<i32>} : memref<128xi32, #tpu.memory_space<vmem>>, vector<16xi32>,
    %get3A_157 = arith.constant 240 : index
    %get3A_158 = tpu.vector_load %arg6[%get3A_157] {strides = array<i32>} : memref<25600xi32, #tpu.memory_space<vmem>>, vector<16xi32>,
    %shift_right_logical3A_159 = arith.constant 1 : i32
    %shift_right_logical3A_160 = vector.broadcast %shift_right_logical3A_159 : i32 to vector<16xi32>
    %shift_right_logical3A_161 = arith.shrui %get3A_158, %shift_right_logical3A_160 : vector<16xi32>
    %swap3A_162 = arith.constant 112 : index
    %swap3A_163 = tpu.vector_load %arg8[%swap3A_162] {strides = array<i32>} : memref<128xi32, #tpu.memory_space<vmem>>, vector<16xi32>,
    tpu.vector_store %arg8[%swap3A_162], %shift_right_logical3A_161 {strides = array<i32>} : memref<128xi32, #tpu.memory_space<vmem>>, vector<16xi32>,
    %dma_start3A_164 = arith.constant 0 : i32
    %dma_start3A_165 = arith.constant 0 : i32
    %dma_start3A_166 = tpu.memref_slice %arg3[%dma_start3A_164, %dma_start3A_165] : memref<500000x128xf32, #tpu.memory_space<hbm>> -> memref<500000x128xf32, #tpu.memory_space<hbm>>
    tpu.enqueue_indirect_dma source(%dma_start3A_166 : memref<500000x128xf32, #tpu.memory_space<hbm>>) target(%arg10 : memref<128x128xf32, #tpu.memory_space<vmem>>) offsets(%arg8 : memref<128xi32, #tpu.memory_space<vmem>>) semaphore(%arg14 : memref<!tpu.dma_semaphore, #tpu.memory_space<semaphore_mem>>)
    %scan3A = arith.constant 0 : i32
    %scan3A_167 = arith.constant 100 : i32
    %scan3A_168 = arith.addi %scan3A, %scan3A_167 : i32
    %scan3A_169 = arith.constant 1 : i32
    scf.for %scan3A_188 = %scan3A to %scan3A_168 step %scan3A_169  : i32 {
      %mul3A_189 = arith.constant 1 : i32
      %mul3A_190 = arith.muli %scan3A_188, %mul3A_189 : i32
      %add3A_191 = arith.constant 0 : i32
      %add3A_192 = arith.addi %add3A_191, %mul3A_190 : i32
      %mul3A_193 = arith.constant 2 : i32
      %mul3A_194 = arith.muli %mul3A_193, %add3A_192 : i32
      %add3A_195 = arith.constant 1 : i32
      %add3A_196 = arith.addi %mul3A_194, %add3A_195 : i32
      %dma_wait3A_197 = arith.constant 0 : i32
      %dma_wait3A_198 = arith.constant 0 : i32
      %dma_wait3A_199 = tpu.memref_slice %arg3[%dma_wait3A_197, %dma_wait3A_198] : memref<500000x128xf32, #tpu.memory_space<hbm>> -> memref<500000x128xf32, #tpu.memory_space<hbm>>
      tpu.wait_indirect_dma semaphore(%arg13 : memref<!tpu.dma_semaphore, #tpu.memory_space<semaphore_mem>>) src(%dma_wait3A_199 : memref<500000x128xf32, #tpu.memory_space<hbm>>) dst(%arg9 : memref<128x128xf32, #tpu.memory_space<vmem>>)
      %gt3A = arith.constant 0 : i32
      %gt3A_200 = arith.cmpi sgt, %add3A_192, %gt3A : i32
      %convert_element_type3A = arith.extui %gt3A_200 : i1 to i32
      %cond3A = arith.constant 0 : i32
      %cond3A_201 = arith.cmpi ne, %convert_element_type3A, %cond3A : i32
      scf.if %cond3A_201 {
        %sub3A = arith.constant 2 : i32
        %sub3A_528 = arith.subi %mul3A_194, %sub3A : i32
        %mul3A_529 = arith.constant 128 : i32
        %mul3A_530 = arith.muli %add3A, %mul3A_529 : i32
        %dma_wait3A_531 = arith.constant 0 : i32
        %dma_wait3A_532 = tpu.memref_slice %arg4[%sub3A_528, %dma_wait3A_531, %mul3A_530] : memref<200x64x4096xf32, #tpu.memory_space<hbm>> -> memref<1x64x128xf32, #tpu.memory_space<hbm>>
        %dma_wait3A_533 = tpu.memref_squeeze %dma_wait3A_532 : memref<1x64x128xf32, #tpu.memory_space<hbm>> -> memref<64x128xf32, #tpu.memory_space<hbm>>
        %dma_wait3A_534 = arith.constant 0 : i32
        %dma_wait3A_535 = tpu.memref_slice %arg4[%sub3A_528, %dma_wait3A_534, %mul3A_530] : memref<200x64x4096xf32, #tpu.memory_space<hbm>> -> memref<1x64x128xf32, #tpu.memory_space<hbm>>
        %dma_wait3A_536 = tpu.memref_squeeze %dma_wait3A_535 : memref<1x64x128xf32, #tpu.memory_space<hbm>> -> memref<64x128xf32, #tpu.memory_space<hbm>>
        tpu.wait_dma2 semaphore(%arg15 : memref<!tpu.dma_semaphore, #tpu.memory_space<semaphore_mem>>) src(%arg11 : memref<64x128xf32, #tpu.memory_space<vmem>>) dst(%dma_wait3A_536 : memref<64x128xf32, #tpu.memory_space<hbm>>)
      } else {
      }
      %add3A_202 = arith.constant 0 : i32
      %add3A_203 = vector.broadcast %add3A_202 : i32 to vector<16xi32>
      %add3A_204 = arith.addi %iota3A, %add3A_203 : vector<16xi32>
      %add3A_205 = arith.constant 16 : i32
      %add3A_206 = vector.broadcast %add3A_205 : i32 to vector<16xi32>
      %add3A_207 = arith.addi %iota3A, %add3A_206 : vector<16xi32>
      %add3A_208 = arith.constant 32 : i32
      %add3A_209 = vector.broadcast %add3A_208 : i32 to vector<16xi32>
      %add3A_210 = arith.addi %iota3A, %add3A_209 : vector<16xi32>
      %add3A_211 = arith.constant 48 : i32
      %add3A_212 = vector.broadcast %add3A_211 : i32 to vector<16xi32>
      %add3A_213 = arith.addi %iota3A, %add3A_212 : vector<16xi32>
      %add3A_214 = arith.constant 64 : i32
      %add3A_215 = vector.broadcast %add3A_214 : i32 to vector<16xi32>
      %add3A_216 = arith.addi %iota3A, %add3A_215 : vector<16xi32>
      %add3A_217 = arith.constant 80 : i32
      %add3A_218 = vector.broadcast %add3A_217 : i32 to vector<16xi32>
      %add3A_219 = arith.addi %iota3A, %add3A_218 : vector<16xi32>
      %add3A_220 = arith.constant 96 : i32
      %add3A_221 = vector.broadcast %add3A_220 : i32 to vector<16xi32>
      %add3A_222 = arith.addi %iota3A, %add3A_221 : vector<16xi32>
      %add3A_223 = arith.constant 112 : i32
      %add3A_224 = vector.broadcast %add3A_223 : i32 to vector<16xi32>
      %add3A_225 = arith.addi %iota3A, %add3A_224 : vector<16xi32>
      %add3A_226 = arith.constant 0 : i32
      %add3A_227 = vector.broadcast %add3A_226 : i32 to vector<16xi32>
      %add3A_228 = arith.addi %iota3A, %add3A_227 : vector<16xi32>
      %add3A_229 = arith.constant 16 : i32
      %add3A_230 = vector.broadcast %add3A_229 : i32 to vector<16xi32>
      %add3A_231 = arith.addi %iota3A, %add3A_230 : vector<16xi32>
      %add3A_232 = arith.constant 32 : i32
      %add3A_233 = vector.broadcast %add3A_232 : i32 to vector<16xi32>
      %add3A_234 = arith.addi %iota3A, %add3A_233 : vector<16xi32>
      %add3A_235 = arith.constant 48 : i32
      %add3A_236 = vector.broadcast %add3A_235 : i32 to vector<16xi32>
      %add3A_237 = arith.addi %iota3A, %add3A_236 : vector<16xi32>
      %add3A_238 = arith.constant 64 : i32
      %add3A_239 = vector.broadcast %add3A_238 : i32 to vector<16xi32>
      %add3A_240 = arith.addi %iota3A, %add3A_239 : vector<16xi32>
      %add3A_241 = arith.constant 80 : i32
      %add3A_242 = vector.broadcast %add3A_241 : i32 to vector<16xi32>
      %add3A_243 = arith.addi %iota3A, %add3A_242 : vector<16xi32>
      %add3A_244 = arith.constant 96 : i32
      %add3A_245 = vector.broadcast %add3A_244 : i32 to vector<16xi32>
      %add3A_246 = arith.addi %iota3A, %add3A_245 : vector<16xi32>
      %add3A_247 = arith.constant 112 : i32
      %add3A_248 = vector.broadcast %add3A_247 : i32 to vector<16xi32>
      %add3A_249 = arith.addi %iota3A, %add3A_248 : vector<16xi32>
      %mul3A_250 = arith.constant 128 : i32
      %mul3A_251 = arith.muli %mul3A_194, %mul3A_250 : i32
      %add3A_252 = arith.constant 0 : i32
      %add3A_253 = arith.addi %mul3A_251, %add3A_252 : i32
      %get3A_254 = arith.index_cast %add3A_253 : i32 to index
      %get3A_255 = tpu.vector_load %arg6[%get3A_254] {strides = array<i32>} : memref<25600xi32, #tpu.memory_space<vmem>>, vector<16xi32>,
      %and3A = arith.constant 1 : i32
      %and3A_256 = vector.broadcast %and3A : i32 to vector<16xi32>
      %and3A_257 = arith.andi %get3A_255, %and3A_256 : vector<16xi32>
      %mul3A_258 = arith.constant 64 : i32
      %mul3A_259 = vector.broadcast %mul3A_258 : i32 to vector<16xi32>
      %mul3A_260 = arith.muli %and3A_257, %mul3A_259 : vector<16xi32>
      %mul3A_261 = arith.constant 128 : i32
      %mul3A_262 = arith.muli %mul3A_194, %mul3A_261 : i32
      %add3A_263 = arith.constant 16 : i32
      %add3A_264 = arith.addi %mul3A_262, %add3A_263 : i32
      %get3A_265 = arith.index_cast %add3A_264 : i32 to index
      %get3A_266 = tpu.vector_load %arg6[%get3A_265] {strides = array<i32>} : memref<25600xi32, #tpu.memory_space<vmem>>, vector<16xi32>,
      %and3A_267 = arith.constant 1 : i32
      %and3A_268 = vector.broadcast %and3A_267 : i32 to vector<16xi32>
      %and3A_269 = arith.andi %get3A_266, %and3A_268 : vector<16xi32>
      %mul3A_270 = arith.constant 64 : i32
      %mul3A_271 = vector.broadcast %mul3A_270 : i32 to vector<16xi32>
      %mul3A_272 = arith.muli %and3A_269, %mul3A_271 : vector<16xi32>
      %mul3A_273 = arith.constant 128 : i32
      %mul3A_274 = arith.muli %mul3A_194, %mul3A_273 : i32
      %add3A_275 = arith.constant 32 : i32
      %add3A_276 = arith.addi %mul3A_274, %add3A_275 : i32
      %get3A_277 = arith.index_cast %add3A_276 : i32 to index
      %get3A_278 = tpu.vector_load %arg6[%get3A_277] {strides = array<i32>} : memref<25600xi32, #tpu.memory_space<vmem>>, vector<16xi32>,
      %and3A_279 = arith.constant 1 : i32
      %and3A_280 = vector.broadcast %and3A_279 : i32 to vector<16xi32>
      %and3A_281 = arith.andi %get3A_278, %and3A_280 : vector<16xi32>
      %mul3A_282 = arith.constant 64 : i32
      %mul3A_283 = vector.broadcast %mul3A_282 : i32 to vector<16xi32>
      %mul3A_284 = arith.muli %and3A_281, %mul3A_283 : vector<16xi32>
      %mul3A_285 = arith.constant 128 : i32
      %mul3A_286 = arith.muli %mul3A_194, %mul3A_285 : i32
      %add3A_287 = arith.constant 48 : i32
      %add3A_288 = arith.addi %mul3A_286, %add3A_287 : i32
      %get3A_289 = arith.index_cast %add3A_288 : i32 to index
      %get3A_290 = tpu.vector_load %arg6[%get3A_289] {strides = array<i32>} : memref<25600xi32, #tpu.memory_space<vmem>>, vector<16xi32>,
      %and3A_291 = arith.constant 1 : i32
      %and3A_292 = vector.broadcast %and3A_291 : i32 to vector<16xi32>
      %and3A_293 = arith.andi %get3A_290, %and3A_292 : vector<16xi32>
      %mul3A_294 = arith.constant 64 : i32
      %mul3A_295 = vector.broadcast %mul3A_294 : i32 to vector<16xi32>
      %mul3A_296 = arith.muli %and3A_293, %mul3A_295 : vector<16xi32>
      %mul3A_297 = arith.constant 128 : i32
      %mul3A_298 = arith.muli %mul3A_194, %mul3A_297 : i32
      %add3A_299 = arith.constant 64 : i32
      %add3A_300 = arith.addi %mul3A_298, %add3A_299 : i32
      %get3A_301 = arith.index_cast %add3A_300 : i32 to index
      %get3A_302 = tpu.vector_load %arg6[%get3A_301] {strides = array<i32>} : memref<25600xi32, #tpu.memory_space<vmem>>, vector<16xi32>,
      %and3A_303 = arith.constant 1 : i32
      %and3A_304 = vector.broadcast %and3A_303 : i32 to vector<16xi32>
      %and3A_305 = arith.andi %get3A_302, %and3A_304 : vector<16xi32>
      %mul3A_306 = arith.constant 64 : i32
      %mul3A_307 = vector.broadcast %mul3A_306 : i32 to vector<16xi32>
      %mul3A_308 = arith.muli %and3A_305, %mul3A_307 : vector<16xi32>
      %mul3A_309 = arith.constant 128 : i32
      %mul3A_310 = arith.muli %mul3A_194, %mul3A_309 : i32
      %add3A_311 = arith.constant 80 : i32
      %add3A_312 = arith.addi %mul3A_310, %add3A_311 : i32
      %get3A_313 = arith.index_cast %add3A_312 : i32 to index
      %get3A_314 = tpu.vector_load %arg6[%get3A_313] {strides = array<i32>} : memref<25600xi32, #tpu.memory_space<vmem>>, vector<16xi32>,
      %and3A_315 = arith.constant 1 : i32
      %and3A_316 = vector.broadcast %and3A_315 : i32 to vector<16xi32>
      %and3A_317 = arith.andi %get3A_314, %and3A_316 : vector<16xi32>
      %mul3A_318 = arith.constant 64 : i32
      %mul3A_319 = vector.broadcast %mul3A_318 : i32 to vector<16xi32>
      %mul3A_320 = arith.muli %and3A_317, %mul3A_319 : vector<16xi32>
      %mul3A_321 = arith.constant 128 : i32
      %mul3A_322 = arith.muli %mul3A_194, %mul3A_321 : i32
      %add3A_323 = arith.constant 96 : i32
      %add3A_324 = arith.addi %mul3A_322, %add3A_323 : i32
      %get3A_325 = arith.index_cast %add3A_324 : i32 to index
      %get3A_326 = tpu.vector_load %arg6[%get3A_325] {strides = array<i32>} : memref<25600xi32, #tpu.memory_space<vmem>>, vector<16xi32>,
      %and3A_327 = arith.constant 1 : i32
      %and3A_328 = vector.broadcast %and3A_327 : i32 to vector<16xi32>
      %and3A_329 = arith.andi %get3A_326, %and3A_328 : vector<16xi32>
      %mul3A_330 = arith.constant 64 : i32
      %mul3A_331 = vector.broadcast %mul3A_330 : i32 to vector<16xi32>
      %mul3A_332 = arith.muli %and3A_329, %mul3A_331 : vector<16xi32>
      %mul3A_333 = arith.constant 128 : i32
      %mul3A_334 = arith.muli %mul3A_194, %mul3A_333 : i32
      %add3A_335 = arith.constant 112 : i32
      %add3A_336 = arith.addi %mul3A_334, %add3A_335 : i32
      %get3A_337 = arith.index_cast %add3A_336 : i32 to index
      %get3A_338 = tpu.vector_load %arg6[%get3A_337] {strides = array<i32>} : memref<25600xi32, #tpu.memory_space<vmem>>, vector<16xi32>,
      %and3A_339 = arith.constant 1 : i32
      %and3A_340 = vector.broadcast %and3A_339 : i32 to vector<16xi32>
      %and3A_341 = arith.andi %get3A_338, %and3A_340 : vector<16xi32>
      %mul3A_342 = arith.constant 64 : i32
      %mul3A_343 = vector.broadcast %mul3A_342 : i32 to vector<16xi32>
      %mul3A_344 = arith.muli %and3A_341, %mul3A_343 : vector<16xi32>
      %parallel_loop3A_345 = arith.constant 0 : i32
      %parallel_loop3A_346 = arith.constant 64 : i32
      %parallel_loop3A_347 = arith.constant 1 : i32
      scf.for %parallel_loop3A_528 = %parallel_loop3A_345 to %parallel_loop3A_346 step %parallel_loop3A_347  : i32 {
        %parallel_loop3A_529 = vector.broadcast %parallel_loop3A_528 : i32 to vector<16xi32>
        %parallel_loop3A_530 = arith.addi %parallel_loop3A_529, %iota3A : vector<16xi32>
        %parallel_loop3A_531 = arith.constant 63 : i32
        %parallel_loop3A_532 = vector.broadcast %parallel_loop3A_531 : i32 to vector<16xi32>
        %parallel_loop3A_533 = arith.andi %parallel_loop3A_530, %parallel_loop3A_532 : vector<16xi32>
        %parallel_loop3A_534 = arith.addi %mul3A_260, %parallel_loop3A_533 : vector<16xi32>
        %parallel_loop3A_535 = tpu.vector_load_idx %arg9[%add3A_204, %parallel_loop3A_534] : memref<128x128xf32, #tpu.memory_space<vmem>>[vector<16xi32>, vector<16xi32>], vector<16xf32>,
        tpu.vector_store_idx %arg11[%parallel_loop3A_533, %add3A_228], %parallel_loop3A_535 : memref<64x128xf32, #tpu.memory_space<vmem>>[vector<16xi32>, vector<16xi32>], vector<16xf32>,
        %parallel_loop3A_536 = arith.addi %mul3A_272, %parallel_loop3A_533 : vector<16xi32>
        %parallel_loop3A_537 = tpu.vector_load_idx %arg9[%add3A_207, %parallel_loop3A_536] : memref<128x128xf32, #tpu.memory_space<vmem>>[vector<16xi32>, vector<16xi32>], vector<16xf32>,
        tpu.vector_store_idx %arg11[%parallel_loop3A_533, %add3A_231], %parallel_loop3A_537 : memref<64x128xf32, #tpu.memory_space<vmem>>[vector<16xi32>, vector<16xi32>], vector<16xf32>,
        %parallel_loop3A_538 = arith.addi %mul3A_284, %parallel_loop3A_533 : vector<16xi32>
        %parallel_loop3A_539 = tpu.vector_load_idx %arg9[%add3A_210, %parallel_loop3A_538] : memref<128x128xf32, #tpu.memory_space<vmem>>[vector<16xi32>, vector<16xi32>], vector<16xf32>,
        tpu.vector_store_idx %arg11[%parallel_loop3A_533, %add3A_234], %parallel_loop3A_539 : memref<64x128xf32, #tpu.memory_space<vmem>>[vector<16xi32>, vector<16xi32>], vector<16xf32>,
        %parallel_loop3A_540 = arith.addi %mul3A_296, %parallel_loop3A_533 : vector<16xi32>
        %parallel_loop3A_541 = tpu.vector_load_idx %arg9[%add3A_213, %parallel_loop3A_540] : memref<128x128xf32, #tpu.memory_space<vmem>>[vector<16xi32>, vector<16xi32>], vector<16xf32>,
        tpu.vector_store_idx %arg11[%parallel_loop3A_533, %add3A_237], %parallel_loop3A_541 : memref<64x128xf32, #tpu.memory_space<vmem>>[vector<16xi32>, vector<16xi32>], vector<16xf32>,
        %parallel_loop3A_542 = arith.addi %mul3A_308, %parallel_loop3A_533 : vector<16xi32>
        %parallel_loop3A_543 = tpu.vector_load_idx %arg9[%add3A_216, %parallel_loop3A_542] : memref<128x128xf32, #tpu.memory_space<vmem>>[vector<16xi32>, vector<16xi32>], vector<16xf32>,
        tpu.vector_store_idx %arg11[%parallel_loop3A_533, %add3A_240], %parallel_loop3A_543 : memref<64x128xf32, #tpu.memory_space<vmem>>[vector<16xi32>, vector<16xi32>], vector<16xf32>,
        %parallel_loop3A_544 = arith.addi %mul3A_320, %parallel_loop3A_533 : vector<16xi32>
        %parallel_loop3A_545 = tpu.vector_load_idx %arg9[%add3A_219, %parallel_loop3A_544] : memref<128x128xf32, #tpu.memory_space<vmem>>[vector<16xi32>, vector<16xi32>], vector<16xf32>,
        tpu.vector_store_idx %arg11[%parallel_loop3A_533, %add3A_243], %parallel_loop3A_545 : memref<64x128xf32, #tpu.memory_space<vmem>>[vector<16xi32>, vector<16xi32>], vector<16xf32>,
        %parallel_loop3A_546 = arith.addi %mul3A_332, %parallel_loop3A_533 : vector<16xi32>
        %parallel_loop3A_547 = tpu.vector_load_idx %arg9[%add3A_222, %parallel_loop3A_546] : memref<128x128xf32, #tpu.memory_space<vmem>>[vector<16xi32>, vector<16xi32>], vector<16xf32>,
        tpu.vector_store_idx %arg11[%parallel_loop3A_533, %add3A_246], %parallel_loop3A_547 : memref<64x128xf32, #tpu.memory_space<vmem>>[vector<16xi32>, vector<16xi32>], vector<16xf32>,
        %parallel_loop3A_548 = arith.addi %mul3A_344, %parallel_loop3A_533 : vector<16xi32>
        %parallel_loop3A_549 = tpu.vector_load_idx %arg9[%add3A_225, %parallel_loop3A_548] : memref<128x128xf32, #tpu.memory_space<vmem>>[vector<16xi32>, vector<16xi32>], vector<16xf32>,
        tpu.vector_store_idx %arg11[%parallel_loop3A_533, %add3A_249], %parallel_loop3A_549 : memref<64x128xf32, #tpu.memory_space<vmem>>[vector<16xi32>, vector<16xi32>], vector<16xf32>,
      } {sc.loop_unroll_factor = 4 : i64, sc.parallel_access}
      %lt3A = arith.constant 99 : i32
      %lt3A_348 = arith.cmpi slt, %add3A_192, %lt3A : i32
      %convert_element_type3A_349 = arith.extui %lt3A_348 : i1 to i32
      %cond3A_350 = arith.constant 0 : i32
      %cond3A_351 = arith.cmpi ne, %convert_element_type3A_349, %cond3A_350 : i32
      scf.if %cond3A_351 {
        %add3A_528 = arith.constant 2 : i32
        %add3A_529 = arith.addi %mul3A_194, %add3A_528 : i32
        %mul3A_530 = arith.constant 128 : i32
        %mul3A_531 = arith.muli %add3A_529, %mul3A_530 : i32
        %add3A_532 = arith.constant 0 : i32
        %add3A_533 = arith.addi %mul3A_531, %add3A_532 : i32
        %get3A_534 = arith.index_cast %add3A_533 : i32 to index
        %get3A_535 = tpu.vector_load %arg6[%get3A_534] {strides = array<i32>} : memref<25600xi32, #tpu.memory_space<vmem>>, vector<16xi32>,
        %shift_right_logical3A_536 = arith.constant 1 : i32
        %shift_right_logical3A_537 = vector.broadcast %shift_right_logical3A_536 : i32 to vector<16xi32>
        %shift_right_logical3A_538 = arith.shrui %get3A_535, %shift_right_logical3A_537 : vector<16xi32>
        %swap3A_539 = arith.constant 0 : index
        %swap3A_540 = tpu.vector_load %arg7[%swap3A_539] {strides = array<i32>} : memref<128xi32, #tpu.memory_space<vmem>>, vector<16xi32>,
        tpu.vector_store %arg7[%swap3A_539], %shift_right_logical3A_538 {strides = array<i32>} : memref<128xi32, #tpu.memory_space<vmem>>, vector<16xi32>,
        %mul3A_541 = arith.constant 128 : i32
        %mul3A_542 = arith.muli %add3A_529, %mul3A_541 : i32
        %add3A_543 = arith.constant 16 : i32
        %add3A_544 = arith.addi %mul3A_542, %add3A_543 : i32
        %get3A_545 = arith.index_cast %add3A_544 : i32 to index
        %get3A_546 = tpu.vector_load %arg6[%get3A_545] {strides = array<i32>} : memref<25600xi32, #tpu.memory_space<vmem>>, vector<16xi32>,
        %shift_right_logical3A_547 = arith.constant 1 : i32
        %shift_right_logical3A_548 = vector.broadcast %shift_right_logical3A_547 : i32 to vector<16xi32>
        %shift_right_logical3A_549 = arith.shrui %get3A_546, %shift_right_logical3A_548 : vector<16xi32>
        %swap3A_550 = arith.constant 16 : index
        %swap3A_551 = tpu.vector_load %arg7[%swap3A_550] {strides = array<i32>} : memref<128xi32, #tpu.memory_space<vmem>>, vector<16xi32>,
        tpu.vector_store %arg7[%swap3A_550], %shift_right_logical3A_549 {strides = array<i32>} : memref<128xi32, #tpu.memory_space<vmem>>, vector<16xi32>,
        %mul3A_552 = arith.constant 128 : i32
        %mul3A_553 = arith.muli %add3A_529, %mul3A_552 : i32
        %add3A_554 = arith.constant 32 : i32
        %add3A_555 = arith.addi %mul3A_553, %add3A_554 : i32
        %get3A_556 = arith.index_cast %add3A_555 : i32 to index
        %get3A_557 = tpu.vector_load %arg6[%get3A_556] {strides = array<i32>} : memref<25600xi32, #tpu.memory_space<vmem>>, vector<16xi32>,
        %shift_right_logical3A_558 = arith.constant 1 : i32
        %shift_right_logical3A_559 = vector.broadcast %shift_right_logical3A_558 : i32 to vector<16xi32>
        %shift_right_logical3A_560 = arith.shrui %get3A_557, %shift_right_logical3A_559 : vector<16xi32>
        %swap3A_561 = arith.constant 32 : index
        %swap3A_562 = tpu.vector_load %arg7[%swap3A_561] {strides = array<i32>} : memref<128xi32, #tpu.memory_space<vmem>>, vector<16xi32>,
        tpu.vector_store %arg7[%swap3A_561], %shift_right_logical3A_560 {strides = array<i32>} : memref<128xi32, #tpu.memory_space<vmem>>, vector<16xi32>,
        %mul3A_563 = arith.constant 128 : i32
        %mul3A_564 = arith.muli %add3A_529, %mul3A_563 : i32
        %add3A_565 = arith.constant 48 : i32
        %add3A_566 = arith.addi %mul3A_564, %add3A_565 : i32
        %get3A_567 = arith.index_cast %add3A_566 : i32 to index
        %get3A_568 = tpu.vector_load %arg6[%get3A_567] {strides = array<i32>} : memref<25600xi32, #tpu.memory_space<vmem>>, vector<16xi32>,
        %shift_right_logical3A_569 = arith.constant 1 : i32
        %shift_right_logical3A_570 = vector.broadcast %shift_right_logical3A_569 : i32 to vector<16xi32>
        %shift_right_logical3A_571 = arith.shrui %get3A_568, %shift_right_logical3A_570 : vector<16xi32>
        %swap3A_572 = arith.constant 48 : index
        %swap3A_573 = tpu.vector_load %arg7[%swap3A_572] {strides = array<i32>} : memref<128xi32, #tpu.memory_space<vmem>>, vector<16xi32>,
        tpu.vector_store %arg7[%swap3A_572], %shift_right_logical3A_571 {strides = array<i32>} : memref<128xi32, #tpu.memory_space<vmem>>, vector<16xi32>,
        %mul3A_574 = arith.constant 128 : i32
        %mul3A_575 = arith.muli %add3A_529, %mul3A_574 : i32
        %add3A_576 = arith.constant 64 : i32
        %add3A_577 = arith.addi %mul3A_575, %add3A_576 : i32
        %get3A_578 = arith.index_cast %add3A_577 : i32 to index
        %get3A_579 = tpu.vector_load %arg6[%get3A_578] {strides = array<i32>} : memref<25600xi32, #tpu.memory_space<vmem>>, vector<16xi32>,
        %shift_right_logical3A_580 = arith.constant 1 : i32
        %shift_right_logical3A_581 = vector.broadcast %shift_right_logical3A_580 : i32 to vector<16xi32>
        %shift_right_logical3A_582 = arith.shrui %get3A_579, %shift_right_logical3A_581 : vector<16xi32>
        %swap3A_583 = arith.constant 64 : index
        %swap3A_584 = tpu.vector_load %arg7[%swap3A_583] {strides = array<i32>} : memref<128xi32, #tpu.memory_space<vmem>>, vector<16xi32>,
        tpu.vector_store %arg7[%swap3A_583], %shift_right_logical3A_582 {strides = array<i32>} : memref<128xi32, #tpu.memory_space<vmem>>, vector<16xi32>,
        %mul3A_585 = arith.constant 128 : i32
        %mul3A_586 = arith.muli %add3A_529, %mul3A_585 : i32
        %add3A_587 = arith.constant 80 : i32
        %add3A_588 = arith.addi %mul3A_586, %add3A_587 : i32
        %get3A_589 = arith.index_cast %add3A_588 : i32 to index
        %get3A_590 = tpu.vector_load %arg6[%get3A_589] {strides = array<i32>} : memref<25600xi32, #tpu.memory_space<vmem>>, vector<16xi32>,
        %shift_right_logical3A_591 = arith.constant 1 : i32
        %shift_right_logical3A_592 = vector.broadcast %shift_right_logical3A_591 : i32 to vector<16xi32>
        %shift_right_logical3A_593 = arith.shrui %get3A_590, %shift_right_logical3A_592 : vector<16xi32>
        %swap3A_594 = arith.constant 80 : index
        %swap3A_595 = tpu.vector_load %arg7[%swap3A_594] {strides = array<i32>} : memref<128xi32, #tpu.memory_space<vmem>>, vector<16xi32>,
        tpu.vector_store %arg7[%swap3A_594], %shift_right_logical3A_593 {strides = array<i32>} : memref<128xi32, #tpu.memory_space<vmem>>, vector<16xi32>,
        %mul3A_596 = arith.constant 128 : i32
        %mul3A_597 = arith.muli %add3A_529, %mul3A_596 : i32
        %add3A_598 = arith.constant 96 : i32
        %add3A_599 = arith.addi %mul3A_597, %add3A_598 : i32
        %get3A_600 = arith.index_cast %add3A_599 : i32 to index
        %get3A_601 = tpu.vector_load %arg6[%get3A_600] {strides = array<i32>} : memref<25600xi32, #tpu.memory_space<vmem>>, vector<16xi32>,
        %shift_right_logical3A_602 = arith.constant 1 : i32
        %shift_right_logical3A_603 = vector.broadcast %shift_right_logical3A_602 : i32 to vector<16xi32>
        %shift_right_logical3A_604 = arith.shrui %get3A_601, %shift_right_logical3A_603 : vector<16xi32>
        %swap3A_605 = arith.constant 96 : index
        %swap3A_606 = tpu.vector_load %arg7[%swap3A_605] {strides = array<i32>} : memref<128xi32, #tpu.memory_space<vmem>>, vector<16xi32>,
        tpu.vector_store %arg7[%swap3A_605], %shift_right_logical3A_604 {strides = array<i32>} : memref<128xi32, #tpu.memory_space<vmem>>, vector<16xi32>,
        %mul3A_607 = arith.constant 128 : i32
        %mul3A_608 = arith.muli %add3A_529, %mul3A_607 : i32
        %add3A_609 = arith.constant 112 : i32
        %add3A_610 = arith.addi %mul3A_608, %add3A_609 : i32
        %get3A_611 = arith.index_cast %add3A_610 : i32 to index
        %get3A_612 = tpu.vector_load %arg6[%get3A_611] {strides = array<i32>} : memref<25600xi32, #tpu.memory_space<vmem>>, vector<16xi32>,
        %shift_right_logical3A_613 = arith.constant 1 : i32
        %shift_right_logical3A_614 = vector.broadcast %shift_right_logical3A_613 : i32 to vector<16xi32>
        %shift_right_logical3A_615 = arith.shrui %get3A_612, %shift_right_logical3A_614 : vector<16xi32>
        %swap3A_616 = arith.constant 112 : index
        %swap3A_617 = tpu.vector_load %arg7[%swap3A_616] {strides = array<i32>} : memref<128xi32, #tpu.memory_space<vmem>>, vector<16xi32>,
        tpu.vector_store %arg7[%swap3A_616], %shift_right_logical3A_615 {strides = array<i32>} : memref<128xi32, #tpu.memory_space<vmem>>, vector<16xi32>,
        %dma_start3A_618 = arith.constant 0 : i32
        %dma_start3A_619 = arith.constant 0 : i32
        %dma_start3A_620 = tpu.memref_slice %arg3[%dma_start3A_618, %dma_start3A_619] : memref<500000x128xf32, #tpu.memory_space<hbm>> -> memref<500000x128xf32, #tpu.memory_space<hbm>>
        tpu.enqueue_indirect_dma source(%dma_start3A_620 : memref<500000x128xf32, #tpu.memory_space<hbm>>) target(%arg9 : memref<128x128xf32, #tpu.memory_space<vmem>>) offsets(%arg7 : memref<128xi32, #tpu.memory_space<vmem>>) semaphore(%arg13 : memref<!tpu.dma_semaphore, #tpu.memory_space<semaphore_mem>>)
      } else {
      }
      %mul3A_352 = arith.constant 128 : i32
      %mul3A_353 = arith.muli %add3A, %mul3A_352 : i32
      %dma_start3A_354 = arith.constant 0 : i32
      %dma_start3A_355 = tpu.memref_slice %arg4[%mul3A_194, %dma_start3A_354, %mul3A_353] : memref<200x64x4096xf32, #tpu.memory_space<hbm>> -> memref<1x64x128xf32, #tpu.memory_space<hbm>>
      %dma_start3A_356 = tpu.memref_squeeze %dma_start3A_355 : memref<1x64x128xf32, #tpu.memory_space<hbm>> -> memref<64x128xf32, #tpu.memory_space<hbm>>
      %dma_start3A_357 = arith.constant 0 : i32
      %dma_start3A_358 = tpu.memref_slice %arg4[%mul3A_194, %dma_start3A_357, %mul3A_353] : memref<200x64x4096xf32, #tpu.memory_space<hbm>> -> memref<1x64x128xf32, #tpu.memory_space<hbm>>
      %dma_start3A_359 = tpu.memref_squeeze %dma_start3A_358 : memref<1x64x128xf32, #tpu.memory_space<hbm>> -> memref<64x128xf32, #tpu.memory_space<hbm>>
      tpu.enqueue_dma source(%arg11 : memref<64x128xf32, #tpu.memory_space<vmem>>) target(%dma_start3A_359 : memref<64x128xf32, #tpu.memory_space<hbm>>) target_semaphore(%arg15 : memref<!tpu.dma_semaphore, #tpu.memory_space<semaphore_mem>>)
      %dma_wait3A_360 = arith.constant 0 : i32
      %dma_wait3A_361 = arith.constant 0 : i32
      %dma_wait3A_362 = tpu.memref_slice %arg3[%dma_wait3A_360, %dma_wait3A_361] : memref<500000x128xf32, #tpu.memory_space<hbm>> -> memref<500000x128xf32, #tpu.memory_space<hbm>>
      tpu.wait_indirect_dma semaphore(%arg14 : memref<!tpu.dma_semaphore, #tpu.memory_space<semaphore_mem>>) src(%dma_wait3A_362 : memref<500000x128xf32, #tpu.memory_space<hbm>>) dst(%arg10 : memref<128x128xf32, #tpu.memory_space<vmem>>)
      %gt3A_363 = arith.constant 0 : i32
      %gt3A_364 = arith.cmpi sgt, %add3A_192, %gt3A_363 : i32
      %convert_element_type3A_365 = arith.extui %gt3A_364 : i1 to i32
      %cond3A_366 = arith.constant 0 : i32
      %cond3A_367 = arith.cmpi ne, %convert_element_type3A_365, %cond3A_366 : i32
      scf.if %cond3A_367 {
        %sub3A = arith.constant 2 : i32
        %sub3A_528 = arith.subi %add3A_196, %sub3A : i32
        %mul3A_529 = arith.constant 128 : i32
        %mul3A_530 = arith.muli %add3A, %mul3A_529 : i32
        %dma_wait3A_531 = arith.constant 0 : i32
        %dma_wait3A_532 = tpu.memref_slice %arg4[%sub3A_528, %dma_wait3A_531, %mul3A_530] : memref<200x64x4096xf32, #tpu.memory_space<hbm>> -> memref<1x64x128xf32, #tpu.memory_space<hbm>>
        %dma_wait3A_533 = tpu.memref_squeeze %dma_wait3A_532 : memref<1x64x128xf32, #tpu.memory_space<hbm>> -> memref<64x128xf32, #tpu.memory_space<hbm>>
        %dma_wait3A_534 = arith.constant 0 : i32
        %dma_wait3A_535 = tpu.memref_slice %arg4[%sub3A_528, %dma_wait3A_534, %mul3A_530] : memref<200x64x4096xf32, #tpu.memory_space<hbm>> -> memref<1x64x128xf32, #tpu.memory_space<hbm>>
        %dma_wait3A_536 = tpu.memref_squeeze %dma_wait3A_535 : memref<1x64x128xf32, #tpu.memory_space<hbm>> -> memref<64x128xf32, #tpu.memory_space<hbm>>
        tpu.wait_dma2 semaphore(%arg16 : memref<!tpu.dma_semaphore, #tpu.memory_space<semaphore_mem>>) src(%arg12 : memref<64x128xf32, #tpu.memory_space<vmem>>) dst(%dma_wait3A_536 : memref<64x128xf32, #tpu.memory_space<hbm>>)
      } else {
      }
      %add3A_368 = arith.constant 0 : i32
      %add3A_369 = vector.broadcast %add3A_368 : i32 to vector<16xi32>
      %add3A_370 = arith.addi %iota3A, %add3A_369 : vector<16xi32>
      %add3A_371 = arith.constant 16 : i32
      %add3A_372 = vector.broadcast %add3A_371 : i32 to vector<16xi32>
      %add3A_373 = arith.addi %iota3A, %add3A_372 : vector<16xi32>
      %add3A_374 = arith.constant 32 : i32
      %add3A_375 = vector.broadcast %add3A_374 : i32 to vector<16xi32>
      %add3A_376 = arith.addi %iota3A, %add3A_375 : vector<16xi32>
      %add3A_377 = arith.constant 48 : i32
      %add3A_378 = vector.broadcast %add3A_377 : i32 to vector<16xi32>
      %add3A_379 = arith.addi %iota3A, %add3A_378 : vector<16xi32>
      %add3A_380 = arith.constant 64 : i32
      %add3A_381 = vector.broadcast %add3A_380 : i32 to vector<16xi32>
      %add3A_382 = arith.addi %iota3A, %add3A_381 : vector<16xi32>
      %add3A_383 = arith.constant 80 : i32
      %add3A_384 = vector.broadcast %add3A_383 : i32 to vector<16xi32>
      %add3A_385 = arith.addi %iota3A, %add3A_384 : vector<16xi32>
      %add3A_386 = arith.constant 96 : i32
      %add3A_387 = vector.broadcast %add3A_386 : i32 to vector<16xi32>
      %add3A_388 = arith.addi %iota3A, %add3A_387 : vector<16xi32>
      %add3A_389 = arith.constant 112 : i32
      %add3A_390 = vector.broadcast %add3A_389 : i32 to vector<16xi32>
      %add3A_391 = arith.addi %iota3A, %add3A_390 : vector<16xi32>
      %add3A_392 = arith.constant 0 : i32
      %add3A_393 = vector.broadcast %add3A_392 : i32 to vector<16xi32>
      %add3A_394 = arith.addi %iota3A, %add3A_393 : vector<16xi32>
      %add3A_395 = arith.constant 16 : i32
      %add3A_396 = vector.broadcast %add3A_395 : i32 to vector<16xi32>
      %add3A_397 = arith.addi %iota3A, %add3A_396 : vector<16xi32>
      %add3A_398 = arith.constant 32 : i32
      %add3A_399 = vector.broadcast %add3A_398 : i32 to vector<16xi32>
      %add3A_400 = arith.addi %iota3A, %add3A_399 : vector<16xi32>
      %add3A_401 = arith.constant 48 : i32
      %add3A_402 = vector.broadcast %add3A_401 : i32 to vector<16xi32>
      %add3A_403 = arith.addi %iota3A, %add3A_402 : vector<16xi32>
      %add3A_404 = arith.constant 64 : i32
      %add3A_405 = vector.broadcast %add3A_404 : i32 to vector<16xi32>
      %add3A_406 = arith.addi %iota3A, %add3A_405 : vector<16xi32>
      %add3A_407 = arith.constant 80 : i32
      %add3A_408 = vector.broadcast %add3A_407 : i32 to vector<16xi32>
      %add3A_409 = arith.addi %iota3A, %add3A_408 : vector<16xi32>
      %add3A_410 = arith.constant 96 : i32
      %add3A_411 = vector.broadcast %add3A_410 : i32 to vector<16xi32>
      %add3A_412 = arith.addi %iota3A, %add3A_411 : vector<16xi32>
      %add3A_413 = arith.constant 112 : i32
      %add3A_414 = vector.broadcast %add3A_413 : i32 to vector<16xi32>
      %add3A_415 = arith.addi %iota3A, %add3A_414 : vector<16xi32>
      %mul3A_416 = arith.constant 128 : i32
      %mul3A_417 = arith.muli %add3A_196, %mul3A_416 : i32
      %add3A_418 = arith.constant 0 : i32
      %add3A_419 = arith.addi %mul3A_417, %add3A_418 : i32
      %get3A_420 = arith.index_cast %add3A_419 : i32 to index
      %get3A_421 = tpu.vector_load %arg6[%get3A_420] {strides = array<i32>} : memref<25600xi32, #tpu.memory_space<vmem>>, vector<16xi32>,
      %and3A_422 = arith.constant 1 : i32
      %and3A_423 = vector.broadcast %and3A_422 : i32 to vector<16xi32>
      %and3A_424 = arith.andi %get3A_421, %and3A_423 : vector<16xi32>
      %mul3A_425 = arith.constant 64 : i32
      %mul3A_426 = vector.broadcast %mul3A_425 : i32 to vector<16xi32>
      %mul3A_427 = arith.muli %and3A_424, %mul3A_426 : vector<16xi32>
      %mul3A_428 = arith.constant 128 : i32
      %mul3A_429 = arith.muli %add3A_196, %mul3A_428 : i32
      %add3A_430 = arith.constant 16 : i32
      %add3A_431 = arith.addi %mul3A_429, %add3A_430 : i32
      %get3A_432 = arith.index_cast %add3A_431 : i32 to index
      %get3A_433 = tpu.vector_load %arg6[%get3A_432] {strides = array<i32>} : memref<25600xi32, #tpu.memory_space<vmem>>, vector<16xi32>,
      %and3A_434 = arith.constant 1 : i32
      %and3A_435 = vector.broadcast %and3A_434 : i32 to vector<16xi32>
      %and3A_436 = arith.andi %get3A_433, %and3A_435 : vector<16xi32>
      %mul3A_437 = arith.constant 64 : i32
      %mul3A_438 = vector.broadcast %mul3A_437 : i32 to vector<16xi32>
      %mul3A_439 = arith.muli %and3A_436, %mul3A_438 : vector<16xi32>
      %mul3A_440 = arith.constant 128 : i32
      %mul3A_441 = arith.muli %add3A_196, %mul3A_440 : i32
      %add3A_442 = arith.constant 32 : i32
      %add3A_443 = arith.addi %mul3A_441, %add3A_442 : i32
      %get3A_444 = arith.index_cast %add3A_443 : i32 to index
      %get3A_445 = tpu.vector_load %arg6[%get3A_444] {strides = array<i32>} : memref<25600xi32, #tpu.memory_space<vmem>>, vector<16xi32>,
      %and3A_446 = arith.constant 1 : i32
      %and3A_447 = vector.broadcast %and3A_446 : i32 to vector<16xi32>
      %and3A_448 = arith.andi %get3A_445, %and3A_447 : vector<16xi32>
      %mul3A_449 = arith.constant 64 : i32
      %mul3A_450 = vector.broadcast %mul3A_449 : i32 to vector<16xi32>
      %mul3A_451 = arith.muli %and3A_448, %mul3A_450 : vector<16xi32>
      %mul3A_452 = arith.constant 128 : i32
      %mul3A_453 = arith.muli %add3A_196, %mul3A_452 : i32
      %add3A_454 = arith.constant 48 : i32
      %add3A_455 = arith.addi %mul3A_453, %add3A_454 : i32
      %get3A_456 = arith.index_cast %add3A_455 : i32 to index
      %get3A_457 = tpu.vector_load %arg6[%get3A_456] {strides = array<i32>} : memref<25600xi32, #tpu.memory_space<vmem>>, vector<16xi32>,
      %and3A_458 = arith.constant 1 : i32
      %and3A_459 = vector.broadcast %and3A_458 : i32 to vector<16xi32>
      %and3A_460 = arith.andi %get3A_457, %and3A_459 : vector<16xi32>
      %mul3A_461 = arith.constant 64 : i32
      %mul3A_462 = vector.broadcast %mul3A_461 : i32 to vector<16xi32>
      %mul3A_463 = arith.muli %and3A_460, %mul3A_462 : vector<16xi32>
      %mul3A_464 = arith.constant 128 : i32
      %mul3A_465 = arith.muli %add3A_196, %mul3A_464 : i32
      %add3A_466 = arith.constant 64 : i32
      %add3A_467 = arith.addi %mul3A_465, %add3A_466 : i32
      %get3A_468 = arith.index_cast %add3A_467 : i32 to index
      %get3A_469 = tpu.vector_load %arg6[%get3A_468] {strides = array<i32>} : memref<25600xi32, #tpu.memory_space<vmem>>, vector<16xi32>,
      %and3A_470 = arith.constant 1 : i32
      %and3A_471 = vector.broadcast %and3A_470 : i32 to vector<16xi32>
      %and3A_472 = arith.andi %get3A_469, %and3A_471 : vector<16xi32>
      %mul3A_473 = arith.constant 64 : i32
      %mul3A_474 = vector.broadcast %mul3A_473 : i32 to vector<16xi32>
      %mul3A_475 = arith.muli %and3A_472, %mul3A_474 : vector<16xi32>
      %mul3A_476 = arith.constant 128 : i32
      %mul3A_477 = arith.muli %add3A_196, %mul3A_476 : i32
      %add3A_478 = arith.constant 80 : i32
      %add3A_479 = arith.addi %mul3A_477, %add3A_478 : i32
      %get3A_480 = arith.index_cast %add3A_479 : i32 to index
      %get3A_481 = tpu.vector_load %arg6[%get3A_480] {strides = array<i32>} : memref<25600xi32, #tpu.memory_space<vmem>>, vector<16xi32>,
      %and3A_482 = arith.constant 1 : i32
      %and3A_483 = vector.broadcast %and3A_482 : i32 to vector<16xi32>
      %and3A_484 = arith.andi %get3A_481, %and3A_483 : vector<16xi32>
      %mul3A_485 = arith.constant 64 : i32
      %mul3A_486 = vector.broadcast %mul3A_485 : i32 to vector<16xi32>
      %mul3A_487 = arith.muli %and3A_484, %mul3A_486 : vector<16xi32>
      %mul3A_488 = arith.constant 128 : i32
      %mul3A_489 = arith.muli %add3A_196, %mul3A_488 : i32
      %add3A_490 = arith.constant 96 : i32
      %add3A_491 = arith.addi %mul3A_489, %add3A_490 : i32
      %get3A_492 = arith.index_cast %add3A_491 : i32 to index
      %get3A_493 = tpu.vector_load %arg6[%get3A_492] {strides = array<i32>} : memref<25600xi32, #tpu.memory_space<vmem>>, vector<16xi32>,
      %and3A_494 = arith.constant 1 : i32
      %and3A_495 = vector.broadcast %and3A_494 : i32 to vector<16xi32>
      %and3A_496 = arith.andi %get3A_493, %and3A_495 : vector<16xi32>
      %mul3A_497 = arith.constant 64 : i32
      %mul3A_498 = vector.broadcast %mul3A_497 : i32 to vector<16xi32>
      %mul3A_499 = arith.muli %and3A_496, %mul3A_498 : vector<16xi32>
      %mul3A_500 = arith.constant 128 : i32
      %mul3A_501 = arith.muli %add3A_196, %mul3A_500 : i32
      %add3A_502 = arith.constant 112 : i32
      %add3A_503 = arith.addi %mul3A_501, %add3A_502 : i32
      %get3A_504 = arith.index_cast %add3A_503 : i32 to index
      %get3A_505 = tpu.vector_load %arg6[%get3A_504] {strides = array<i32>} : memref<25600xi32, #tpu.memory_space<vmem>>, vector<16xi32>,
      %and3A_506 = arith.constant 1 : i32
      %and3A_507 = vector.broadcast %and3A_506 : i32 to vector<16xi32>
      %and3A_508 = arith.andi %get3A_505, %and3A_507 : vector<16xi32>
      %mul3A_509 = arith.constant 64 : i32
      %mul3A_510 = vector.broadcast %mul3A_509 : i32 to vector<16xi32>
      %mul3A_511 = arith.muli %and3A_508, %mul3A_510 : vector<16xi32>
      %parallel_loop3A_512 = arith.constant 0 : i32
      %parallel_loop3A_513 = arith.constant 64 : i32
      %parallel_loop3A_514 = arith.constant 1 : i32
      scf.for %parallel_loop3A_528 = %parallel_loop3A_512 to %parallel_loop3A_513 step %parallel_loop3A_514  : i32 {
        %parallel_loop3A_529 = vector.broadcast %parallel_loop3A_528 : i32 to vector<16xi32>
        %parallel_loop3A_530 = arith.addi %parallel_loop3A_529, %iota3A : vector<16xi32>
        %parallel_loop3A_531 = arith.constant 63 : i32
        %parallel_loop3A_532 = vector.broadcast %parallel_loop3A_531 : i32 to vector<16xi32>
        %parallel_loop3A_533 = arith.andi %parallel_loop3A_530, %parallel_loop3A_532 : vector<16xi32>
        %parallel_loop3A_534 = arith.addi %mul3A_427, %parallel_loop3A_533 : vector<16xi32>
        %parallel_loop3A_535 = tpu.vector_load_idx %arg10[%add3A_370, %parallel_loop3A_534] : memref<128x128xf32, #tpu.memory_space<vmem>>[vector<16xi32>, vector<16xi32>], vector<16xf32>,
        tpu.vector_store_idx %arg12[%parallel_loop3A_533, %add3A_394], %parallel_loop3A_535 : memref<64x128xf32, #tpu.memory_space<vmem>>[vector<16xi32>, vector<16xi32>], vector<16xf32>,
        %parallel_loop3A_536 = arith.addi %mul3A_439, %parallel_loop3A_533 : vector<16xi32>
        %parallel_loop3A_537 = tpu.vector_load_idx %arg10[%add3A_373, %parallel_loop3A_536] : memref<128x128xf32, #tpu.memory_space<vmem>>[vector<16xi32>, vector<16xi32>], vector<16xf32>,
        tpu.vector_store_idx %arg12[%parallel_loop3A_533, %add3A_397], %parallel_loop3A_537 : memref<64x128xf32, #tpu.memory_space<vmem>>[vector<16xi32>, vector<16xi32>], vector<16xf32>,
        %parallel_loop3A_538 = arith.addi %mul3A_451, %parallel_loop3A_533 : vector<16xi32>
        %parallel_loop3A_539 = tpu.vector_load_idx %arg10[%add3A_376, %parallel_loop3A_538] : memref<128x128xf32, #tpu.memory_space<vmem>>[vector<16xi32>, vector<16xi32>], vector<16xf32>,
        tpu.vector_store_idx %arg12[%parallel_loop3A_533, %add3A_400], %parallel_loop3A_539 : memref<64x128xf32, #tpu.memory_space<vmem>>[vector<16xi32>, vector<16xi32>], vector<16xf32>,
        %parallel_loop3A_540 = arith.addi %mul3A_463, %parallel_loop3A_533 : vector<16xi32>
        %parallel_loop3A_541 = tpu.vector_load_idx %arg10[%add3A_379, %parallel_loop3A_540] : memref<128x128xf32, #tpu.memory_space<vmem>>[vector<16xi32>, vector<16xi32>], vector<16xf32>,
        tpu.vector_store_idx %arg12[%parallel_loop3A_533, %add3A_403], %parallel_loop3A_541 : memref<64x128xf32, #tpu.memory_space<vmem>>[vector<16xi32>, vector<16xi32>], vector<16xf32>,
        %parallel_loop3A_542 = arith.addi %mul3A_475, %parallel_loop3A_533 : vector<16xi32>
        %parallel_loop3A_543 = tpu.vector_load_idx %arg10[%add3A_382, %parallel_loop3A_542] : memref<128x128xf32, #tpu.memory_space<vmem>>[vector<16xi32>, vector<16xi32>], vector<16xf32>,
        tpu.vector_store_idx %arg12[%parallel_loop3A_533, %add3A_406], %parallel_loop3A_543 : memref<64x128xf32, #tpu.memory_space<vmem>>[vector<16xi32>, vector<16xi32>], vector<16xf32>,
        %parallel_loop3A_544 = arith.addi %mul3A_487, %parallel_loop3A_533 : vector<16xi32>
        %parallel_loop3A_545 = tpu.vector_load_idx %arg10[%add3A_385, %parallel_loop3A_544] : memref<128x128xf32, #tpu.memory_space<vmem>>[vector<16xi32>, vector<16xi32>], vector<16xf32>,
        tpu.vector_store_idx %arg12[%parallel_loop3A_533, %add3A_409], %parallel_loop3A_545 : memref<64x128xf32, #tpu.memory_space<vmem>>[vector<16xi32>, vector<16xi32>], vector<16xf32>,
        %parallel_loop3A_546 = arith.addi %mul3A_499, %parallel_loop3A_533 : vector<16xi32>
        %parallel_loop3A_547 = tpu.vector_load_idx %arg10[%add3A_388, %parallel_loop3A_546] : memref<128x128xf32, #tpu.memory_space<vmem>>[vector<16xi32>, vector<16xi32>], vector<16xf32>,
        tpu.vector_store_idx %arg12[%parallel_loop3A_533, %add3A_412], %parallel_loop3A_547 : memref<64x128xf32, #tpu.memory_space<vmem>>[vector<16xi32>, vector<16xi32>], vector<16xf32>,
        %parallel_loop3A_548 = arith.addi %mul3A_511, %parallel_loop3A_533 : vector<16xi32>
        %parallel_loop3A_549 = tpu.vector_load_idx %arg10[%add3A_391, %parallel_loop3A_548] : memref<128x128xf32, #tpu.memory_space<vmem>>[vector<16xi32>, vector<16xi32>], vector<16xf32>,
        tpu.vector_store_idx %arg12[%parallel_loop3A_533, %add3A_415], %parallel_loop3A_549 : memref<64x128xf32, #tpu.memory_space<vmem>>[vector<16xi32>, vector<16xi32>], vector<16xf32>,
      } {sc.loop_unroll_factor = 4 : i64, sc.parallel_access}
      %lt3A_515 = arith.constant 99 : i32
      %lt3A_516 = arith.cmpi slt, %add3A_192, %lt3A_515 : i32
      %convert_element_type3A_517 = arith.extui %lt3A_516 : i1 to i32
      %cond3A_518 = arith.constant 0 : i32
      %cond3A_519 = arith.cmpi ne, %convert_element_type3A_517, %cond3A_518 : i32
      scf.if %cond3A_519 {
        %add3A_528 = arith.constant 2 : i32
        %add3A_529 = arith.addi %add3A_196, %add3A_528 : i32
        %mul3A_530 = arith.constant 128 : i32
        %mul3A_531 = arith.muli %add3A_529, %mul3A_530 : i32
        %add3A_532 = arith.constant 0 : i32
        %add3A_533 = arith.addi %mul3A_531, %add3A_532 : i32
        %get3A_534 = arith.index_cast %add3A_533 : i32 to index
        %get3A_535 = tpu.vector_load %arg6[%get3A_534] {strides = array<i32>} : memref<25600xi32, #tpu.memory_space<vmem>>, vector<16xi32>,
        %shift_right_logical3A_536 = arith.constant 1 : i32
        %shift_right_logical3A_537 = vector.broadcast %shift_right_logical3A_536 : i32 to vector<16xi32>
        %shift_right_logical3A_538 = arith.shrui %get3A_535, %shift_right_logical3A_537 : vector<16xi32>
        %swap3A_539 = arith.constant 0 : index
        %swap3A_540 = tpu.vector_load %arg8[%swap3A_539] {strides = array<i32>} : memref<128xi32, #tpu.memory_space<vmem>>, vector<16xi32>,
        tpu.vector_store %arg8[%swap3A_539], %shift_right_logical3A_538 {strides = array<i32>} : memref<128xi32, #tpu.memory_space<vmem>>, vector<16xi32>,
        %mul3A_541 = arith.constant 128 : i32
        %mul3A_542 = arith.muli %add3A_529, %mul3A_541 : i32
        %add3A_543 = arith.constant 16 : i32
        %add3A_544 = arith.addi %mul3A_542, %add3A_543 : i32
        %get3A_545 = arith.index_cast %add3A_544 : i32 to index
        %get3A_546 = tpu.vector_load %arg6[%get3A_545] {strides = array<i32>} : memref<25600xi32, #tpu.memory_space<vmem>>, vector<16xi32>,
        %shift_right_logical3A_547 = arith.constant 1 : i32
        %shift_right_logical3A_548 = vector.broadcast %shift_right_logical3A_547 : i32 to vector<16xi32>
        %shift_right_logical3A_549 = arith.shrui %get3A_546, %shift_right_logical3A_548 : vector<16xi32>
        %swap3A_550 = arith.constant 16 : index
        %swap3A_551 = tpu.vector_load %arg8[%swap3A_550] {strides = array<i32>} : memref<128xi32, #tpu.memory_space<vmem>>, vector<16xi32>,
        tpu.vector_store %arg8[%swap3A_550], %shift_right_logical3A_549 {strides = array<i32>} : memref<128xi32, #tpu.memory_space<vmem>>, vector<16xi32>,
        %mul3A_552 = arith.constant 128 : i32
        %mul3A_553 = arith.muli %add3A_529, %mul3A_552 : i32
        %add3A_554 = arith.constant 32 : i32
        %add3A_555 = arith.addi %mul3A_553, %add3A_554 : i32
        %get3A_556 = arith.index_cast %add3A_555 : i32 to index
        %get3A_557 = tpu.vector_load %arg6[%get3A_556] {strides = array<i32>} : memref<25600xi32, #tpu.memory_space<vmem>>, vector<16xi32>,
        %shift_right_logical3A_558 = arith.constant 1 : i32
        %shift_right_logical3A_559 = vector.broadcast %shift_right_logical3A_558 : i32 to vector<16xi32>
        %shift_right_logical3A_560 = arith.shrui %get3A_557, %shift_right_logical3A_559 : vector<16xi32>
        %swap3A_561 = arith.constant 32 : index
        %swap3A_562 = tpu.vector_load %arg8[%swap3A_561] {strides = array<i32>} : memref<128xi32, #tpu.memory_space<vmem>>, vector<16xi32>,
        tpu.vector_store %arg8[%swap3A_561], %shift_right_logical3A_560 {strides = array<i32>} : memref<128xi32, #tpu.memory_space<vmem>>, vector<16xi32>,
        %mul3A_563 = arith.constant 128 : i32
        %mul3A_564 = arith.muli %add3A_529, %mul3A_563 : i32
        %add3A_565 = arith.constant 48 : i32
        %add3A_566 = arith.addi %mul3A_564, %add3A_565 : i32
        %get3A_567 = arith.index_cast %add3A_566 : i32 to index
        %get3A_568 = tpu.vector_load %arg6[%get3A_567] {strides = array<i32>} : memref<25600xi32, #tpu.memory_space<vmem>>, vector<16xi32>,
        %shift_right_logical3A_569 = arith.constant 1 : i32
        %shift_right_logical3A_570 = vector.broadcast %shift_right_logical3A_569 : i32 to vector<16xi32>
        %shift_right_logical3A_571 = arith.shrui %get3A_568, %shift_right_logical3A_570 : vector<16xi32>
        %swap3A_572 = arith.constant 48 : index
        %swap3A_573 = tpu.vector_load %arg8[%swap3A_572] {strides = array<i32>} : memref<128xi32, #tpu.memory_space<vmem>>, vector<16xi32>,
        tpu.vector_store %arg8[%swap3A_572], %shift_right_logical3A_571 {strides = array<i32>} : memref<128xi32, #tpu.memory_space<vmem>>, vector<16xi32>,
        %mul3A_574 = arith.constant 128 : i32
        %mul3A_575 = arith.muli %add3A_529, %mul3A_574 : i32
        %add3A_576 = arith.constant 64 : i32
        %add3A_577 = arith.addi %mul3A_575, %add3A_576 : i32
        %get3A_578 = arith.index_cast %add3A_577 : i32 to index
        %get3A_579 = tpu.vector_load %arg6[%get3A_578] {strides = array<i32>} : memref<25600xi32, #tpu.memory_space<vmem>>, vector<16xi32>,
        %shift_right_logical3A_580 = arith.constant 1 : i32
        %shift_right_logical3A_581 = vector.broadcast %shift_right_logical3A_580 : i32 to vector<16xi32>
        %shift_right_logical3A_582 = arith.shrui %get3A_579, %shift_right_logical3A_581 : vector<16xi32>
        %swap3A_583 = arith.constant 64 : index
        %swap3A_584 = tpu.vector_load %arg8[%swap3A_583] {strides = array<i32>} : memref<128xi32, #tpu.memory_space<vmem>>, vector<16xi32>,
        tpu.vector_store %arg8[%swap3A_583], %shift_right_logical3A_582 {strides = array<i32>} : memref<128xi32, #tpu.memory_space<vmem>>, vector<16xi32>,
        %mul3A_585 = arith.constant 128 : i32
        %mul3A_586 = arith.muli %add3A_529, %mul3A_585 : i32
        %add3A_587 = arith.constant 80 : i32
        %add3A_588 = arith.addi %mul3A_586, %add3A_587 : i32
        %get3A_589 = arith.index_cast %add3A_588 : i32 to index
        %get3A_590 = tpu.vector_load %arg6[%get3A_589] {strides = array<i32>} : memref<25600xi32, #tpu.memory_space<vmem>>, vector<16xi32>,
        %shift_right_logical3A_591 = arith.constant 1 : i32
        %shift_right_logical3A_592 = vector.broadcast %shift_right_logical3A_591 : i32 to vector<16xi32>
        %shift_right_logical3A_593 = arith.shrui %get3A_590, %shift_right_logical3A_592 : vector<16xi32>
        %swap3A_594 = arith.constant 80 : index
        %swap3A_595 = tpu.vector_load %arg8[%swap3A_594] {strides = array<i32>} : memref<128xi32, #tpu.memory_space<vmem>>, vector<16xi32>,
        tpu.vector_store %arg8[%swap3A_594], %shift_right_logical3A_593 {strides = array<i32>} : memref<128xi32, #tpu.memory_space<vmem>>, vector<16xi32>,
        %mul3A_596 = arith.constant 128 : i32
        %mul3A_597 = arith.muli %add3A_529, %mul3A_596 : i32
        %add3A_598 = arith.constant 96 : i32
        %add3A_599 = arith.addi %mul3A_597, %add3A_598 : i32
        %get3A_600 = arith.index_cast %add3A_599 : i32 to index
        %get3A_601 = tpu.vector_load %arg6[%get3A_600] {strides = array<i32>} : memref<25600xi32, #tpu.memory_space<vmem>>, vector<16xi32>,
        %shift_right_logical3A_602 = arith.constant 1 : i32
        %shift_right_logical3A_603 = vector.broadcast %shift_right_logical3A_602 : i32 to vector<16xi32>
        %shift_right_logical3A_604 = arith.shrui %get3A_601, %shift_right_logical3A_603 : vector<16xi32>
        %swap3A_605 = arith.constant 96 : index
        %swap3A_606 = tpu.vector_load %arg8[%swap3A_605] {strides = array<i32>} : memref<128xi32, #tpu.memory_space<vmem>>, vector<16xi32>,
        tpu.vector_store %arg8[%swap3A_605], %shift_right_logical3A_604 {strides = array<i32>} : memref<128xi32, #tpu.memory_space<vmem>>, vector<16xi32>,
        %mul3A_607 = arith.constant 128 : i32
        %mul3A_608 = arith.muli %add3A_529, %mul3A_607 : i32
        %add3A_609 = arith.constant 112 : i32
        %add3A_610 = arith.addi %mul3A_608, %add3A_609 : i32
        %get3A_611 = arith.index_cast %add3A_610 : i32 to index
        %get3A_612 = tpu.vector_load %arg6[%get3A_611] {strides = array<i32>} : memref<25600xi32, #tpu.memory_space<vmem>>, vector<16xi32>,
        %shift_right_logical3A_613 = arith.constant 1 : i32
        %shift_right_logical3A_614 = vector.broadcast %shift_right_logical3A_613 : i32 to vector<16xi32>
        %shift_right_logical3A_615 = arith.shrui %get3A_612, %shift_right_logical3A_614 : vector<16xi32>
        %swap3A_616 = arith.constant 112 : index
        %swap3A_617 = tpu.vector_load %arg8[%swap3A_616] {strides = array<i32>} : memref<128xi32, #tpu.memory_space<vmem>>, vector<16xi32>,
        tpu.vector_store %arg8[%swap3A_616], %shift_right_logical3A_615 {strides = array<i32>} : memref<128xi32, #tpu.memory_space<vmem>>, vector<16xi32>,
        %dma_start3A_618 = arith.constant 0 : i32
        %dma_start3A_619 = arith.constant 0 : i32
        %dma_start3A_620 = tpu.memref_slice %arg3[%dma_start3A_618, %dma_start3A_619] : memref<500000x128xf32, #tpu.memory_space<hbm>> -> memref<500000x128xf32, #tpu.memory_space<hbm>>
        tpu.enqueue_indirect_dma source(%dma_start3A_620 : memref<500000x128xf32, #tpu.memory_space<hbm>>) target(%arg10 : memref<128x128xf32, #tpu.memory_space<vmem>>) offsets(%arg8 : memref<128xi32, #tpu.memory_space<vmem>>) semaphore(%arg14 : memref<!tpu.dma_semaphore, #tpu.memory_space<semaphore_mem>>)
      } else {
      }
      %mul3A_520 = arith.constant 128 : i32
      %mul3A_521 = arith.muli %add3A, %mul3A_520 : i32
      %dma_start3A_522 = arith.constant 0 : i32
      %dma_start3A_523 = tpu.memref_slice %arg4[%add3A_196, %dma_start3A_522, %mul3A_521] : memref<200x64x4096xf32, #tpu.memory_space<hbm>> -> memref<1x64x128xf32, #tpu.memory_space<hbm>>
      %dma_start3A_524 = tpu.memref_squeeze %dma_start3A_523 : memref<1x64x128xf32, #tpu.memory_space<hbm>> -> memref<64x128xf32, #tpu.memory_space<hbm>>
      %dma_start3A_525 = arith.constant 0 : i32
      %dma_start3A_526 = tpu.memref_slice %arg4[%add3A_196, %dma_start3A_525, %mul3A_521] : memref<200x64x4096xf32, #tpu.memory_space<hbm>> -> memref<1x64x128xf32, #tpu.memory_space<hbm>>
      %dma_start3A_527 = tpu.memref_squeeze %dma_start3A_526 : memref<1x64x128xf32, #tpu.memory_space<hbm>> -> memref<64x128xf32, #tpu.memory_space<hbm>>
      tpu.enqueue_dma source(%arg12 : memref<64x128xf32, #tpu.memory_space<vmem>>) target(%dma_start3A_527 : memref<64x128xf32, #tpu.memory_space<hbm>>) target_semaphore(%arg16 : memref<!tpu.dma_semaphore, #tpu.memory_space<semaphore_mem>>)
    }
    %scan3A_170 = arith.constant 100 : i32
    %mul3A_171 = arith.constant 128 : i32
    %mul3A_172 = arith.muli %add3A, %mul3A_171 : i32
    %dma_wait3A = arith.constant 198 : i32
    %dma_wait3A_173 = arith.constant 0 : i32
    %dma_wait3A_174 = tpu.memref_slice %arg4[%dma_wait3A, %dma_wait3A_173, %mul3A_172] : memref<200x64x4096xf32, #tpu.memory_space<hbm>> -> memref<1x64x128xf32, #tpu.memory_space<hbm>>
    %dma_wait3A_175 = tpu.memref_squeeze %dma_wait3A_174 : memref<1x64x128xf32, #tpu.memory_space<hbm>> -> memref<64x128xf32, #tpu.memory_space<hbm>>
    %dma_wait3A_176 = arith.constant 0 : i32
    %dma_wait3A_177 = tpu.memref_slice %arg4[%dma_wait3A, %dma_wait3A_176, %mul3A_172] : memref<200x64x4096xf32, #tpu.memory_space<hbm>> -> memref<1x64x128xf32, #tpu.memory_space<hbm>>
    %dma_wait3A_178 = tpu.memref_squeeze %dma_wait3A_177 : memref<1x64x128xf32, #tpu.memory_space<hbm>> -> memref<64x128xf32, #tpu.memory_space<hbm>>
    tpu.wait_dma2 semaphore(%arg15 : memref<!tpu.dma_semaphore, #tpu.memory_space<semaphore_mem>>) src(%arg11 : memref<64x128xf32, #tpu.memory_space<vmem>>) dst(%dma_wait3A_178 : memref<64x128xf32, #tpu.memory_space<hbm>>)
    %mul3A_179 = arith.constant 128 : i32
    %mul3A_180 = arith.muli %add3A, %mul3A_179 : i32
    %dma_wait3A_181 = arith.constant 199 : i32
    %dma_wait3A_182 = arith.constant 0 : i32
    %dma_wait3A_183 = tpu.memref_slice %arg4[%dma_wait3A_181, %dma_wait3A_182, %mul3A_180] : memref<200x64x4096xf32, #tpu.memory_space<hbm>> -> memref<1x64x128xf32, #tpu.memory_space<hbm>>
    %dma_wait3A_184 = tpu.memref_squeeze %dma_wait3A_183 : memref<1x64x128xf32, #tpu.memory_space<hbm>> -> memref<64x128xf32, #tpu.memory_space<hbm>>
    %dma_wait3A_185 = arith.constant 0 : i32
    %dma_wait3A_186 = tpu.memref_slice %arg4[%dma_wait3A_181, %dma_wait3A_185, %mul3A_180] : memref<200x64x4096xf32, #tpu.memory_space<hbm>> -> memref<1x64x128xf32, #tpu.memory_space<hbm>>
    %dma_wait3A_187 = tpu.memref_squeeze %dma_wait3A_186 : memref<1x64x128xf32, #tpu.memory_space<hbm>> -> memref<64x128xf32, #tpu.memory_space<hbm>>
    tpu.wait_dma2 semaphore(%arg16 : memref<!tpu.dma_semaphore, #tpu.memory_space<semaphore_mem>>) src(%arg12 : memref<64x128xf32, #tpu.memory_space<vmem>>) dst(%dma_wait3A_187 : memref<64x128xf32, #tpu.memory_space<hbm>>)
    return
  }
}

</mosaic_0001>

<sc_bundles>
// kernel: kernel.4.cloned.1.call-start
scs
__scs_entry_jumppad:
0x0: {  	(pc) =	sbr.rel $0x88, $3  }
0x1: {  	(tag) =	ssettag $0x0;
	lr =	simm.s32 $0x1  }
0x2: {  	[smem:$0x3F9F] =	sst lr;
	_ =	strace $0xD0000000  }
0x3: {  	_ = 	snop  }
0x4: {  	_ = 	snop  }
0x5: {  	_ = 	snop  }
0x6: {  	_ = 	snop  }
0x7: {  	_ = 	snop  }
__scs_overlays_trampoline_lowered:
0x8: {  	[smem:$0x3FAE] =	sst s0  }
0x9: {  	[smem:$0x3FAF] =	sst s1  }
0xa: {  	[smem:$0x3FB0] =	sst s2  }
0xb: {  	[smem:$0x3FB1] =	sst s3  }
0xc: {  	[smem:$0x3FB2] =	sst s4  }
0xd: {  	[smem:$0x3FB3] =	sst s5  }
0xe: {  	[smem:$0x3FB4] =	sst s6  }
0xf: {  	[smem:$0x3FB5] =	sst s7  }
0x10: {  	[smem:$0x3FB6] =	sst s8  }
0x11: {  	[smem:$0x3FB7] =	sst s9;
	s0 =	simm.s32 @!p0 $0x0  }
0x12: {  	s1 =	sld [smem:$0x3F9D];
	s0 =	simm.s32 @p0 $0x1  }
0x13: {  	[smem:$0x3FB8] =	sst s0;
	s0 =	simm.s32 @!p1 $0x0  }
0x14: {  	s2 =	sld [smem:$0x3F9C];
	s0 =	simm.s32 @p1 $0x1  }
0x15: {  	[smem:$0x3FB9] =	sst s0;
	s0 =	simm.s32 @!p2 $0x0  }
0x16: {  	s3 =	sld [smem:$0x3FDB];
	s0 =	simm.s32 @p2 $0x1  }
0x17: {  	s4 =	simm.s32 $0x1BF5;
	[smem:$0x3FBB] =	sst s0  }
0x18: {  	s0 =	sld [smem:$0x3F9E];
	_ =	swait.ge [sflag:s4], $0x0  }
0x19: {  	s7 =	sld [smem:$0x3F9F]  }
0x1a: {  	s8 =	sadd.s32 $0xFFFFE003, lr  }
0x1b: {  	s9 =	sadd.s32 $0xFFFFFEF7, lr;
	s5 =	simm.s32 $0xFFFFFFFF;
	p2 =	slt.u32 s8, $0xFFFFF086  }
0x1c: {  	p1 =	slt.u32 s9, $0xF7A;
	s5 =	simm.s32 @!p2 $0x0  }
0x1d: {  	s5 =	simm.s32 @p1 $0x1;
	p0 =	seq.s32 s7, s2  }
0x1e: {  	s7 =	smul.u32 @!p0 $0xF7A, s2;
	p2 =	seq.s32 @!p0 s5, $0x0  }
0x1f: {  	s9 =	smul.u32 $0xF7A, s1;
	s8 =	simm.s32 @!p0 $0x1BF5;
	p2 =	por !p2, p0  }
0x20: {  	[sflag:s8] =	ssyncset.s32 @!p0 $0xFFFFF086;
	s6 =	sadd.s32 @!p0 s3, s7;
	s7 =	simm.s32 @!p0 $0x108  }
0x21: {  	s3 =	sadd.s32 s3, s9;
	s6 =	sadd.s32 @!p0 $0x88, s6;
	s7 =	simm.s32 @p2 $0x1082  }
0x22: {  	[simem:s7], [sflag:s8] =	dma.local @!p0 [hbm:s6], $0xF7A  }
0x23: {  	s9 =	sor.u32 $0xD0000000, s2;
	s6 =	simm.s32 $0x108;
	_ =	swait.ge @!p0 [sflag:s8], $0x0  }
0x24: {  	s3 =	sadd.s32 $0x88, s3;
	s6 =	simm.s32 @!p1 $0x1082;
	[sflag:s4] =	ssyncset.s32 $0xFFFFF086  }
0x25: {  	[simem:s6], [sflag:s4] =	dma.local [hbm:s3], $0xF7A  }
0x26: {  	[smem:$0x3F9F] =	sst s1;
	(tag) =	ssettag s2;
	_ =	strace s9  }
0x27: {  	s1 =	sld [smem:$0x3FAF]  }
0x28: {  	s2 =	sld [smem:$0x3FB0]  }
0x29: {  	s4 =	sld [smem:$0x3FB2]  }
0x2a: {  	p0 =	seq.s32 s5, $0x0;
	s5 =	sld [smem:$0x3FB3]  }
0x2b: {  	s6 =	sld [smem:$0x3FB4]  }
0x2c: {  	s7 =	sld [smem:$0x3FB5]  }
0x2d: {  	s3 =	simm.s32 $0x108;
	s8 =	sld [smem:$0x3FB6]  }
0x2e: {  	s3 =	simm.s32 @!p0 $0x1082;
	s9 =	sld [smem:$0x3FB7]  }
0x2f: {  	lr =	sadd.s32 s0, s3;
	s0 =	sld [smem:$0x3FAE]  }
0x30: {  	s3 =	sld [smem:$0x3FB1]  }
0x31: {  	[smem:$0x3FBA] =	sst s10  }
0x32: {  	s10 =	sld [smem:$0x3FB8];
	_ =	sdelay $0x3  }
0x33: {  	p0 =	seq.s32 s10, $0x1;
	s10 =	sld [smem:$0x3FBA];
	_ =	sdelay $0x3  }
0x34: {  	[smem:$0x3FBA] =	sst s10  }
0x35: {  	s10 =	sld [smem:$0x3FB9];
	_ =	sdelay $0x3  }
0x36: {  	p1 =	seq.s32 s10, $0x1;
	s10 =	sld [smem:$0x3FBA];
	_ =	sdelay $0x3  }
0x37: {  	[smem:$0x3FBA] =	sst s10  }
0x38: {  	s10 =	sld [smem:$0x3FBB]  }
0x39: {  	_ = 	snop;
	(pc) =	sbr.ind lr, $3  }
0x3a: {  	_ = 	snop  }
0x3b: {  	_ = 	snop  }
0x3c: {  	p2 =	seq.s32 s10, $0x1;
	s10 =	sld [smem:$0x3FBA]  }
0x3d: {  	_ =	shalt  }
0x3e: {  	_ =	shalt  }
0x3f: {  	_ =	shalt  }
0x40: {  	_ =	shalt  }
0x41: {  	_ =	shalt  }
0x42: {  	_ =	shalt  }
0x43: {  	_ =	shalt  }
0x44: {  	_ =	shalt  }
0x45: {  	_ =	shalt  }
0x46: {  	_ =	shalt  }
0x47: {  	_ =	shalt  }
0x48: {  	_ =	shalt  }
0x49: {  	_ =	shalt  }
0x4a: {  	_ =	shalt  }
0x4b: {  	_ =	shalt  }
0x4c: {  	_ =	shalt  }
0x4d: {  	_ =	shalt  }
0x4e: {  	_ =	shalt  }
0x4f: {  	_ =	shalt  }
0x50: {  	_ =	shalt  }
0x51: {  	_ =	shalt  }
0x52: {  	_ =	shalt  }
0x53: {  	_ =	shalt  }
0x54: {  	_ =	shalt  }
0x55: {  	_ =	shalt  }
0x56: {  	_ =	shalt  }
0x57: {  	_ =	shalt  }
0x58: {  	_ =	shalt  }
0x59: {  	_ =	shalt  }
0x5a: {  	_ =	shalt  }
0x5b: {  	_ =	shalt  }
0x5c: {  	_ =	shalt  }
0x5d: {  	_ =	shalt  }
0x5e: {  	_ =	shalt  }
0x5f: {  	_ =	shalt  }
0x60: {  	_ =	shalt  }
0x61: {  	_ =	shalt  }
0x62: {  	_ =	shalt  }
0x63: {  	_ =	shalt  }
0x64: {  	_ =	shalt  }
0x65: {  	_ =	shalt  }
0x66: {  	_ =	shalt  }
0x67: {  	_ =	shalt  }
0x68: {  	_ =	shalt  }
0x69: {  	_ =	shalt  }
0x6a: {  	_ =	shalt  }
0x6b: {  	_ =	shalt  }
0x6c: {  	_ =	shalt  }
0x6d: {  	_ =	shalt  }
0x6e: {  	_ =	shalt  }
0x6f: {  	_ =	shalt  }
0x70: {  	_ =	shalt  }
0x71: {  	_ =	shalt  }
0x72: {  	_ =	shalt  }
0x73: {  	_ =	shalt  }
0x74: {  	_ =	shalt  }
0x75: {  	_ =	shalt  }
0x76: {  	_ =	shalt  }
0x77: {  	_ =	shalt  }
0x78: {  	_ =	shalt  }
0x79: {  	_ =	shalt  }
0x7a: {  	_ =	shalt  }
0x7b: {  	_ =	shalt  }
0x7c: {  	_ =	shalt  }
0x7d: {  	_ =	shalt  }
0x7e: {  	_ =	shalt  }
0x7f: {  	_ =	shalt  }
0x80: {  	_ =	shalt  }
0x81: {  	_ =	shalt  }
0x82: {  	_ =	shalt  }
0x83: {  	_ =	shalt  }
0x84: {  	_ =	shalt  }
0x85: {  	_ =	shalt  }
0x86: {  	_ =	shalt  }
0x87: {  	_ =	shalt  }
.Lfunc_end0:
.L_simem_size_0:
called_computation_lowered:
.L_overlay_start_0:
0x88: {  	s2 =	sld [smem:$0x3FD9]  }
0x89: {  	s3 =	sld [smem:$0x3FFE];
	_ =	sdelay $0x1  }
0x8a: {  	s1 =	srdreg.scid  }
0x8b: {  	s0 =	sand.u32 $0x1, s1  }
0x8c: {  	s17 =	sshll.u32 s0, $0xA;
	s2 =	sadd.s32 s3, s2  }
0x8d: {  	s2 =	sadd.s32 s2, s17  }
0x8e: {  	[smem:$0x3FC6] =	sst s2  }
0x8f: {  	_ = 	snop  }
0x90: {  	s2 =	sld [smem:$0x3FC8]  }
0x91: {  	s18 =	sld [smem:$0x3FD0];
	(tm) =	ssettm $0x1  }
0x92: {  	s4 =	sld [smem:$0x3FFB];
	_ =	sdelay $0x3  }
0x93: {  	_ =	strace s4  }
0x94: {  	s4 =	sld [smem:$0x3FFC];
	_ =	sdelay $0x3  }
0x95: {  	_ =	strace s4  }
0x96: {  	s4 =	sld [smem:$0x3FFD];
	_ =	sdelay $0x3  }
0x97: {  	_ =	strace s4  }
0x98: {  	_ =	strace $0x8FFFFFFF  }
0x99: {  	s19 =	sld [smem:$0x3FDB];
	_ =	sdelay $0x1  }
0x9a: {  	s5 =	simm.s32 $_scs_section_size  }
0x9b: {  	s6 =	simm.s32 $_size__tile_overlayer_lowered;
	s7 =	simm.s32 $_tile_overlayer_lowered  }
0x9c: {  	s22 =	simm.s32 $0x1BFF;
	s21 =	sshll.u32 s7, $0x1;
	s4 =	sadd.s32 s5, s19  }
0x9d: {  	s8 =	simm.s32 $0x0;
	s20 =	sshll.u32 s6, $0x1;
	s6 =	sadd.s32 s21, s4  }
0x9e: {  	[timem:s8], [sflag:s22] =	dma.local [hbm:s6], s20  }
0x9f: {  	_ =	swait.ge [sflag:s22], s20  }
0xa0: {  	s5 =	ssub.s32 $0x0, s20;
	[sflag:s22] =	ssyncset.done $0x0  }
0xa1: {  	[sflag:s22] =	ssyncadd.s32 s5;
	_ =	sdelay $0x1  }
0xa2: {  	s23 =	simm.s32 $0x1B8B  }
0xa3: {  	_ =	swait.ge [sflag:s23], $0x1  }
0xa4: {  	[sflag:s23] =	ssyncset.done $0x0  }
0xa5: {  	s25 =	simm.s32 $0x1B8E;
	s24 =	sld [smem:$0x3FFE];
	[sflag:s23] =	ssyncadd.s32 $0xFFFFFFFF  }
0xa6: {  	s26 =	simm.s32 $execute0_lowered;
	[smem:$0x3FD2] =	sst s25  }
0xa7: {  	s6 =	sshll.u32 s26, $0x1;
	_ =	strace $0x80000046;
	[dreg:$0x1] =	wrdreg $0xFFFFFFFF  }
0xa8: {  	s28 =	simm.s32 $_size_execute0_lowered;
	s4 =	sadd.s32 s4, s6;
	[dreg:$0x0] =	wrdreg $0x0  }
0xa9: {  	s6 =	sshll.u32 s28, $0x1;
	[dreg:$0x2] =	wrdreg s4  }
0xaa: {  	[dreg:$0x3] =	wrdreg s6  }
0xab: {  	[dreg:$0x4] =	wrdreg $0xC0  }
0xac: {  	_ =	task [dreg:s8], $0x5FFFF  }
0xad: {  	[dreg:$0x1] =	wrdreg $0xFFFFFFFF  }
0xae: {  	[dreg:$0x0] =	wrdreg $0x60  }
0xaf: {  	[dreg:$0x2] =	wrdreg s2  }
0xb0: {  	[dreg:$0x3] =	wrdreg s18  }
0xb1: {  	[dreg:$0x4] =	wrdreg s24  }
0xb2: {  	[dreg:$0x5] =	wrdreg $0x9  }
0xb3: {  	_ =	task.clear_ibuf [dreg:s8], $0x6FFFF;
	_ =	strace $0x90000046  }
0xb4: {  	s29 =	simm.s32 $0x9;
	_ =	strace $0x80000048  }
0xb5: {  	_ =	swait.ge [sflag:s29], $0x1  }
0xb6: {  	[sflag:s29] =	ssyncadd.s32 $0xFFFFFFFF  }
0xb7: {  	_ =	strace $0x90000048  }
0xb8: {  	_ =	sfence  }
0xb9: {  	s30 =	sld [smem:$0x0];
	_ =	sdelay $0x2  }
0xba: {  	s31 =	sshll.u32 s1, $0xD;
	s1 =	sshrl.u32 s1, $0x2  }
0xbb: {  	s3 =	sand.u32 $0x4000, s31;
	s1 =	sadd.s32 s1, s30  }
0xbc: {  	s0 =	sor.u32 s3, s0;
	s1 =	sshll.u32 s1, $0x11  }
0xbd: {  	s0 =	sor.u32 s1, s0  }
0xbe: {  	s0 =	sadd.s32 $0x8F2B, s0  }
0xbf: {  	[sflag:s0] =	ssyncadd.remote.s32 $0x1  }
0xc0: {  	_ =	sfence.sel $0xFFFF  }
0xc1: {  	[dreg:$0x0] =	wrdreg $0xFFFFFFFF;
	(pc) =	sbr.abs _section_cstart, $3  }
0xc2: {  	[dreg:$0x1] =	wrdreg $0xFFFFFFFF  }
0xc3: {  	_ =	task.clear_ibuf [dreg:s8], $0x2FFFF;
	_ =	strace $0x9FFFFFFF  }
0xc4: {  	(tm) =	ssettm $0x7FFFFFFF  }
0xc5: {  	_ =	shalt  }
tec
execute0_lowered:
.L_overlay_start_1:
0x0: {  	(tag) =	ssettag $0x1  }
0x1: {  	v0 =	vlaneseq.u32  }
0x2: {  	v1 =	vimm.s32 $0xB80;
	vm14 =	vcmask $0x300;
	v2 =	vimm.s32 $0x1B80  }
0x3: {  	vm13 =	vcmask $0x704;
	vm12 =	vcmask $0xB08;
	vm11 =	vcmask $0xF0C  }
0x4: {  	vm9 =	vcmask $0x1310;
	vm10 =	vcmask $0x1714;
	vm8 =	vcmask $0x1B18  }
0x5: {  	vm7 =	vcmask $0x1F1C;
	vm6 =	vcmask $0x2320;
	vm5 =	vcmask $0x2724  }
0x6: {  	vm4 =	vcmask $0x2B28;
	vm3 =	vcmask $0x2F2C;
	vm2 =	vcmask $0x3330  }
0x7: {  	vm1 =	vcmask $0x3734;
	vm0 =	vcmask $0x3B38;
	v4 =	vimm.s32 $0x2B80  }
0x8: {  	v5 =	vimm.s32 $0x3B80;
	v6 =	vimm.s32 $0xB81;
	v10 =	vimm.s32 $0x1B81  }
0x9: {  	v11 =	vimm.s32 $0x2B81;
	v12 =	vimm.s32 $0x3B81;
	v1 =	vsel vm14, $0x0, v1  }
0xa: {  	v2 =	vsel vm14, $0x1000, v2;
	v3 =	vor.u32 $0x10, v0;
	v4 =	vsel vm14, $0x2000, v4  }
0xb: {  	v5 =	vsel vm14, $0x3000, v5;
	v6 =	vsel vm14, $0x1, v6;
	v9 =	vor.u32 $0x40, v0  }
0xc: {  	v10 =	vsel vm14, $0x1001, v10;
	v11 =	vsel vm14, $0x2001, v11;
	v12 =	vsel vm14, $0x3001, v12  }
0xd: {  	v15 =	vor.u32 $0x70, v0;
	v1 =	vsel vm13, $0x80, v1;
	v2 =	vsel vm13, $0x1080, v2  }
0xe: {  	v4 =	vsel vm13, $0x2080, v4;
	v5 =	vsel vm13, $0x3080, v5;
	v6 =	vsel vm13, $0x81, v6  }
0xf: {  	v10 =	vsel vm13, $0x1081, v10;
	v11 =	vsel vm13, $0x2081, v11;
	v12 =	vsel vm13, $0x3081, v12  }
0x10: {  	v1 =	vsel vm12, $0x100, v1;
	v2 =	vsel vm12, $0x1100, v2;
	v4 =	vsel vm12, $0x2100, v4  }
0x11: {  	v5 =	vsel vm12, $0x3100, v5;
	v6 =	vsel vm12, $0x101, v6;
	v10 =	vsel vm12, $0x1101, v10  }
0x12: {  	v11 =	vsel vm12, $0x2101, v11;
	v12 =	vsel vm12, $0x3101, v12;
	v1 =	vsel vm11, $0x180, v1  }
0x13: {  	v2 =	vsel vm11, $0x1180, v2;
	v4 =	vsel vm11, $0x2180, v4;
	v5 =	vsel vm11, $0x3180, v5  }
0x14: {  	v6 =	vsel vm11, $0x181, v6;
	v10 =	vsel vm11, $0x1181, v10;
	v11 =	vsel vm11, $0x2181, v11  }
0x15: {  	v12 =	vsel vm11, $0x3181, v12;
	v1 =	vsel vm9, $0x200, v1;
	v2 =	vsel vm9, $0x1200, v2  }
0x16: {  	v4 =	vsel vm9, $0x2200, v4;
	v5 =	vsel vm9, $0x3200, v5;
	v6 =	vsel vm9, $0x201, v6  }
0x17: {  	v10 =	vsel vm9, $0x1201, v10;
	v11 =	vsel vm9, $0x2201, v11;
	v12 =	vsel vm9, $0x3201, v12  }
0x18: {  	v1 =	vsel vm10, $0x280, v1;
	v2 =	vsel vm10, $0x1280, v2;
	v4 =	vsel vm10, $0x2280, v4  }
0x19: {  	v5 =	vsel vm10, $0x3280, v5;
	v6 =	vsel vm10, $0x281, v6;
	v10 =	vsel vm10, $0x1281, v10  }
0x1a: {  	s0 =	srdreg.scid;
	s1 =	rddreg [dreg:$0x0];
	v11 =	vsel vm10, $0x2281, v11;
	v12 =	vsel vm10, $0x3281, v12;
	v1 =	vsel vm8, $0x300, v1  }
0x1b: {  	s7 =	stileid.u32;
	s8 =	rddreg [dreg:$0x1];
	v2 =	vsel vm8, $0x1300, v2;
	v4 =	vsel vm8, $0x2300, v4;
	v5 =	vsel vm8, $0x3300, v5  }
0x1c: {  	s3 =	rddreg [dreg:$0x2];
	s4 =	simm.s32 $0x0;
	s28 =	simm.s32 $0x3;
	v6 =	vsel vm8, $0x301, v6;
	v10 =	vsel vm8, $0x1301, v10;
	v11 =	vsel vm8, $0x2301, v11  }
0x1d: {  	s29 =	simm.s32 $0x4;
	s30 =	simm.s32 $0x5;
	s31 =	simm.s32 $0x0;
	v12 =	vsel vm8, $0x3301, v12;
	v1 =	vsel vm7, $0x380, v1;
	v2 =	vsel vm7, $0x1380, v2  }
0x1e: {  	s2 =	sand.u32 $0x1, s0;
	s16 =	sshll.u32 s7, $0x1;
	[smem:$0x7FF] =	sst s4;
	v4 =	vsel vm7, $0x2380, v4;
	v5 =	vsel vm7, $0x3380, v5;
	v6 =	vsel vm7, $0x381, v6  }
0x1f: {  	p0 =	slt.u32 s7, $0x2;
	s9 =	sadd.s32 $0x7A1800, s3;
	s15 =	sadd.s32 $0xA00, s3;
	v10 =	vsel vm7, $0x1381, v10;
	v11 =	vsel vm7, $0x2381, v11;
	v12 =	vsel vm7, $0x3381, v12  }
0x20: {  	s10 =	sadd.s32 $0x100, s8;
	s11 =	sadd.s32 $0x180, s8;
	s0 =	sor.u32 s2, s16;
	v1 =	vsel vm6, $0x800, v1;
	v2 =	vsel vm6, $0x1800, v2;
	v4 =	vsel vm6, $0x2800, v4  }
0x21: {  	s12 =	sadd.s32 $0x200, s8;
	s13 =	sadd.s32 $0x280, s8;
	s5 =	smul.u32 $0xF4, s0;
	v5 =	vsel vm6, $0x3800, v5;
	v6 =	vsel vm6, $0x801, v6;
	v10 =	vsel vm6, $0x1801, v10  }
0x22: {  	_ =	strace $0x80000047;
	[dreg:$0x4] =	wrdreg s9;
	s6 =	smul.u32 $0xF5, s0;
	v11 =	vsel vm6, $0x2801, v11;
	v12 =	vsel vm6, $0x3801, v12;
	v1 =	vsel vm5, $0x880, v1  }
0x23: {  	s14 =	sadd.s32 $0x300, s8;
	[dreg:$0xd] =	wrdreg s10;
	s5 =	sadd.s32 $0x4, s5;
	v2 =	vsel vm5, $0x1880, v2;
	v4 =	vsel vm5, $0x2880, v4;
	v5 =	vsel vm5, $0x3880, v5  }
0x24: {  	s2 =	ssub.s32 $0x2, s2;
	[dreg:$0xe] =	wrdreg s11;
	s5 =	smov.u32 @p0 s6;
	v6 =	vsel vm5, $0x881, v6;
	v10 =	vsel vm5, $0x1881, v10;
	v11 =	vsel vm5, $0x2881, v11  }
0x25: {  	s9 =	sadd.s32 $0x80, s8;
	[dreg:$0xf] =	wrdreg s12;
	s17 =	sshll.u32 s5, $0x7;
	v12 =	vsel vm5, $0x3881, v12;
	v1 =	vsel vm4, $0x900, v1;
	v2 =	vsel vm4, $0x1900, v2  }
0x26: {  	[dreg:$0x10] =	wrdreg s13;
	s18 =	sand.u32 $0x1FFFFF80, s17;
	s7 =	sadd.s32 s17, s1;
	v4 =	vsel vm4, $0x2900, v4;
	v5 =	vsel vm4, $0x3900, v5;
	v6 =	vsel vm4, $0x901, v6  }
0x27: {  	[dreg:$0x11] =	wrdreg s14;
	s26 =	sshrl.u32 s2, $0x1;
	s25 =	sadd.s32 $0x1E8580, s7;
	v10 =	vsel vm4, $0x1901, v10;
	v11 =	vsel vm4, $0x2901, v11;
	v12 =	vsel vm4, $0x3901, v12  }
0x28: {  	[dreg:$0xc] =	wrdreg s9;
	s2 =	ssub.s32 s2, s26;
	s16 =	sadd.s32 $0x2DC800, s7;
	v1 =	vsel vm3, $0x980, v1;
	v2 =	vsel vm3, $0x1980, v2;
	v4 =	vsel vm3, $0x2980, v4  }
0x29: {  	s26 =	sadd.s32 $0x380, s8;
	s6 =	sadd.s32 s1, s18;
	s18 =	sadd.s32 $0x3D0A80, s7;
	v5 =	vsel vm3, $0x3980, v5;
	v6 =	vsel vm3, $0x981, v6;
	v10 =	vsel vm3, $0x1981, v10  }
0x2a: {  	s3 =	simm.s32 $0x4000;
	[dreg:$0x12] =	wrdreg s26;
	s19 =	sadd.s32 $0x1E8500, s6;
	v11 =	vsel vm3, $0x2981, v11;
	v12 =	vsel vm3, $0x3981, v12;
	v1 =	vsel vm2, $0xA00, v1  }
0x2b: {  	s26 =	simm.s32 $0xA000;
	s20 =	sadd.s32 $0x2DC780, s6;
	[dreg:$0xb] =	wrdreg s25;
	v2 =	vsel vm2, $0x1A00, v2;
	v4 =	vsel vm2, $0x2A00, v4;
	v5 =	vsel vm2, $0x3A00, v5  }
0x2c: {  	s17 =	simm.s32 $0xF5;
	s21 =	sadd.s32 $0x3D0A00, s6;
	[dreg:$0x5] =	wrdreg s19;
	v8 =	vsel vm2, $0xA01, v6;
	v10 =	vsel vm2, $0x1A01, v10;
	v11 =	vsel vm2, $0x2A01, v11  }
0x2d: {  	s17 =	simm.s32 @!p0 $0xF4;
	s22 =	sadd.s32 $0x4C4C80, s6;
	[dreg:$0x6] =	wrdreg s20;
	v14 =	vsel vm2, $0x3A01, v12;
	v1 =	vsel vm1, $0xA80, v1;
	v2 =	vsel vm1, $0x1A80, v2  }
0x2e: {  	p0 =	sne.s32 s0, $0x0;
	s23 =	sadd.s32 $0x5B8F00, s6;
	[dreg:$0x7] =	wrdreg s21;
	v4 =	vsel vm1, $0x2A80, v4;
	v7 =	vsel vm1, $0x3A80, v5;
	v5 =	vor.u32 $0x20, v0  }
.Ltmp0:
0x2f: {  	s24 =	sadd.s32 $0x6AD180, s6;
	[dreg:$0x8] =	wrdreg s22;
	v8 =	vsel vm1, $0xA81, v8;
	v10 =	vsel vm1, $0x1A81, v10;
	v13 =	vsel vm1, $0x2A81, v11;
	(pc) =	sbr.rel .LBB2_1-.Ltmp0, $4  }
0x30: {  	s0 =	simm.s32 $0x1;
	s25 =	sadd.s32 $0x6AD200, s7;
	[dreg:$0x9] =	wrdreg s23;
	v11 =	vor.u32 $0x50, v0;
	v14 =	vsel vm1, $0x3A81, v14;
	v1 =	vsel vm0, $0xB00, v1  }
0x31: {  	[dreg:$0xa] =	wrdreg s24;
	s19 =	sadd.s32 $0x80, s7;
	s20 =	sadd.s32 $0x4C4D00, s7;
	v2 =	vsel vm0, $0x1B00, v2;
	v4 =	vsel vm0, $0x2B00, v4;
	v6 =	vsel vm0, $0x3B00, v7  }
0x32: {  	s21 =	smax.u32 s2, $0x1;
	s22 =	sadd.s32 $0xF4280, s6;
	s23 =	sadd.s32 $0x5B8F80, s7;
	v7 =	vor.u32 $0x30, v0;
	v8 =	vsel vm0, $0xB01, v8;
	v10 =	vsel vm0, $0x1B01, v10  }
0x33: {  	s24 =	sadd.s32 $0xF4300, s7;
	s2 =	simm.s32 $0x8000;
	s7 =	simm.s32 $0x2;
	v12 =	vsel vm0, $0x2B01, v13;
	v13 =	vor.u32 $0x60, v0;
	v14 =	vsel vm0, $0x3B01, v14  }
.LBB2_11:
0x34: {  	_ =	swait.ge [sflag:s28], $0x2000  }
.Ltmp1:
0x35: {  	[sflag:s28] =	ssyncset.done $0x0;
	(pc) =	sbr.rel @!p0 .LBB2_12-.Ltmp1, $4  }
0x36: {  	[sflag:s28] =	ssyncadd.s32 $0xFFFFE000  }
0x37: {  	_ =	swait.ge [sflag:s29], $0x2000  }
0x38: {  	[sflag:s29] =	ssyncset.done $0x0  }
0x39: {  	[sflag:s29] =	ssyncadd.s32 $0xFFFFE000  }
.LBB2_15:
0x3a: {  	s31 =	sadd.s32 $0x1, s31  }
0x3b: {  	p1 =	sne.s32 s31, s21  }
.Ltmp2:
0x3c: {  	_ = 	snop;
	(pc) =	sbr.rel @!p1 .LBB2_16-.Ltmp2, $1  }
0x3d: {  	_ =	sdelay $0x3  }
.LBB2_1:
0x3e: {  	[tilespmem:s4], [sflag:$0x1] =	stream.linear.gather [hbm4b:s6+s4], $0x400, $0x38;
	[tilespmem:$0xC000] =	vst v63  }
0x3f: {  	s8 =	simm.s32 $0x800  }
0x40: {  	[tilespmem:s8], [sflag:$0x1] =	stream.linear.gather [hbm4b:s22+s4], $0x400, $0x38;
	[tilespmem:$0xC000] =	vst v63  }
0x41: {  	s12 =	rddreg [dreg:$0x5];
	s9 =	simm.s32 $0x1000  }
0x42: {  	[tilespmem:s9], [sflag:$0x1] =	stream.linear.gather [hbm4b:s12+s4], $0x400, $0x38;
	[tilespmem:$0xC000] =	vst v63  }
0x43: {  	s13 =	rddreg [dreg:$0x6];
	s14 =	simm.s32 $0x1800  }
0x44: {  	[tilespmem:s14], [sflag:$0x1] =	stream.linear.gather [hbm4b:s13+s4], $0x400, $0x38;
	[tilespmem:$0xC000] =	vst v63  }
0x45: {  	s10 =	simm.s32 $0x2000;
	s9 =	rddreg [dreg:$0x7]  }
0x46: {  	[tilespmem:s10], [sflag:$0x1] =	stream.linear.gather [hbm4b:s9+s4], $0x400, $0x38;
	[tilespmem:$0xC000] =	vst v63  }
0x47: {  	s11 =	rddreg [dreg:$0x8];
	s12 =	simm.s32 $0x2800  }
0x48: {  	[tilespmem:s12], [sflag:$0x1] =	stream.linear.gather [hbm4b:s11+s4], $0x400, $0x38;
	[tilespmem:$0xC000] =	vst v63  }
0x49: {  	s13 =	rddreg [dreg:$0x9];
	s14 =	simm.s32 $0x3000  }
0x4a: {  	[tilespmem:s14], [sflag:$0x1] =	stream.linear.gather [hbm4b:s13+s4], $0x400, $0x38;
	[tilespmem:$0xC000] =	vst v63  }
0x4b: {  	s10 =	rddreg [dreg:$0xa];
	s11 =	simm.s32 $0x3800  }
0x4c: {  	[tilespmem:s11], [sflag:$0x1] =	stream.linear.gather [hbm4b:s10+s4], $0x400, $0x38;
	[tilespmem:$0xC000] =	vst v63  }
0x4d: {  	_ = 	snop  }
0x4e: {  	[tilespmem:s3], [sflag:$0x2] =	stream.linear.gather [hbm4b:s19+s4], $0x400, $0x38;
	[tilespmem:$0xC000] =	vst v63  }
0x4f: {  	s12 =	simm.s32 $0x4800  }
0x50: {  	[tilespmem:s12], [sflag:$0x2] =	stream.linear.gather [hbm4b:s24+s4], $0x400, $0x38;
	[tilespmem:$0xC000] =	vst v63  }
0x51: {  	s13 =	rddreg [dreg:$0xb];
	s14 =	simm.s32 $0x5000  }
0x52: {  	[tilespmem:s14], [sflag:$0x2] =	stream.linear.gather [hbm4b:s13+s4], $0x400, $0x38;
	[tilespmem:$0xC000] =	vst v63  }
0x53: {  	s10 =	simm.s32 $0x5800  }
0x54: {  	[tilespmem:s10], [sflag:$0x2] =	stream.linear.gather [hbm4b:s16+s4], $0x400, $0x38;
	[tilespmem:$0xC000] =	vst v63  }
0x55: {  	s11 =	simm.s32 $0x6000  }
0x56: {  	[tilespmem:s11], [sflag:$0x2] =	stream.linear.gather [hbm4b:s18+s4], $0x400, $0x38;
	[tilespmem:$0xC000] =	vst v63  }
0x57: {  	s12 =	simm.s32 $0x6800  }
0x58: {  	[tilespmem:s12], [sflag:$0x2] =	stream.linear.gather [hbm4b:s20+s4], $0x400, $0x38;
	[tilespmem:$0xC000] =	vst v63  }
.Ltmp3:
0x59: {  	_ = 	snop;
	(pc) =	sbr.rel .LBB2_2-.Ltmp3, $4  }
0x5a: {  	s13 =	simm.s32 $0x7000  }
0x5b: {  	[tilespmem:s13], [sflag:$0x2] =	stream.linear.gather [hbm4b:s23+s4], $0x400, $0x38;
	[tilespmem:$0xC000] =	vst v63  }
0x5c: {  	s8 =	simm.s32 $0x0;
	s14 =	simm.s32 $0x7800  }
0x5d: {  	[tilespmem:s14], [sflag:$0x2] =	stream.linear.gather [hbm4b:s25+s4], $0x400, $0x38;
	[tilespmem:$0xC000] =	vst v63  }
.LBB2_10:
0x5e: {  	s8 =	sadd.s32 $0x1, s8  }
0x5f: {  	p1 =	sne.s32 s8, $0x7B  }
.Ltmp4:
0x60: {  	_ = 	snop;
	(pc) =	sbr.rel @!p1 .LBB2_11-.Ltmp4, $1  }
0x61: {  	_ =	sdelay $0x3  }
.LBB2_2:
0x62: {  	s9 =	sshll.u32 s8, $0x1  }
0x63: {  	p1 =	sge.u32 s9, s17  }
.Ltmp5:
0x64: {  	_ = 	snop;
	(pc) =	sbr.rel @p1 .LBB2_6-.Ltmp5, $1  }
0x65: {  	_ =	sdelay $0x3  }
0x66: {  	s10 =	simm.s32 $0x2  }
0x67: {  	s11 =	simm.s32 $0x0;
	s12 =	simm.s32 $0x3;
	v16 =	vadd.s32 s10, v0  }
0x68: {  	s14 =	simm.s32 $0x1;
	v17 =	vadd.s32 s11, v0;
	v18 =	vadd.s32 s12, v0;
	v19 =	vand.u32 $0x3F, v16  }
0x69: {  	_ =	swait.ge [sflag:s0], $0x2000;
	v16 =	vadd.s32 s14, v0;
	v18 =	vand.u32 $0x3F, v18;
	v34 =	vshll.u32 v19, $0x1  }
0x6a: {  	p1 =	seq.s32 s8, $0x0;
	[sflag:s0] =	ssyncset.done $0x0;
	v20 =	vand.u32 $0x3F, v16;
	v16 =	vshll.u32 v18, $0x1;
	v21 =	vor.u32 v1, v34  }
0x6b: {  	s10 =	simm.s32 @!p1 $0x3;
	[sflag:s0] =	ssyncadd.s32 $0xFFFFE000;
	v17 =	vand.u32 $0x3F, v17;
	v32 =	vshll.u32 v20, $0x1;
	v22 =	vor.u32 v1, v16  }
0x6c: {  	_ =	swait.ge @!p1 [sflag:s10], $0x2000;
	v31 =	vshll.u32 v17, $0x1;
	v23 =	vor.u32 v1, v32  }
0x6d: {  	[sflag:s10] =	ssyncset.done @!p1 $0x0;
	v24 =	vor.u32 v1, v31  }
0x6e: {  	v25 =	vshll.u32 v19, $0x7;
	[sflag:s10] =	ssyncadd.s32 @!p1 $0xFFFFE000  }
0x6f: {  	v36 =	vshll.u32 v18, $0x7;
	v19 =	vor.u32 v0, v25;
	v18 =	vld.idx.msk [tilespmem:v21+s4+$0x0], $0xffff  }
0x70: {  	v35 =	vshll.u32 v20, $0x7;
	v20 =	vor.u32 v0, v36;
	v21 =	vor.u32 v2, v34;
	v22 =	vld.idx.msk [tilespmem:v22+s4+$0x0], $0xffff  }
0x71: {  	v33 =	vshll.u32 v17, $0x7;
	v26 =	vor.u32 v2, v16;
	v17 =	vor.u32 v0, v35;
	v23 =	vld.idx.msk [tilespmem:v23+s4+$0x0], $0xffff  }
0x72: {  	v27 =	vor.u32 v0, v33;
	v24 =	vld.idx.msk [tilespmem:v24+s4+$0x0], $0xffff  }
0x73: {  	v28 =	vor.u32 v2, v32  }
0x74: {  	v29 =	vor.u32 v2, v31;
	[tilespmem:v19+s2+$0x0] =	vst.idx.msk $0xffff, v18  }
0x75: {  	v19 =	vor.u32 v3, v25;
	[tilespmem:v20+s2+$0x0] =	vst.idx.msk $0xffff, v22;
	v18 =	vld.idx.msk [tilespmem:v21+s4+$0x0], $0xffff  }
0x76: {  	[tilespmem:v17+s2+$0x0] =	vst.idx.msk $0xffff, v23;
	v17 =	vor.u32 v4, v34;
	v20 =	vld.idx.msk [tilespmem:v26+s4+$0x0], $0xffff;
	v21 =	vor.u32 v3, v36  }
0x77: {  	[tilespmem:v27+s2+$0x0] =	vst.idx.msk $0xffff, v24;
	v24 =	vor.u32 v4, v16  }
0x78: {  	v23 =	vor.u32 v3, v35;
	v22 =	vld.idx.msk [tilespmem:v28+s4+$0x0], $0xffff  }
0x79: {  	v27 =	vor.u32 v3, v33;
	v26 =	vld.idx.msk [tilespmem:v29+s4+$0x0], $0xffff;
	v28 =	vor.u32 v4, v32  }
0x7a: {  	v30 =	vor.u32 v8, v31;
	v29 =	vor.u32 v4, v31;
	[tilespmem:v19+s2+$0x0] =	vst.idx.msk $0xffff, v18  }
0x7b: {  	v37 =	vor.u32 v7, v33;
	v18 =	vor.u32 v5, v25;
	[tilespmem:v21+s2+$0x0] =	vst.idx.msk $0xffff, v20;
	v17 =	vld.idx.msk [tilespmem:v17+s4+$0x0], $0xffff  }
0x7c: {  	v39 =	vor.u32 v9, v25;
	v41 =	vor.u32 v7, v36;
	v21 =	vor.u32 v5, v36;
	v20 =	vld.idx.msk [tilespmem:v24+s4+$0x0], $0xffff  }
0x7d: {  	v61 =	vor.u32 v9, v36;
	v19 =	vor.u32 v6, v34;
	[tilespmem:v23+s2+$0x0] =	vst.idx.msk $0xffff, v22  }
0x7e: {  	[tilespmem:v27+s2+$0x0] =	vst.idx.msk $0xffff, v26;
	v22 =	vor.u32 v6, v16;
	v24 =	vor.u32 v5, v35;
	v23 =	vld.idx.msk [tilespmem:v28+s4+$0x0], $0xffff  }
0x7f: {  	v58 =	vor.u32 v9, v33;
	v49 =	vor.u32 v10, v34;
	v27 =	vor.u32 v5, v33;
	v28 =	vld.idx.msk [tilespmem:v29+s4+$0x0], $0xffff  }
0x80: {  	v54 =	vor.u32 v11, v36;
	v29 =	vor.u32 v6, v32;
	[tilespmem:v18+s2+$0x0] =	vst.idx.msk $0xffff, v17  }
0x81: {  	s11 =	simm.s32 $0x6;
	v55 =	vor.u32 v12, v31;
	v17 =	vor.u32 v6, v31;
	[tilespmem:v21+s2+$0x0] =	vst.idx.msk $0xffff, v20  }
0x82: {  	s12 =	simm.s32 $0x5;
	v20 =	vor.u32 v8, v34;
	v21 =	vadd.s32 s11, v0;
	v18 =	vld.idx.msk [tilespmem:v19+s4+$0x0], $0xffff;
	v19 =	vor.u32 v7, v25  }
0x83: {  	s13 =	simm.s32 $0x4;
	v40 =	vld.idx.msk [tilespmem:v22+s4+$0x0], $0xffff;
	[tilespmem:v24+s2+$0x0] =	vst.idx.msk $0xffff, v23;
	v24 =	vor.u32 v8, v16;
	v22 =	vadd.s32 s12, v0;
	v42 =	vand.u32 $0x3F, v21  }
0x84: {  	v21 =	vadd.s32 s13, v0;
	[tilespmem:v27+s2+$0x0] =	vst.idx.msk $0xffff, v28;
	v27 =	vand.u32 $0x3F, v22;
	v22 =	vshll.u32 v42, $0x1  }
0x85: {  	v38 =	vor.u32 v7, v35;
	v28 =	vld.idx.msk [tilespmem:v29+s4+$0x0], $0xffff;
	v43 =	vand.u32 $0x3F, v21;
	v45 =	vor.u32 v1, v22  }
0x86: {  	s14 =	simm.s32 $0x7;
	v50 =	vor.u32 v9, v35;
	v26 =	vor.u32 v8, v32;
	v21 =	vshll.u32 v43, $0x1  }
0x87: {  	v23 =	vshll.u32 v27, $0x1;
	v48 =	vor.u32 v1, v21;
	v44 =	vld.idx.msk [tilespmem:v17+s4+$0x0], $0xffff;
	v17 =	vadd.s32 s14, v0;
	[tilespmem:v19+s2+$0x0] =	vst.idx.msk $0xffff, v18  }
0x88: {  	v46 =	vor.u32 v1, v23;
	v17 =	vand.u32 $0x3F, v17;
	[tilespmem:v41+s2+$0x0] =	vst.idx.msk $0xffff, v40;
	v47 =	vld.idx.msk [tilespmem:v20+s4+$0x0], $0xffff  }
0x89: {  	v19 =	vshll.u32 v27, $0x7;
	v20 =	vshll.u32 v17, $0x1;
	v27 =	vld.idx.msk [tilespmem:v24+s4+$0x0], $0xffff;
	v24 =	vshll.u32 v42, $0x7  }
0x8a: {  	[tilespmem:v38+s2+$0x0] =	vst.idx.msk $0xffff, v28;
	v28 =	vor.u32 v10, v16;
	v63 =	vld.idx.msk [tilespmem:v45+s4+$0x0], $0xffff;
	v42 =	vor.u32 v0, v24  }
0x8b: {  	v18 =	vshll.u32 v17, $0x7;
	v17 =	vshll.u32 v43, $0x7;
	v62 =	vor.u32 v1, v20;
	v59 =	vld.idx.msk [tilespmem:v26+s4+$0x0], $0xffff  }
0x8c: {  	v56 =	vor.u32 v12, v34;
	v52 =	vor.u32 v0, v17;
	v48 =	vld.idx.msk [tilespmem:v48+s4+$0x0], $0xffff;
	[tilespmem:v37+s2+$0x0] =	vst.idx.msk $0xffff, v44  }
0x8d: {  	v38 =	vor.u32 v10, v32;
	v51 =	vor.u32 v0, v19;
	v46 =	vld.idx.msk [tilespmem:v46+s4+$0x0], $0xffff;
	[tilespmem:v39+s2+$0x0] =	vst.idx.msk $0xffff, v47  }
0x8e: {  	v29 =	vor.u32 v6, v22;
	v60 =	vor.u32 v2, v22;
	v57 =	vld.idx.msk [tilespmem:v30+s4+$0x0], $0xffff;
	[tilespmem:v61+s2+$0x0] =	vst.idx.msk $0xffff, v27  }
0x8f: {  	v26 =	vor.u32 v15, v33;
	v37 =	vor.u32 v10, v31;
	v53 =	vld.idx.msk [tilespmem:v28+s4+$0x0], $0xffff;
	[tilespmem:v42+s2+$0x0] =	vst.idx.msk $0xffff, v63  }
0x90: {  	v44 =	vor.u32 v0, v18;
	v41 =	vld.idx.msk [tilespmem:v62+s4+$0x0], $0xffff;
	v63 =	vor.u32 v2, v23;
	[tilespmem:v50+s2+$0x0] =	vst.idx.msk $0xffff, v59  }
0x91: {  	v43 =	vor.u32 v3, v17;
	v61 =	vor.u32 v12, v16;
	v45 =	vld.idx.msk [tilespmem:v49+s4+$0x0], $0xffff;
	[tilespmem:v52+s2+$0x0] =	vst.idx.msk $0xffff, v48  }
0x92: {  	v47 =	vor.u32 v11, v25;
	v62 =	vor.u32 v2, v20;
	v38 =	vld.idx.msk [tilespmem:v38+s4+$0x0], $0xffff;
	[tilespmem:v51+s2+$0x0] =	vst.idx.msk $0xffff, v46  }
0x93: {  	v39 =	vor.u32 v11, v35;
	v48 =	vor.u32 v2, v21;
	v52 =	vld.idx.msk [tilespmem:v60+s4+$0x0], $0xffff;
	[tilespmem:v58+s2+$0x0] =	vst.idx.msk $0xffff, v57  }
0x94: {  	v31 =	vor.u32 v14, v31;
	v50 =	vor.u32 v11, v33;
	v37 =	vld.idx.msk [tilespmem:v37+s4+$0x0], $0xffff;
	[tilespmem:v54+s2+$0x0] =	vst.idx.msk $0xffff, v53  }
0x95: {  	v60 =	vor.u32 v12, v32;
	v53 =	vor.u32 v3, v24;
	[tilespmem:v44+s2+$0x0] =	vst.idx.msk $0xffff, v41;
	v41 =	vld.idx.msk [tilespmem:v63+s4+$0x0], $0xffff  }
0x96: {  	v30 =	vor.u32 v14, v34;
	v34 =	vor.u32 v13, v35;
	v58 =	vor.u32 v13, v36;
	v57 =	vld.idx.msk [tilespmem:v61+s4+$0x0], $0xffff  }
0x97: {  	v63 =	vor.u32 v3, v18;
	[tilespmem:v47+s2+$0x0] =	vst.idx.msk $0xffff, v45;
	v61 =	vor.u32 v4, v22;
	v62 =	vld.idx.msk [tilespmem:v62+s4+$0x0], $0xffff  }
0x98: {  	v46 =	vor.u32 v3, v19;
	v45 =	vor.u32 v4, v20;
	v40 =	vld.idx.msk [tilespmem:v48+s4+$0x0], $0xffff;
	[tilespmem:v39+s2+$0x0] =	vst.idx.msk $0xffff, v38  }
0x99: {  	v27 =	vor.u32 v15, v36;
	v47 =	vor.u32 v4, v23;
	v38 =	vld.idx.msk [tilespmem:v56+s4+$0x0], $0xffff;
	[tilespmem:v50+s2+$0x0] =	vst.idx.msk $0xffff, v37  }
0x9a: {  	v44 =	vor.u32 v4, v21;
	v39 =	vor.u32 v13, v25;
	v36 =	vld.idx.msk [tilespmem:v60+s4+$0x0], $0xffff;
	[tilespmem:v53+s2+$0x0] =	vst.idx.msk $0xffff, v52  }
0x9b: {  	v28 =	vor.u32 v15, v35;
	v33 =	vor.u32 v13, v33;
	v37 =	vld.idx.msk [tilespmem:v55+s4+$0x0], $0xffff;
	[tilespmem:v58+s2+$0x0] =	vst.idx.msk $0xffff, v57  }
0x9c: {  	s10 =	sadd.s32 s5, s9;
	s11 =	simm.s32 $0x8;
	v35 =	vor.u32 v14, v32;
	v48 =	vor.u32 v5, v24;
	v42 =	vld.idx.msk [tilespmem:v61+s4+$0x0], $0xffff;
	[tilespmem:v63+s2+$0x0] =	vst.idx.msk $0xffff, v62  }
.LBB2_4:
0x9d: {  	p1 =	slt.u32 s11, $0x3C;
	[tilespmem:v46+s2+$0x0] =	vst.idx.msk $0xffff, v41;
	v32 =	vld.idx.msk [tilespmem:v45+s4+$0x0], $0xffff;
	v25 =	vor.u32 v15, v25;
	v16 =	vor.u32 v14, v16;
	s12 =	smov.u32 s11;
	s11 =	sadd.s32 $0x4, s11  }
0x9e: {  	v41 =	vor.u32 v8, v23;
	[tilespmem:v43+s2+$0x0] =	vst.idx.msk $0xffff, v40;
	v40 =	vld.idx.msk [tilespmem:v47+s4+$0x0], $0xffff;
	v43 =	vor.u32 v5, v18  }
0x9f: {  	v45 =	vor.u32 v5, v19;
	v46 =	vor.u32 v6, v20;
	v44 =	vld.idx.msk [tilespmem:v44+s4+$0x0], $0xffff;
	[tilespmem:v39+s2+$0x0] =	vst.idx.msk $0xffff, v38  }
0xa0: {  	v38 =	vor.u32 v5, v17;
	v39 =	vor.u32 v8, v21;
	[tilespmem:v34+s2+$0x0] =	vst.idx.msk $0xffff, v36;
	v30 =	vld.idx.msk [tilespmem:v30+s4+$0x0], $0xffff  }
0xa1: {  	v34 =	vor.u32 v7, v17;
	v36 =	vor.u32 v7, v19;
	[tilespmem:v48+s2+$0x0] =	vst.idx.msk $0xffff, v42;
	v35 =	vld.idx.msk [tilespmem:v35+s4+$0x0], $0xffff  }
0xa2: {  	v47 =	vor.u32 v9, v24;
	v42 =	vor.u32 v6, v23;
	v29 =	vld.idx.msk [tilespmem:v29+s4+$0x0], $0xffff;
	[tilespmem:v33+s2+$0x0] =	vst.idx.msk $0xffff, v37  }
0xa3: {  	v33 =	vor.u32 v6, v21;
	v37 =	vor.u32 v7, v24;
	[tilespmem:v43+s2+$0x0] =	vst.idx.msk $0xffff, v32;
	v43 =	vld.idx.msk [tilespmem:v31+s4+$0x0], $0xffff  }
0xa4: {  	[tilespmem:v45+s2+$0x0] =	vst.idx.msk $0xffff, v40;
	v40 =	vor.u32 v8, v22;
	v45 =	vld.idx.msk [tilespmem:v46+s4+$0x0], $0xffff;
	v46 =	vor.u32 v8, v20  }
0xa5: {  	s13 =	sadd.s32 $0x1, s12;
	s14 =	sadd.s32 $0x2, s12;
	v48 =	vadd.s32 s12, v0;
	s12 =	sadd.s32 $0x3, s12;
	v31 =	vmov v23;
	[tilespmem:v38+s2+$0x0] =	vst.idx.msk $0xffff, v44;
	v38 =	vor.u32 v7, v18;
	v44 =	vld.idx.msk [tilespmem:v16+s4+$0x0], $0xffff  }
0xa6: {  	v50 =	vmovc v22;
	v49 =	vadd.s32 s12, v0;
	v23 =	vadd.s32 s14, v0;
	v32 =	vmovc v21;
	v16 =	vadd.s32 s13, v0;
	[tilespmem:v25+s2+$0x0] =	vst.idx.msk $0xffff, v30  }
0xa7: {  	v16 =	vand.u32 $0x3F, v16;
	v30 =	vand.u32 $0x3F, v23;
	v25 =	vand.u32 $0x3F, v49;
	v42 =	vld.idx.msk [tilespmem:v42+s4+$0x0], $0xffff;
	[tilespmem:v28+s2+$0x0] =	vst.idx.msk $0xffff, v35;
	v35 =	vmovc v19  }
0xa8: {  	v28 =	vand.u32 $0x3F, v48;
	v23 =	vshll.u32 v16, $0x1;
	v22 =	vshll.u32 v30, $0x1;
	v33 =	vld.idx.msk [tilespmem:v33+s4+$0x0], $0xffff;
	[tilespmem:v37+s2+$0x0] =	vst.idx.msk $0xffff, v29;
	v37 =	vmovc v18  }
0xa9: {  	v51 =	vmovc v17;
	v21 =	vshll.u32 v28, $0x1;
	v48 =	vor.u32 v1, v23;
	v49 =	vor.u32 v1, v22;
	v40 =	vld.idx.msk [tilespmem:v40+s4+$0x0], $0xffff  }
0xaa: {  	v19 =	vshll.u32 v16, $0x7;
	v18 =	vshll.u32 v25, $0x7;
	v52 =	vor.u32 v1, v21;
	v16 =	vmovc v20;
	[tilespmem:v38+s2+$0x0] =	vst.idx.msk $0xffff, v45  }
0xab: {  	v17 =	vshll.u32 v28, $0x7;
	v29 =	vor.u32 v6, v22;
	v20 =	vshll.u32 v25, $0x1;
	v28 =	vld.idx.msk [tilespmem:v46+s4+$0x0], $0xffff;
	[tilespmem:v27+s2+$0x0] =	vst.idx.msk $0xffff, v44  }
0xac: {  	v25 =	vmov v24;
	v38 =	vor.u32 v1, v20;
	v27 =	vor.u32 v9, v37;
	[tilespmem:v26+s2+$0x0] =	vst.idx.msk $0xffff, v43  }
0xad: {  	v26 =	vor.u32 v10, v16;
	[tilespmem:v36+s2+$0x0] =	vst.idx.msk $0xffff, v42;
	v36 =	vor.u32 v10, v31  }
0xae: {  	v24 =	vshll.u32 v30, $0x7;
	v42 =	vld.idx.msk [tilespmem:v49+s4+$0x0], $0xffff;
	[tilespmem:v34+s2+$0x0] =	vst.idx.msk $0xffff, v33;
	v33 =	vor.u32 v10, v32  }
0xaf: {  	v30 =	vor.u32 v0, v24;
	v34 =	vor.u32 v0, v18;
	v39 =	vld.idx.msk [tilespmem:v39+s4+$0x0], $0xffff;
	[tilespmem:v47+s2+$0x0] =	vst.idx.msk $0xffff, v40  }
0xb0: {  	v44 =	vor.u32 v10, v50;
	v43 =	vor.u32 v9, v35;
	v40 =	vor.u32 v9, v51;
	v41 =	vld.idx.msk [tilespmem:v41+s4+$0x0], $0xffff  }
0xb1: {  	v46 =	vor.u32 v0, v19;
	v47 =	vor.u32 v2, v22;
	v45 =	vld.idx.msk [tilespmem:v52+s4+$0x0], $0xffff;
	[tilespmem:v27+s2+$0x0] =	vst.idx.msk $0xffff, v28  }
0xb2: {  	v49 =	vor.u32 v0, v17;
	v27 =	vor.u32 v15, v37;
	v52 =	vld.idx.msk [tilespmem:v26+s4+$0x0], $0xffff  }
0xb3: {  	v53 =	vor.u32 v11, v37;
	v28 =	vor.u32 v15, v35;
	v26 =	vor.u32 v15, v51;
	v38 =	vld.idx.msk [tilespmem:v38+s4+$0x0], $0xffff  }
0xb4: {  	v48 =	vld.idx.msk [tilespmem:v48+s4+$0x0], $0xffff;
	[tilespmem:v30+s2+$0x0] =	vst.idx.msk $0xffff, v42;
	v30 =	vor.u32 v14, v50;
	v42 =	vor.u32 v12, v16  }
0xb5: {  	v54 =	vor.u32 v2, v20;
	[tilespmem:v40+s2+$0x0] =	vst.idx.msk $0xffff, v39;
	v39 =	vor.u32 v11, v35;
	v40 =	vld.idx.msk [tilespmem:v44+s4+$0x0], $0xffff  }
0xb6: {  	v44 =	vor.u32 v2, v23;
	v33 =	vld.idx.msk [tilespmem:v33+s4+$0x0], $0xffff;
	[tilespmem:v43+s2+$0x0] =	vst.idx.msk $0xffff, v41;
	v43 =	vor.u32 v11, v25  }
0xb7: {  	[tilespmem:v49+s2+$0x0] =	vst.idx.msk $0xffff, v45;
	v45 =	vor.u32 v2, v21;
	v49 =	vor.u32 v11, v51;
	v36 =	vld.idx.msk [tilespmem:v36+s4+$0x0], $0xffff  }
0xb8: {  	v56 =	vor.u32 v12, v32;
	v50 =	vor.u32 v12, v50;
	v55 =	vld.idx.msk [tilespmem:v47+s4+$0x0], $0xffff;
	[tilespmem:v53+s2+$0x0] =	vst.idx.msk $0xffff, v52  }
0xb9: {  	v52 =	vor.u32 v3, v24;
	v53 =	vor.u32 v12, v31;
	[tilespmem:v34+s2+$0x0] =	vst.idx.msk $0xffff, v38;
	v57 =	vld.idx.msk [tilespmem:v42+s4+$0x0], $0xffff  }
0xba: {  	v37 =	vor.u32 v13, v37;
	v42 =	vor.u32 v4, v22;
	[tilespmem:v46+s2+$0x0] =	vst.idx.msk $0xffff, v48;
	v54 =	vld.idx.msk [tilespmem:v54+s4+$0x0], $0xffff  }
0xbb: {  	v58 =	vor.u32 v3, v18;
	v34 =	vor.u32 v13, v35;
	v41 =	vld.idx.msk [tilespmem:v44+s4+$0x0], $0xffff;
	[tilespmem:v43+s2+$0x0] =	vst.idx.msk $0xffff, v40  }
.Ltmp6:
0xbc: {  	v46 =	vor.u32 v3, v19;
	v40 =	vld.idx.msk [tilespmem:v45+s4+$0x0], $0xffff;
	v45 =	vor.u32 v4, v20;
	[tilespmem:v49+s2+$0x0] =	vst.idx.msk $0xffff, v33;
	(pc) =	sbr.rel @p1 .LBB2_4-.Ltmp6, $4  }
0xbd: {  	v47 =	vor.u32 v4, v23;
	v43 =	vor.u32 v3, v17;
	[tilespmem:v39+s2+$0x0] =	vst.idx.msk $0xffff, v36;
	v38 =	vld.idx.msk [tilespmem:v50+s4+$0x0], $0xffff  }
0xbe: {  	v44 =	vor.u32 v4, v21;
	v39 =	vor.u32 v13, v25;
	[tilespmem:v52+s2+$0x0] =	vst.idx.msk $0xffff, v55;
	v36 =	vld.idx.msk [tilespmem:v53+s4+$0x0], $0xffff  }
0xbf: {  	v35 =	vor.u32 v14, v31;
	v33 =	vor.u32 v13, v51;
	v42 =	vld.idx.msk [tilespmem:v42+s4+$0x0], $0xffff;
	[tilespmem:v37+s2+$0x0] =	vst.idx.msk $0xffff, v57  }
0xc0: {  	v31 =	vor.u32 v14, v32;
	v48 =	vor.u32 v5, v24;
	[tilespmem:v58+s2+$0x0] =	vst.idx.msk $0xffff, v54;
	v37 =	vld.idx.msk [tilespmem:v56+s4+$0x0], $0xffff  }
0xc1: {  	_ =	sdelay $0x3  }
0xc2: {  	[tilespmem:v46+s2+$0x0] =	vst.idx.msk $0xffff, v41;
	v45 =	vld.idx.msk [tilespmem:v45+s4+$0x0], $0xffff;
	v58 =	vor.u32 v5, v18  }
0xc3: {  	v57 =	vor.u32 v5, v19;
	[tilespmem:v43+s2+$0x0] =	vst.idx.msk $0xffff, v40;
	v60 =	vor.u32 v6, v20;
	v32 =	vld.idx.msk [tilespmem:v47+s4+$0x0], $0xffff  }
0xc4: {  	v59 =	vor.u32 v6, v23;
	v61 =	vor.u32 v5, v17;
	v44 =	vld.idx.msk [tilespmem:v44+s4+$0x0], $0xffff  }
0xc5: {  	v49 =	vor.u32 v6, v21  }
0xc6: {  	[tilespmem:v48+s2+$0x0] =	vst.idx.msk $0xffff, v42  }
0xc7: {  	v62 =	vor.u32 v7, v24;
	v29 =	vld.idx.msk [tilespmem:v29+s4+$0x0], $0xffff;
	[tilespmem:v58+s2+$0x0] =	vst.idx.msk $0xffff, v45  }
0xc8: {  	v52 =	vor.u32 v8, v22;
	v54 =	vor.u32 v7, v18;
	[tilespmem:v57+s2+$0x0] =	vst.idx.msk $0xffff, v32;
	v45 =	vld.idx.msk [tilespmem:v60+s4+$0x0], $0xffff  }
0xc9: {  	v63 =	vor.u32 v7, v19;
	v56 =	vor.u32 v8, v20;
	[tilespmem:v61+s2+$0x0] =	vst.idx.msk $0xffff, v44;
	v41 =	vld.idx.msk [tilespmem:v59+s4+$0x0], $0xffff  }
0xca: {  	v53 =	vor.u32 v8, v23;
	v55 =	vor.u32 v7, v17;
	v57 =	vld.idx.msk [tilespmem:v49+s4+$0x0], $0xffff  }
0xcb: {  	v58 =	vor.u32 v8, v21  }
0xcc: {  	[tilespmem:v62+s2+$0x0] =	vst.idx.msk $0xffff, v29  }
0xcd: {  	v59 =	vor.u32 v9, v24;
	v40 =	vld.idx.msk [tilespmem:v52+s4+$0x0], $0xffff;
	[tilespmem:v54+s2+$0x0] =	vst.idx.msk $0xffff, v45  }
0xce: {  	v61 =	vor.u32 v10, v22;
	[tilespmem:v63+s2+$0x0] =	vst.idx.msk $0xffff, v41;
	v62 =	vld.idx.msk [tilespmem:v56+s4+$0x0], $0xffff;
	v63 =	vor.u32 v9, v18  }
0xcf: {  	v60 =	vor.u32 v9, v19;
	[tilespmem:v55+s2+$0x0] =	vst.idx.msk $0xffff, v57;
	v32 =	vld.idx.msk [tilespmem:v53+s4+$0x0], $0xffff;
	v53 =	vor.u32 v10, v20  }
0xd0: {  	v52 =	vor.u32 v10, v23;
	v55 =	vor.u32 v9, v17;
	v54 =	vld.idx.msk [tilespmem:v58+s4+$0x0], $0xffff  }
0xd1: {  	[tilespmem:v39+s2+$0x0] =	vst.idx.msk $0xffff, v38;
	v56 =	vor.u32 v10, v21  }
0xd2: {  	[tilespmem:v59+s2+$0x0] =	vst.idx.msk $0xffff, v40  }
0xd3: {  	v57 =	vor.u32 v11, v24;
	v29 =	vld.idx.msk [tilespmem:v61+s4+$0x0], $0xffff;
	[tilespmem:v63+s2+$0x0] =	vst.idx.msk $0xffff, v62  }
0xd4: {  	v62 =	vor.u32 v11, v18;
	[tilespmem:v60+s2+$0x0] =	vst.idx.msk $0xffff, v32;
	v60 =	vor.u32 v12, v22;
	v61 =	vld.idx.msk [tilespmem:v53+s4+$0x0], $0xffff  }
0xd5: {  	v47 =	vor.u32 v12, v20;
	v58 =	vor.u32 v11, v19;
	[tilespmem:v55+s2+$0x0] =	vst.idx.msk $0xffff, v54;
	v59 =	vld.idx.msk [tilespmem:v52+s4+$0x0], $0xffff  }
0xd6: {  	[tilespmem:v34+s2+$0x0] =	vst.idx.msk $0xffff, v36;
	v49 =	vor.u32 v11, v17;
	v63 =	vor.u32 v12, v23;
	v48 =	vld.idx.msk [tilespmem:v56+s4+$0x0], $0xffff  }
0xd7: {  	v25 =	vor.u32 v15, v25;
	v50 =	vor.u32 v12, v21;
	v30 =	vld.idx.msk [tilespmem:v30+s4+$0x0], $0xffff;
	[tilespmem:v33+s2+$0x0] =	vst.idx.msk $0xffff, v37  }
0xd8: {  	v16 =	vor.u32 v14, v16;
	v35 =	vld.idx.msk [tilespmem:v35+s4+$0x0], $0xffff;
	[tilespmem:v57+s2+$0x0] =	vst.idx.msk $0xffff, v29  }
0xd9: {  	v51 =	vor.u32 v13, v24;
	v29 =	vld.idx.msk [tilespmem:v60+s4+$0x0], $0xffff;
	[tilespmem:v62+s2+$0x0] =	vst.idx.msk $0xffff, v61  }
0xda: {  	v54 =	vor.u32 v13, v18;
	v52 =	vor.u32 v14, v22;
	[tilespmem:v58+s2+$0x0] =	vst.idx.msk $0xffff, v59;
	v34 =	vld.idx.msk [tilespmem:v47+s4+$0x0], $0xffff  }
0xdb: {  	v53 =	vor.u32 v13, v19;
	[tilespmem:v49+s2+$0x0] =	vst.idx.msk $0xffff, v48;
	v58 =	vor.u32 v14, v20;
	v39 =	vld.idx.msk [tilespmem:v63+s4+$0x0], $0xffff  }
0xdc: {  	[tilespmem:v25+s2+$0x0] =	vst.idx.msk $0xffff, v30;
	v55 =	vor.u32 v14, v23;
	v56 =	vor.u32 v13, v17;
	v57 =	vld.idx.msk [tilespmem:v50+s4+$0x0], $0xffff  }
0xdd: {  	v16 =	vld.idx.msk [tilespmem:v16+s4+$0x0], $0xffff;
	[tilespmem:v28+s2+$0x0] =	vst.idx.msk $0xffff, v35;
	v59 =	vor.u32 v14, v21  }
0xde: {  	v60 =	vld.idx.msk [tilespmem:v31+s4+$0x0], $0xffff;
	[tilespmem:v51+s2+$0x0] =	vst.idx.msk $0xffff, v29  }
0xdf: {  	v61 =	vor.u32 v15, v24;
	v22 =	vld.idx.msk [tilespmem:v52+s4+$0x0], $0xffff;
	[tilespmem:v54+s2+$0x0] =	vst.idx.msk $0xffff, v34  }
0xe0: {  	v63 =	vor.u32 v15, v18;
	[tilespmem:v53+s2+$0x0] =	vst.idx.msk $0xffff, v39;
	v20 =	vld.idx.msk [tilespmem:v58+s4+$0x0], $0xffff  }
0xe1: {  	v62 =	vor.u32 v15, v19;
	[tilespmem:v56+s2+$0x0] =	vst.idx.msk $0xffff, v57;
	v23 =	vld.idx.msk [tilespmem:v55+s4+$0x0], $0xffff  }
0xe2: {  	[tilespmem:v27+s2+$0x0] =	vst.idx.msk $0xffff, v16;
	v16 =	vor.u32 v15, v17;
	v17 =	vld.idx.msk [tilespmem:v59+s4+$0x0], $0xffff  }
0xe3: {  	s11 =	sadd.s32 $0x2, s9;
	[tilespmem:v26+s2+$0x0] =	vst.idx.msk $0xffff, v60  }
0xe4: {  	p1 =	sge.u32 s11, s17;
	[tilespmem:v61+s2+$0x0] =	vst.idx.msk $0xffff, v22  }
0xe5: {  	s11 =	sadd.s32 @!p1 s5, s11;
	[tilespmem:v63+s2+$0x0] =	vst.idx.msk $0xffff, v20  }
0xe6: {  	s11 =	sshll.u32 @!p1 s11, $0x7;
	[tilespmem:v62+s2+$0x0] =	vst.idx.msk $0xffff, v23  }
0xe7: {  	s12 =	simm.s32 @!p1 $0x0;
	s11 =	sadd.s32 @!p1 s1, s11;
	[tilespmem:v16+s2+$0x0] =	vst.idx.msk $0xffff, v17  }
0xe8: {  	[tilespmem:s12], [sflag:$0x1] =	stream.linear.gather @!p1 [hbm4b:s11+s12], $0x400, $0x38;
	[tilespmem:$0xC000] =	vst v63  }
0xe9: {  	s14 =	simm.s32 @!p1 $0x800;
	s13 =	sadd.s32 @!p1 $0xF4280, s11  }
0xea: {  	[tilespmem:s14], [sflag:$0x1] =	stream.linear.gather @!p1 [hbm4b:s13+s12], $0x400, $0x38;
	[tilespmem:$0xC000] =	vst v63  }
0xeb: {  	s13 =	sadd.s32 @!p1 $0x1E8500, s11;
	s14 =	simm.s32 @!p1 $0x1000  }
0xec: {  	[tilespmem:s14], [sflag:$0x1] =	stream.linear.gather @!p1 [hbm4b:s13+s12], $0x400, $0x38;
	[tilespmem:$0xC000] =	vst v63  }
0xed: {  	s13 =	sadd.s32 @!p1 $0x2DC780, s11;
	s14 =	simm.s32 @!p1 $0x1800  }
0xee: {  	[tilespmem:s14], [sflag:$0x1] =	stream.linear.gather @!p1 [hbm4b:s13+s12], $0x400, $0x38;
	[tilespmem:$0xC000] =	vst v63  }
0xef: {  	s13 =	sadd.s32 @!p1 $0x3D0A00, s11;
	s14 =	simm.s32 @!p1 $0x2000  }
0xf0: {  	[tilespmem:s14], [sflag:$0x1] =	stream.linear.gather @!p1 [hbm4b:s13+s12], $0x400, $0x38;
	[tilespmem:$0xC000] =	vst v63  }
0xf1: {  	s13 =	sadd.s32 @!p1 $0x4C4C80, s11;
	s14 =	simm.s32 @!p1 $0x2800  }
0xf2: {  	[tilespmem:s14], [sflag:$0x1] =	stream.linear.gather @!p1 [hbm4b:s13+s12], $0x400, $0x38;
	[tilespmem:$0xC000] =	vst v63  }
0xf3: {  	s13 =	sadd.s32 @!p1 $0x5B8F00, s11;
	s14 =	simm.s32 @!p1 $0x3000  }
0xf4: {  	[tilespmem:s14], [sflag:$0x1] =	stream.linear.gather @!p1 [hbm4b:s13+s12], $0x400, $0x38;
	[tilespmem:$0xC000] =	vst v63  }
0xf5: {  	s10 =	sshll.u32 s10, $0xA;
	s11 =	sadd.s32 @!p1 $0x6AD180, s11;
	s13 =	simm.s32 @!p1 $0x3800  }
0xf6: {  	[tilespmem:s13], [sflag:$0x1] =	stream.linear.gather @!p1 [hbm4b:s11+s12], $0x400, $0x38;
	[tilespmem:$0xC000] =	vst v63  }
0xf7: {  	s10 =	sadd.s32 s15, s10  }
0xf8: {  	[hbm4b:s10+s4] =	stream.linear.scatter [tilespmem:s2], [sflag:$0x3], $0x2000, $0x38;
	[tilespmem:$0xC000] =	vst v63  }
.LBB2_6:
0xf9: {  	s10 =	sshllo.u32 s8, $0x1  }
0xfa: {  	p1 =	sge.u32 s10, s17  }
.Ltmp7:
0xfb: {  	_ = 	snop;
	(pc) =	sbr.rel @p1 .LBB2_10-.Ltmp7, $1  }
0xfc: {  	_ =	sdelay $0x3  }
0xfd: {  	s11 =	simm.s32 $0x2  }
0xfe: {  	s12 =	simm.s32 $0x0;
	s13 =	simm.s32 $0x3;
	v16 =	vadd.s32 s11, v0  }
0xff: {  	v17 =	vadd.s32 s12, v0;
	s12 =	simm.s32 $0x1;
	v18 =	vadd.s32 s13, v0;
	v19 =	vand.u32 $0x3F, v16  }
0x100: {  	_ =	swait.ge [sflag:s7], $0x2000;
	v16 =	vadd.s32 s12, v0;
	v18 =	vand.u32 $0x3F, v18;
	v34 =	vshll.u32 v19, $0x1  }
0x101: {  	p1 =	seq.s32 s8, $0x0;
	[sflag:s7] =	ssyncset.done $0x0;
	v20 =	vand.u32 $0x3F, v16;
	v16 =	vshll.u32 v18, $0x1;
	v21 =	vor.u32 v1, v34  }
0x102: {  	s11 =	simm.s32 @!p1 $0x4;
	[sflag:s7] =	ssyncadd.s32 $0xFFFFE000;
	v17 =	vand.u32 $0x3F, v17;
	v32 =	vshll.u32 v20, $0x1;
	v22 =	vor.u32 v1, v16  }
0x103: {  	_ =	swait.ge @!p1 [sflag:s11], $0x2000;
	v31 =	vshll.u32 v17, $0x1;
	v23 =	vor.u32 v1, v32  }
0x104: {  	[sflag:s11] =	ssyncset.done @!p1 $0x0;
	v24 =	vor.u32 v1, v31  }
0x105: {  	v25 =	vshll.u32 v19, $0x7;
	[sflag:s11] =	ssyncadd.s32 @!p1 $0xFFFFE000  }
0x106: {  	v36 =	vshll.u32 v18, $0x7;
	v19 =	vor.u32 v0, v25;
	v18 =	vld.idx.msk [tilespmem:v21+s3+$0x0], $0xffff  }
0x107: {  	v35 =	vshll.u32 v20, $0x7;
	v20 =	vor.u32 v0, v36;
	v21 =	vor.u32 v2, v34;
	v22 =	vld.idx.msk [tilespmem:v22+s3+$0x0], $0xffff  }
0x108: {  	v33 =	vshll.u32 v17, $0x7;
	v26 =	vor.u32 v2, v16;
	v17 =	vor.u32 v0, v35;
	v23 =	vld.idx.msk [tilespmem:v23+s3+$0x0], $0xffff  }
0x109: {  	v27 =	vor.u32 v0, v33;
	v24 =	vld.idx.msk [tilespmem:v24+s3+$0x0], $0xffff  }
0x10a: {  	v28 =	vor.u32 v2, v32  }
0x10b: {  	v29 =	vor.u32 v2, v31;
	[tilespmem:v19+s26+$0x0] =	vst.idx.msk $0xffff, v18  }
0x10c: {  	v19 =	vor.u32 v3, v25;
	[tilespmem:v20+s26+$0x0] =	vst.idx.msk $0xffff, v22;
	v18 =	vld.idx.msk [tilespmem:v21+s3+$0x0], $0xffff  }
0x10d: {  	[tilespmem:v17+s26+$0x0] =	vst.idx.msk $0xffff, v23;
	v17 =	vor.u32 v4, v34;
	v20 =	vld.idx.msk [tilespmem:v26+s3+$0x0], $0xffff;
	v21 =	vor.u32 v3, v36  }
0x10e: {  	[tilespmem:v27+s26+$0x0] =	vst.idx.msk $0xffff, v24;
	v24 =	vor.u32 v4, v16  }
0x10f: {  	v23 =	vor.u32 v3, v35;
	v22 =	vld.idx.msk [tilespmem:v28+s3+$0x0], $0xffff  }
0x110: {  	v27 =	vor.u32 v3, v33;
	v26 =	vld.idx.msk [tilespmem:v29+s3+$0x0], $0xffff;
	v28 =	vor.u32 v4, v32  }
0x111: {  	v30 =	vor.u32 v8, v31;
	v29 =	vor.u32 v4, v31;
	[tilespmem:v19+s26+$0x0] =	vst.idx.msk $0xffff, v18  }
0x112: {  	v37 =	vor.u32 v7, v33;
	v18 =	vor.u32 v5, v25;
	[tilespmem:v21+s26+$0x0] =	vst.idx.msk $0xffff, v20;
	v17 =	vld.idx.msk [tilespmem:v17+s3+$0x0], $0xffff  }
0x113: {  	v39 =	vor.u32 v9, v25;
	v41 =	vor.u32 v7, v36;
	v21 =	vor.u32 v5, v36;
	v20 =	vld.idx.msk [tilespmem:v24+s3+$0x0], $0xffff  }
0x114: {  	v61 =	vor.u32 v9, v36;
	v19 =	vor.u32 v6, v34;
	[tilespmem:v23+s26+$0x0] =	vst.idx.msk $0xffff, v22  }
0x115: {  	[tilespmem:v27+s26+$0x0] =	vst.idx.msk $0xffff, v26;
	v22 =	vor.u32 v6, v16;
	v24 =	vor.u32 v5, v35;
	v23 =	vld.idx.msk [tilespmem:v28+s3+$0x0], $0xffff  }
0x116: {  	v58 =	vor.u32 v9, v33;
	v49 =	vor.u32 v10, v34;
	v27 =	vor.u32 v5, v33;
	v28 =	vld.idx.msk [tilespmem:v29+s3+$0x0], $0xffff  }
0x117: {  	v54 =	vor.u32 v11, v36;
	v29 =	vor.u32 v6, v32;
	[tilespmem:v18+s26+$0x0] =	vst.idx.msk $0xffff, v17  }
0x118: {  	s13 =	simm.s32 $0x6;
	v55 =	vor.u32 v12, v31;
	v17 =	vor.u32 v6, v31;
	[tilespmem:v21+s26+$0x0] =	vst.idx.msk $0xffff, v20  }
0x119: {  	s14 =	simm.s32 $0x5;
	v20 =	vor.u32 v8, v34;
	v21 =	vadd.s32 s13, v0;
	v18 =	vld.idx.msk [tilespmem:v19+s3+$0x0], $0xffff;
	v19 =	vor.u32 v7, v25  }
0x11a: {  	s13 =	simm.s32 $0x4;
	v40 =	vld.idx.msk [tilespmem:v22+s3+$0x0], $0xffff;
	[tilespmem:v24+s26+$0x0] =	vst.idx.msk $0xffff, v23;
	v24 =	vor.u32 v8, v16;
	v22 =	vadd.s32 s14, v0;
	v42 =	vand.u32 $0x3F, v21  }
0x11b: {  	v21 =	vadd.s32 s13, v0;
	[tilespmem:v27+s26+$0x0] =	vst.idx.msk $0xffff, v28;
	v27 =	vand.u32 $0x3F, v22;
	v22 =	vshll.u32 v42, $0x1  }
0x11c: {  	v38 =	vor.u32 v7, v35;
	v28 =	vld.idx.msk [tilespmem:v29+s3+$0x0], $0xffff;
	v43 =	vand.u32 $0x3F, v21;
	v45 =	vor.u32 v1, v22  }
0x11d: {  	v50 =	vor.u32 v9, v35;
	v26 =	vor.u32 v8, v32;
	s14 =	simm.s32 $0x7;
	v21 =	vshll.u32 v43, $0x1  }
0x11e: {  	v23 =	vshll.u32 v27, $0x1;
	v48 =	vor.u32 v1, v21;
	v44 =	vld.idx.msk [tilespmem:v17+s3+$0x0], $0xffff;
	v17 =	vadd.s32 s14, v0;
	[tilespmem:v19+s26+$0x0] =	vst.idx.msk $0xffff, v18  }
0x11f: {  	v46 =	vor.u32 v1, v23;
	v17 =	vand.u32 $0x3F, v17;
	[tilespmem:v41+s26+$0x0] =	vst.idx.msk $0xffff, v40;
	v47 =	vld.idx.msk [tilespmem:v20+s3+$0x0], $0xffff  }
0x120: {  	v19 =	vshll.u32 v27, $0x7;
	v20 =	vshll.u32 v17, $0x1;
	v27 =	vld.idx.msk [tilespmem:v24+s3+$0x0], $0xffff;
	v24 =	vshll.u32 v42, $0x7  }
0x121: {  	[tilespmem:v38+s26+$0x0] =	vst.idx.msk $0xffff, v28;
	v28 =	vor.u32 v10, v16;
	v63 =	vld.idx.msk [tilespmem:v45+s3+$0x0], $0xffff;
	v42 =	vor.u32 v0, v24  }
0x122: {  	v18 =	vshll.u32 v17, $0x7;
	v17 =	vshll.u32 v43, $0x7;
	v62 =	vor.u32 v1, v20;
	v59 =	vld.idx.msk [tilespmem:v26+s3+$0x0], $0xffff  }
0x123: {  	v56 =	vor.u32 v12, v34;
	v52 =	vor.u32 v0, v17;
	v48 =	vld.idx.msk [tilespmem:v48+s3+$0x0], $0xffff;
	[tilespmem:v37+s26+$0x0] =	vst.idx.msk $0xffff, v44  }
0x124: {  	v38 =	vor.u32 v10, v32;
	v51 =	vor.u32 v0, v19;
	v46 =	vld.idx.msk [tilespmem:v46+s3+$0x0], $0xffff;
	[tilespmem:v39+s26+$0x0] =	vst.idx.msk $0xffff, v47  }
0x125: {  	v29 =	vor.u32 v6, v22;
	v60 =	vor.u32 v2, v22;
	v57 =	vld.idx.msk [tilespmem:v30+s3+$0x0], $0xffff;
	[tilespmem:v61+s26+$0x0] =	vst.idx.msk $0xffff, v27  }
0x126: {  	v26 =	vor.u32 v15, v33;
	v37 =	vor.u32 v10, v31;
	v53 =	vld.idx.msk [tilespmem:v28+s3+$0x0], $0xffff;
	[tilespmem:v42+s26+$0x0] =	vst.idx.msk $0xffff, v63  }
0x127: {  	v44 =	vor.u32 v0, v18;
	v41 =	vld.idx.msk [tilespmem:v62+s3+$0x0], $0xffff;
	v63 =	vor.u32 v2, v23;
	[tilespmem:v50+s26+$0x0] =	vst.idx.msk $0xffff, v59  }
0x128: {  	v43 =	vor.u32 v3, v17;
	v61 =	vor.u32 v12, v16;
	v45 =	vld.idx.msk [tilespmem:v49+s3+$0x0], $0xffff;
	[tilespmem:v52+s26+$0x0] =	vst.idx.msk $0xffff, v48  }
0x129: {  	v47 =	vor.u32 v11, v25;
	v62 =	vor.u32 v2, v20;
	v38 =	vld.idx.msk [tilespmem:v38+s3+$0x0], $0xffff;
	[tilespmem:v51+s26+$0x0] =	vst.idx.msk $0xffff, v46  }
0x12a: {  	v39 =	vor.u32 v11, v35;
	v48 =	vor.u32 v2, v21;
	v52 =	vld.idx.msk [tilespmem:v60+s3+$0x0], $0xffff;
	[tilespmem:v58+s26+$0x0] =	vst.idx.msk $0xffff, v57  }
0x12b: {  	v31 =	vor.u32 v14, v31;
	v50 =	vor.u32 v11, v33;
	v37 =	vld.idx.msk [tilespmem:v37+s3+$0x0], $0xffff;
	[tilespmem:v54+s26+$0x0] =	vst.idx.msk $0xffff, v53  }
0x12c: {  	v60 =	vor.u32 v12, v32;
	v53 =	vor.u32 v3, v24;
	[tilespmem:v44+s26+$0x0] =	vst.idx.msk $0xffff, v41;
	v41 =	vld.idx.msk [tilespmem:v63+s3+$0x0], $0xffff  }
0x12d: {  	v30 =	vor.u32 v14, v34;
	v34 =	vor.u32 v13, v35;
	v58 =	vor.u32 v13, v36;
	v57 =	vld.idx.msk [tilespmem:v61+s3+$0x0], $0xffff  }
0x12e: {  	v63 =	vor.u32 v3, v18;
	[tilespmem:v47+s26+$0x0] =	vst.idx.msk $0xffff, v45;
	v61 =	vor.u32 v4, v22;
	v62 =	vld.idx.msk [tilespmem:v62+s3+$0x0], $0xffff  }
0x12f: {  	v46 =	vor.u32 v3, v19;
	v45 =	vor.u32 v4, v20;
	v40 =	vld.idx.msk [tilespmem:v48+s3+$0x0], $0xffff;
	[tilespmem:v39+s26+$0x0] =	vst.idx.msk $0xffff, v38  }
0x130: {  	v27 =	vor.u32 v15, v36;
	v47 =	vor.u32 v4, v23;
	v38 =	vld.idx.msk [tilespmem:v56+s3+$0x0], $0xffff;
	[tilespmem:v50+s26+$0x0] =	vst.idx.msk $0xffff, v37  }
0x131: {  	v44 =	vor.u32 v4, v21;
	v39 =	vor.u32 v13, v25;
	v36 =	vld.idx.msk [tilespmem:v60+s3+$0x0], $0xffff;
	[tilespmem:v53+s26+$0x0] =	vst.idx.msk $0xffff, v52  }
0x132: {  	v28 =	vor.u32 v15, v35;
	v33 =	vor.u32 v13, v33;
	v37 =	vld.idx.msk [tilespmem:v55+s3+$0x0], $0xffff;
	[tilespmem:v58+s26+$0x0] =	vst.idx.msk $0xffff, v57  }
0x133: {  	s10 =	sadd.s32 s5, s10;
	s11 =	simm.s32 $0x8;
	v35 =	vor.u32 v14, v32;
	v48 =	vor.u32 v5, v24;
	v42 =	vld.idx.msk [tilespmem:v61+s3+$0x0], $0xffff;
	[tilespmem:v63+s26+$0x0] =	vst.idx.msk $0xffff, v62  }
.LBB2_8:
0x134: {  	p1 =	slt.u32 s11, $0x3C;
	[tilespmem:v46+s26+$0x0] =	vst.idx.msk $0xffff, v41;
	v32 =	vld.idx.msk [tilespmem:v45+s3+$0x0], $0xffff;
	v25 =	vor.u32 v15, v25;
	v16 =	vor.u32 v14, v16;
	s12 =	smov.u32 s11;
	s11 =	sadd.s32 $0x4, s11  }
0x135: {  	v41 =	vor.u32 v8, v23;
	[tilespmem:v43+s26+$0x0] =	vst.idx.msk $0xffff, v40;
	v40 =	vld.idx.msk [tilespmem:v47+s3+$0x0], $0xffff;
	v43 =	vor.u32 v5, v18  }
0x136: {  	v45 =	vor.u32 v5, v19;
	v46 =	vor.u32 v6, v20;
	v44 =	vld.idx.msk [tilespmem:v44+s3+$0x0], $0xffff;
	[tilespmem:v39+s26+$0x0] =	vst.idx.msk $0xffff, v38  }
0x137: {  	v38 =	vor.u32 v5, v17;
	v39 =	vor.u32 v8, v21;
	[tilespmem:v34+s26+$0x0] =	vst.idx.msk $0xffff, v36;
	v30 =	vld.idx.msk [tilespmem:v30+s3+$0x0], $0xffff  }
0x138: {  	v34 =	vor.u32 v7, v17;
	v36 =	vor.u32 v7, v19;
	[tilespmem:v48+s26+$0x0] =	vst.idx.msk $0xffff, v42;
	v35 =	vld.idx.msk [tilespmem:v35+s3+$0x0], $0xffff  }
0x139: {  	v47 =	vor.u32 v9, v24;
	v42 =	vor.u32 v6, v23;
	v29 =	vld.idx.msk [tilespmem:v29+s3+$0x0], $0xffff;
	[tilespmem:v33+s26+$0x0] =	vst.idx.msk $0xffff, v37  }
0x13a: {  	v33 =	vor.u32 v6, v21;
	v37 =	vor.u32 v7, v24;
	[tilespmem:v43+s26+$0x0] =	vst.idx.msk $0xffff, v32;
	v43 =	vld.idx.msk [tilespmem:v31+s3+$0x0], $0xffff  }
0x13b: {  	[tilespmem:v45+s26+$0x0] =	vst.idx.msk $0xffff, v40;
	v40 =	vor.u32 v8, v22;
	v45 =	vld.idx.msk [tilespmem:v46+s3+$0x0], $0xffff;
	v46 =	vor.u32 v8, v20  }
0x13c: {  	s13 =	sadd.s32 $0x1, s12;
	s14 =	sadd.s32 $0x2, s12;
	v48 =	vadd.s32 s12, v0;
	s12 =	sadd.s32 $0x3, s12;
	v31 =	vmov v23;
	[tilespmem:v38+s26+$0x0] =	vst.idx.msk $0xffff, v44;
	v38 =	vor.u32 v7, v18;
	v44 =	vld.idx.msk [tilespmem:v16+s3+$0x0], $0xffff  }
0x13d: {  	v50 =	vmovc v22;
	v49 =	vadd.s32 s12, v0;
	v23 =	vadd.s32 s14, v0;
	v32 =	vmovc v21;
	v16 =	vadd.s32 s13, v0;
	[tilespmem:v25+s26+$0x0] =	vst.idx.msk $0xffff, v30  }
0x13e: {  	v16 =	vand.u32 $0x3F, v16;
	v30 =	vand.u32 $0x3F, v23;
	v25 =	vand.u32 $0x3F, v49;
	v42 =	vld.idx.msk [tilespmem:v42+s3+$0x0], $0xffff;
	[tilespmem:v28+s26+$0x0] =	vst.idx.msk $0xffff, v35;
	v35 =	vmovc v19  }
0x13f: {  	v28 =	vand.u32 $0x3F, v48;
	v23 =	vshll.u32 v16, $0x1;
	v22 =	vshll.u32 v30, $0x1;
	v33 =	vld.idx.msk [tilespmem:v33+s3+$0x0], $0xffff;
	[tilespmem:v37+s26+$0x0] =	vst.idx.msk $0xffff, v29;
	v37 =	vmovc v18  }
0x140: {  	v51 =	vmovc v17;
	v21 =	vshll.u32 v28, $0x1;
	v48 =	vor.u32 v1, v23;
	v49 =	vor.u32 v1, v22;
	v40 =	vld.idx.msk [tilespmem:v40+s3+$0x0], $0xffff  }
0x141: {  	v19 =	vshll.u32 v16, $0x7;
	v18 =	vshll.u32 v25, $0x7;
	v52 =	vor.u32 v1, v21;
	v16 =	vmovc v20;
	[tilespmem:v38+s26+$0x0] =	vst.idx.msk $0xffff, v45  }
0x142: {  	v17 =	vshll.u32 v28, $0x7;
	v29 =	vor.u32 v6, v22;
	v20 =	vshll.u32 v25, $0x1;
	v28 =	vld.idx.msk [tilespmem:v46+s3+$0x0], $0xffff;
	[tilespmem:v27+s26+$0x0] =	vst.idx.msk $0xffff, v44  }
0x143: {  	v25 =	vmov v24;
	v38 =	vor.u32 v1, v20;
	v27 =	vor.u32 v9, v37;
	[tilespmem:v26+s26+$0x0] =	vst.idx.msk $0xffff, v43  }
0x144: {  	v26 =	vor.u32 v10, v16;
	[tilespmem:v36+s26+$0x0] =	vst.idx.msk $0xffff, v42;
	v36 =	vor.u32 v10, v31  }
0x145: {  	v24 =	vshll.u32 v30, $0x7;
	v42 =	vld.idx.msk [tilespmem:v49+s3+$0x0], $0xffff;
	[tilespmem:v34+s26+$0x0] =	vst.idx.msk $0xffff, v33;
	v33 =	vor.u32 v10, v32  }
0x146: {  	v30 =	vor.u32 v0, v24;
	v34 =	vor.u32 v0, v18;
	v39 =	vld.idx.msk [tilespmem:v39+s3+$0x0], $0xffff;
	[tilespmem:v47+s26+$0x0] =	vst.idx.msk $0xffff, v40  }
0x147: {  	v44 =	vor.u32 v10, v50;
	v43 =	vor.u32 v9, v35;
	v40 =	vor.u32 v9, v51;
	v41 =	vld.idx.msk [tilespmem:v41+s3+$0x0], $0xffff  }
0x148: {  	v46 =	vor.u32 v0, v19;
	v47 =	vor.u32 v2, v22;
	v45 =	vld.idx.msk [tilespmem:v52+s3+$0x0], $0xffff;
	[tilespmem:v27+s26+$0x0] =	vst.idx.msk $0xffff, v28  }
0x149: {  	v49 =	vor.u32 v0, v17;
	v27 =	vor.u32 v15, v37;
	v52 =	vld.idx.msk [tilespmem:v26+s3+$0x0], $0xffff  }
0x14a: {  	v53 =	vor.u32 v11, v37;
	v28 =	vor.u32 v15, v35;
	v26 =	vor.u32 v15, v51;
	v38 =	vld.idx.msk [tilespmem:v38+s3+$0x0], $0xffff  }
0x14b: {  	v48 =	vld.idx.msk [tilespmem:v48+s3+$0x0], $0xffff;
	[tilespmem:v30+s26+$0x0] =	vst.idx.msk $0xffff, v42;
	v30 =	vor.u32 v14, v50;
	v42 =	vor.u32 v12, v16  }
0x14c: {  	v54 =	vor.u32 v2, v20;
	[tilespmem:v40+s26+$0x0] =	vst.idx.msk $0xffff, v39;
	v39 =	vor.u32 v11, v35;
	v40 =	vld.idx.msk [tilespmem:v44+s3+$0x0], $0xffff  }
0x14d: {  	v44 =	vor.u32 v2, v23;
	v33 =	vld.idx.msk [tilespmem:v33+s3+$0x0], $0xffff;
	[tilespmem:v43+s26+$0x0] =	vst.idx.msk $0xffff, v41;
	v43 =	vor.u32 v11, v25  }
0x14e: {  	[tilespmem:v49+s26+$0x0] =	vst.idx.msk $0xffff, v45;
	v45 =	vor.u32 v2, v21;
	v49 =	vor.u32 v11, v51;
	v36 =	vld.idx.msk [tilespmem:v36+s3+$0x0], $0xffff  }
0x14f: {  	v56 =	vor.u32 v12, v32;
	v50 =	vor.u32 v12, v50;
	v55 =	vld.idx.msk [tilespmem:v47+s3+$0x0], $0xffff;
	[tilespmem:v53+s26+$0x0] =	vst.idx.msk $0xffff, v52  }
0x150: {  	v52 =	vor.u32 v3, v24;
	v53 =	vor.u32 v12, v31;
	[tilespmem:v34+s26+$0x0] =	vst.idx.msk $0xffff, v38;
	v57 =	vld.idx.msk [tilespmem:v42+s3+$0x0], $0xffff  }
0x151: {  	v37 =	vor.u32 v13, v37;
	v42 =	vor.u32 v4, v22;
	[tilespmem:v46+s26+$0x0] =	vst.idx.msk $0xffff, v48;
	v54 =	vld.idx.msk [tilespmem:v54+s3+$0x0], $0xffff  }
0x152: {  	v58 =	vor.u32 v3, v18;
	v34 =	vor.u32 v13, v35;
	v41 =	vld.idx.msk [tilespmem:v44+s3+$0x0], $0xffff;
	[tilespmem:v43+s26+$0x0] =	vst.idx.msk $0xffff, v40  }
.Ltmp8:
0x153: {  	v46 =	vor.u32 v3, v19;
	v40 =	vld.idx.msk [tilespmem:v45+s3+$0x0], $0xffff;
	v45 =	vor.u32 v4, v20;
	[tilespmem:v49+s26+$0x0] =	vst.idx.msk $0xffff, v33;
	(pc) =	sbr.rel @p1 .LBB2_8-.Ltmp8, $4  }
0x154: {  	v47 =	vor.u32 v4, v23;
	v43 =	vor.u32 v3, v17;
	[tilespmem:v39+s26+$0x0] =	vst.idx.msk $0xffff, v36;
	v38 =	vld.idx.msk [tilespmem:v50+s3+$0x0], $0xffff  }
0x155: {  	v44 =	vor.u32 v4, v21;
	v39 =	vor.u32 v13, v25;
	[tilespmem:v52+s26+$0x0] =	vst.idx.msk $0xffff, v55;
	v36 =	vld.idx.msk [tilespmem:v53+s3+$0x0], $0xffff  }
0x156: {  	v35 =	vor.u32 v14, v31;
	v33 =	vor.u32 v13, v51;
	v42 =	vld.idx.msk [tilespmem:v42+s3+$0x0], $0xffff;
	[tilespmem:v37+s26+$0x0] =	vst.idx.msk $0xffff, v57  }
0x157: {  	v31 =	vor.u32 v14, v32;
	v48 =	vor.u32 v5, v24;
	[tilespmem:v58+s26+$0x0] =	vst.idx.msk $0xffff, v54;
	v37 =	vld.idx.msk [tilespmem:v56+s3+$0x0], $0xffff  }
0x158: {  	_ =	sdelay $0x3  }
0x159: {  	[tilespmem:v46+s26+$0x0] =	vst.idx.msk $0xffff, v41;
	v45 =	vld.idx.msk [tilespmem:v45+s3+$0x0], $0xffff;
	v58 =	vor.u32 v5, v18  }
0x15a: {  	v57 =	vor.u32 v5, v19;
	[tilespmem:v43+s26+$0x0] =	vst.idx.msk $0xffff, v40;
	v60 =	vor.u32 v6, v20;
	v32 =	vld.idx.msk [tilespmem:v47+s3+$0x0], $0xffff  }
0x15b: {  	v59 =	vor.u32 v6, v23;
	v61 =	vor.u32 v5, v17;
	v44 =	vld.idx.msk [tilespmem:v44+s3+$0x0], $0xffff  }
0x15c: {  	v49 =	vor.u32 v6, v21  }
0x15d: {  	[tilespmem:v48+s26+$0x0] =	vst.idx.msk $0xffff, v42  }
0x15e: {  	v62 =	vor.u32 v7, v24;
	v29 =	vld.idx.msk [tilespmem:v29+s3+$0x0], $0xffff;
	[tilespmem:v58+s26+$0x0] =	vst.idx.msk $0xffff, v45  }
0x15f: {  	v52 =	vor.u32 v8, v22;
	v54 =	vor.u32 v7, v18;
	[tilespmem:v57+s26+$0x0] =	vst.idx.msk $0xffff, v32;
	v45 =	vld.idx.msk [tilespmem:v60+s3+$0x0], $0xffff  }
0x160: {  	v63 =	vor.u32 v7, v19;
	v56 =	vor.u32 v8, v20;
	[tilespmem:v61+s26+$0x0] =	vst.idx.msk $0xffff, v44;
	v41 =	vld.idx.msk [tilespmem:v59+s3+$0x0], $0xffff  }
0x161: {  	v53 =	vor.u32 v8, v23;
	v55 =	vor.u32 v7, v17;
	v57 =	vld.idx.msk [tilespmem:v49+s3+$0x0], $0xffff  }
0x162: {  	v58 =	vor.u32 v8, v21  }
0x163: {  	[tilespmem:v62+s26+$0x0] =	vst.idx.msk $0xffff, v29  }
0x164: {  	v59 =	vor.u32 v9, v24;
	v40 =	vld.idx.msk [tilespmem:v52+s3+$0x0], $0xffff;
	[tilespmem:v54+s26+$0x0] =	vst.idx.msk $0xffff, v45  }
0x165: {  	v61 =	vor.u32 v10, v22;
	[tilespmem:v63+s26+$0x0] =	vst.idx.msk $0xffff, v41;
	v62 =	vld.idx.msk [tilespmem:v56+s3+$0x0], $0xffff;
	v63 =	vor.u32 v9, v18  }
0x166: {  	v60 =	vor.u32 v9, v19;
	[tilespmem:v55+s26+$0x0] =	vst.idx.msk $0xffff, v57;
	v32 =	vld.idx.msk [tilespmem:v53+s3+$0x0], $0xffff;
	v53 =	vor.u32 v10, v20  }
0x167: {  	v52 =	vor.u32 v10, v23;
	v55 =	vor.u32 v9, v17;
	v54 =	vld.idx.msk [tilespmem:v58+s3+$0x0], $0xffff  }
0x168: {  	[tilespmem:v39+s26+$0x0] =	vst.idx.msk $0xffff, v38;
	v56 =	vor.u32 v10, v21  }
0x169: {  	[tilespmem:v59+s26+$0x0] =	vst.idx.msk $0xffff, v40  }
0x16a: {  	v57 =	vor.u32 v11, v24;
	v29 =	vld.idx.msk [tilespmem:v61+s3+$0x0], $0xffff;
	[tilespmem:v63+s26+$0x0] =	vst.idx.msk $0xffff, v62  }
0x16b: {  	v62 =	vor.u32 v11, v18;
	[tilespmem:v60+s26+$0x0] =	vst.idx.msk $0xffff, v32;
	v60 =	vor.u32 v12, v22;
	v61 =	vld.idx.msk [tilespmem:v53+s3+$0x0], $0xffff  }
0x16c: {  	v47 =	vor.u32 v12, v20;
	v58 =	vor.u32 v11, v19;
	[tilespmem:v55+s26+$0x0] =	vst.idx.msk $0xffff, v54;
	v59 =	vld.idx.msk [tilespmem:v52+s3+$0x0], $0xffff  }
0x16d: {  	[tilespmem:v34+s26+$0x0] =	vst.idx.msk $0xffff, v36;
	v49 =	vor.u32 v11, v17;
	v63 =	vor.u32 v12, v23;
	v48 =	vld.idx.msk [tilespmem:v56+s3+$0x0], $0xffff  }
0x16e: {  	v25 =	vor.u32 v15, v25;
	v50 =	vor.u32 v12, v21;
	v30 =	vld.idx.msk [tilespmem:v30+s3+$0x0], $0xffff;
	[tilespmem:v33+s26+$0x0] =	vst.idx.msk $0xffff, v37  }
0x16f: {  	v16 =	vor.u32 v14, v16;
	v35 =	vld.idx.msk [tilespmem:v35+s3+$0x0], $0xffff;
	[tilespmem:v57+s26+$0x0] =	vst.idx.msk $0xffff, v29  }
0x170: {  	v51 =	vor.u32 v13, v24;
	v29 =	vld.idx.msk [tilespmem:v60+s3+$0x0], $0xffff;
	[tilespmem:v62+s26+$0x0] =	vst.idx.msk $0xffff, v61  }
0x171: {  	v54 =	vor.u32 v13, v18;
	v52 =	vor.u32 v14, v22;
	[tilespmem:v58+s26+$0x0] =	vst.idx.msk $0xffff, v59;
	v34 =	vld.idx.msk [tilespmem:v47+s3+$0x0], $0xffff  }
0x172: {  	v53 =	vor.u32 v13, v19;
	[tilespmem:v49+s26+$0x0] =	vst.idx.msk $0xffff, v48;
	v58 =	vor.u32 v14, v20;
	v39 =	vld.idx.msk [tilespmem:v63+s3+$0x0], $0xffff  }
0x173: {  	[tilespmem:v25+s26+$0x0] =	vst.idx.msk $0xffff, v30;
	v55 =	vor.u32 v14, v23;
	v56 =	vor.u32 v13, v17;
	v57 =	vld.idx.msk [tilespmem:v50+s3+$0x0], $0xffff  }
0x174: {  	v16 =	vld.idx.msk [tilespmem:v16+s3+$0x0], $0xffff;
	[tilespmem:v28+s26+$0x0] =	vst.idx.msk $0xffff, v35;
	v59 =	vor.u32 v14, v21  }
0x175: {  	v60 =	vld.idx.msk [tilespmem:v31+s3+$0x0], $0xffff;
	[tilespmem:v51+s26+$0x0] =	vst.idx.msk $0xffff, v29  }
0x176: {  	v61 =	vor.u32 v15, v24;
	v22 =	vld.idx.msk [tilespmem:v52+s3+$0x0], $0xffff;
	[tilespmem:v54+s26+$0x0] =	vst.idx.msk $0xffff, v34  }
0x177: {  	v63 =	vor.u32 v15, v18;
	[tilespmem:v53+s26+$0x0] =	vst.idx.msk $0xffff, v39;
	v20 =	vld.idx.msk [tilespmem:v58+s3+$0x0], $0xffff  }
0x178: {  	v62 =	vor.u32 v15, v19;
	[tilespmem:v56+s26+$0x0] =	vst.idx.msk $0xffff, v57;
	v23 =	vld.idx.msk [tilespmem:v55+s3+$0x0], $0xffff  }
0x179: {  	[tilespmem:v27+s26+$0x0] =	vst.idx.msk $0xffff, v16;
	v16 =	vor.u32 v15, v17;
	v17 =	vld.idx.msk [tilespmem:v59+s3+$0x0], $0xffff  }
0x17a: {  	s9 =	sadd.s32 $0x3, s9;
	[tilespmem:v26+s26+$0x0] =	vst.idx.msk $0xffff, v60  }
0x17b: {  	p1 =	sge.u32 s9, s17;
	[tilespmem:v61+s26+$0x0] =	vst.idx.msk $0xffff, v22  }
0x17c: {  	s9 =	sadd.s32 @!p1 s5, s9;
	[tilespmem:v63+s26+$0x0] =	vst.idx.msk $0xffff, v20  }
0x17d: {  	s9 =	sshll.u32 @!p1 s9, $0x7;
	[tilespmem:v62+s26+$0x0] =	vst.idx.msk $0xffff, v23  }
0x17e: {  	s11 =	simm.s32 @!p1 $0x0;
	s12 =	simm.s32 @!p1 $0x4000;
	s9 =	sadd.s32 @!p1 s1, s9;
	[tilespmem:v16+s26+$0x0] =	vst.idx.msk $0xffff, v17  }
0x17f: {  	[tilespmem:s12], [sflag:$0x2] =	stream.linear.gather @!p1 [hbm4b:s9+s11], $0x400, $0x38;
	[tilespmem:$0xC000] =	vst v63  }
0x180: {  	s13 =	simm.s32 @!p1 $0x4800;
	s12 =	sadd.s32 @!p1 $0xF4280, s9  }
0x181: {  	[tilespmem:s13], [sflag:$0x2] =	stream.linear.gather @!p1 [hbm4b:s12+s11], $0x400, $0x38;
	[tilespmem:$0xC000] =	vst v63  }
0x182: {  	s12 =	sadd.s32 @!p1 $0x1E8500, s9;
	s13 =	simm.s32 @!p1 $0x5000  }
0x183: {  	[tilespmem:s13], [sflag:$0x2] =	stream.linear.gather @!p1 [hbm4b:s12+s11], $0x400, $0x38;
	[tilespmem:$0xC000] =	vst v63  }
0x184: {  	s12 =	sadd.s32 @!p1 $0x2DC780, s9;
	s13 =	simm.s32 @!p1 $0x5800  }
0x185: {  	[tilespmem:s13], [sflag:$0x2] =	stream.linear.gather @!p1 [hbm4b:s12+s11], $0x400, $0x38;
	[tilespmem:$0xC000] =	vst v63  }
0x186: {  	s12 =	sadd.s32 @!p1 $0x3D0A00, s9;
	s13 =	simm.s32 @!p1 $0x6000  }
0x187: {  	[tilespmem:s13], [sflag:$0x2] =	stream.linear.gather @!p1 [hbm4b:s12+s11], $0x400, $0x38;
	[tilespmem:$0xC000] =	vst v63  }
0x188: {  	s12 =	sadd.s32 @!p1 $0x4C4C80, s9;
	s13 =	simm.s32 @!p1 $0x6800  }
0x189: {  	[tilespmem:s13], [sflag:$0x2] =	stream.linear.gather @!p1 [hbm4b:s12+s11], $0x400, $0x38;
	[tilespmem:$0xC000] =	vst v63  }
0x18a: {  	s12 =	sadd.s32 @!p1 $0x5B8F00, s9;
	s13 =	simm.s32 @!p1 $0x7000  }
0x18b: {  	[tilespmem:s13], [sflag:$0x2] =	stream.linear.gather @!p1 [hbm4b:s12+s11], $0x400, $0x38;
	[tilespmem:$0xC000] =	vst v63  }
.Ltmp9:
0x18c: {  	_ = 	snop;
	(pc) =	sbr.rel .LBB2_10-.Ltmp9, $4  }
0x18d: {  	s14 =	sshll.u32 s10, $0xA;
	s9 =	sadd.s32 @!p1 $0x6AD180, s9;
	s12 =	simm.s32 @!p1 $0x7800  }
0x18e: {  	[tilespmem:s12], [sflag:$0x2] =	stream.linear.gather @!p1 [hbm4b:s9+s11], $0x400, $0x38;
	[tilespmem:$0xC000] =	vst v63  }
0x18f: {  	s9 =	sadd.s32 s15, s14  }
0x190: {  	[hbm4b:s9+s4] =	stream.linear.scatter [tilespmem:s26], [sflag:$0x4], $0x2000, $0x38;
	[tilespmem:$0xC000] =	vst v63  }
.LBB2_12:
0x191: {  	s9 =	rddreg [dreg:$0x1]  }
0x192: {  	s8 =	simm.s32 $0x0;
	s12 =	rddreg [dreg:$0xc]  }
0x193: {  	[tilespmem:s8], [sflag:$0x5] =	stream.linear.gather [hbm4b:s9+s8], $0x400, $0x38;
	[tilespmem:$0xC000] =	vst v63  }
0x194: {  	s10 =	simm.s32 $0x800;
	s13 =	rddreg [dreg:$0xd]  }
0x195: {  	[tilespmem:s10], [sflag:$0x5] =	stream.linear.gather [hbm4b:s12+s8], $0x400, $0x38;
	[tilespmem:$0xC000] =	vst v63  }
0x196: {  	s14 =	simm.s32 $0x1000;
	s11 =	rddreg [dreg:$0xe]  }
0x197: {  	[tilespmem:s14], [sflag:$0x5] =	stream.linear.gather [hbm4b:s13+s8], $0x400, $0x38;
	[tilespmem:$0xC000] =	vst v63  }
0x198: {  	s12 =	simm.s32 $0x1800;
	s10 =	rddreg [dreg:$0x10]  }
0x199: {  	[tilespmem:s12], [sflag:$0x5] =	stream.linear.gather [hbm4b:s11+s8], $0x400, $0x38;
	[tilespmem:$0xC000] =	vst v63  }
0x19a: {  	s13 =	rddreg [dreg:$0xf];
	s14 =	simm.s32 $0x2000  }
0x19b: {  	[tilespmem:s14], [sflag:$0x5] =	stream.linear.gather [hbm4b:s13+s8], $0x400, $0x38;
	[tilespmem:$0xC000] =	vst v63  }
0x19c: {  	s11 =	simm.s32 $0x2800;
	s12 =	simm.s32 $0x2;
	s13 =	simm.s32 $0x3  }
0x19d: {  	v16 =	vadd.s32 s12, v0;
	[tilespmem:s11], [sflag:$0x5] =	stream.linear.gather [hbm4b:s10+s8], $0x400, $0x38;
	[tilespmem:$0xC000] =	vst v63  }
0x19e: {  	v17 =	vadd.s32 s8, v0;
	s12 =	rddreg [dreg:$0x11];
	s14 =	simm.s32 $0x1;
	v19 =	vand.u32 $0x3F, v16;
	v18 =	vadd.s32 s13, v0;
	s11 =	simm.s32 $0x3000  }
0x19f: {  	v16 =	vadd.s32 s14, v0;
	v34 =	vshll.u32 v19, $0x1;
	v18 =	vand.u32 $0x3F, v18;
	[tilespmem:s11], [sflag:$0x5] =	stream.linear.gather [hbm4b:s12+s8], $0x400, $0x38;
	[tilespmem:$0xC000] =	vst v63  }
0x1a0: {  	s13 =	rddreg [dreg:$0x12];
	s14 =	simm.s32 $0x3800;
	v20 =	vand.u32 $0x3F, v16;
	v21 =	vor.u32 v1, v34;
	v16 =	vshll.u32 v18, $0x1  }
0x1a1: {  	v17 =	vand.u32 $0x3F, v17;
	v32 =	vshll.u32 v20, $0x1;
	v22 =	vor.u32 v1, v16;
	[tilespmem:s14], [sflag:$0x5] =	stream.linear.gather [hbm4b:s13+s8], $0x400, $0x38;
	[tilespmem:$0xC000] =	vst v63  }
0x1a2: {  	v31 =	vshll.u32 v17, $0x1;
	v23 =	vor.u32 v1, v32;
	_ =	swait.ge [sflag:s30], $0x2000  }
0x1a3: {  	v24 =	vor.u32 v1, v31;
	[sflag:s30] =	ssyncset.done $0x0  }
0x1a4: {  	v25 =	vshll.u32 v19, $0x7;
	[sflag:s30] =	ssyncadd.s32 $0xFFFFE000  }
0x1a5: {  	v19 =	vor.u32 v0, v25;
	v36 =	vshll.u32 v18, $0x7;
	v18 =	vld.idx.msk [tilespmem:v21+s4+$0x0], $0xffff  }
0x1a6: {  	v35 =	vshll.u32 v20, $0x7;
	v20 =	vor.u32 v0, v36;
	v21 =	vor.u32 v2, v34;
	v22 =	vld.idx.msk [tilespmem:v22+s4+$0x0], $0xffff  }
0x1a7: {  	v33 =	vshll.u32 v17, $0x7;
	v17 =	vor.u32 v0, v35;
	v26 =	vor.u32 v2, v16;
	v23 =	vld.idx.msk [tilespmem:v23+s4+$0x0], $0xffff  }
0x1a8: {  	v27 =	vor.u32 v0, v33;
	v28 =	vor.u32 v2, v32;
	v24 =	vld.idx.msk [tilespmem:v24+s4+$0x0], $0xffff  }
0x1a9: {  	v29 =	vor.u32 v2, v31  }
0x1aa: {  	[tilespmem:v19+s2+$0x0] =	vst.idx.msk $0xffff, v18  }
0x1ab: {  	v19 =	vor.u32 v3, v25;
	[tilespmem:v20+s2+$0x0] =	vst.idx.msk $0xffff, v22;
	v18 =	vld.idx.msk [tilespmem:v21+s4+$0x0], $0xffff  }
0x1ac: {  	[tilespmem:v17+s2+$0x0] =	vst.idx.msk $0xffff, v23;
	v17 =	vor.u32 v4, v34;
	v20 =	vld.idx.msk [tilespmem:v26+s4+$0x0], $0xffff;
	v21 =	vor.u32 v3, v36  }
0x1ad: {  	[tilespmem:v27+s2+$0x0] =	vst.idx.msk $0xffff, v24;
	v23 =	vor.u32 v3, v35;
	v24 =	vor.u32 v4, v16;
	v22 =	vld.idx.msk [tilespmem:v28+s4+$0x0], $0xffff  }
0x1ae: {  	v30 =	vor.u32 v8, v31;
	v27 =	vor.u32 v3, v33;
	v26 =	vld.idx.msk [tilespmem:v29+s4+$0x0], $0xffff;
	v28 =	vor.u32 v4, v32  }
0x1af: {  	v37 =	vor.u32 v7, v33;
	v58 =	vor.u32 v9, v33;
	v29 =	vor.u32 v4, v31  }
0x1b0: {  	v55 =	vor.u32 v12, v31;
	v39 =	vor.u32 v9, v25;
	[tilespmem:v19+s2+$0x0] =	vst.idx.msk $0xffff, v18  }
0x1b1: {  	v49 =	vor.u32 v10, v34;
	v18 =	vor.u32 v5, v25;
	[tilespmem:v21+s2+$0x0] =	vst.idx.msk $0xffff, v20;
	v17 =	vld.idx.msk [tilespmem:v17+s4+$0x0], $0xffff  }
0x1b2: {  	v19 =	vor.u32 v6, v34;
	[tilespmem:v23+s2+$0x0] =	vst.idx.msk $0xffff, v22;
	v21 =	vor.u32 v5, v36;
	v20 =	vld.idx.msk [tilespmem:v24+s4+$0x0], $0xffff  }
0x1b3: {  	[tilespmem:v27+s2+$0x0] =	vst.idx.msk $0xffff, v26;
	v22 =	vor.u32 v6, v16;
	v23 =	vld.idx.msk [tilespmem:v28+s4+$0x0], $0xffff;
	v24 =	vor.u32 v5, v35  }
0x1b4: {  	v56 =	vor.u32 v12, v34;
	v27 =	vor.u32 v5, v33;
	v28 =	vld.idx.msk [tilespmem:v29+s4+$0x0], $0xffff;
	v29 =	vor.u32 v6, v32  }
0x1b5: {  	v38 =	vor.u32 v7, v35;
	v41 =	vor.u32 v7, v36;
	v61 =	vor.u32 v9, v36  }
0x1b6: {  	v26 =	vor.u32 v8, v32;
	[tilespmem:v18+s2+$0x0] =	vst.idx.msk $0xffff, v17;
	v17 =	vor.u32 v6, v31  }
0x1b7: {  	s11 =	simm.s32 $0x6;
	[tilespmem:v21+s2+$0x0] =	vst.idx.msk $0xffff, v20;
	v20 =	vor.u32 v8, v34;
	v18 =	vld.idx.msk [tilespmem:v19+s4+$0x0], $0xffff;
	v19 =	vor.u32 v7, v25  }
0x1b8: {  	s12 =	simm.s32 $0x5;
	s13 =	simm.s32 $0x4;
	v21 =	vadd.s32 s11, v0;
	[tilespmem:v24+s2+$0x0] =	vst.idx.msk $0xffff, v23;
	v24 =	vor.u32 v8, v16;
	v40 =	vld.idx.msk [tilespmem:v22+s4+$0x0], $0xffff  }
0x1b9: {  	[tilespmem:v27+s2+$0x0] =	vst.idx.msk $0xffff, v28;
	v22 =	vadd.s32 s12, v0;
	v42 =	vand.u32 $0x3F, v21;
	v21 =	vadd.s32 s13, v0;
	v28 =	vld.idx.msk [tilespmem:v29+s4+$0x0], $0xffff  }
0x1ba: {  	v27 =	vand.u32 $0x3F, v22;
	v22 =	vshll.u32 v42, $0x1;
	v43 =	vand.u32 $0x3F, v21  }
0x1bb: {  	v50 =	vor.u32 v9, v35;
	v45 =	vor.u32 v1, v22;
	v21 =	vshll.u32 v43, $0x1  }
0x1bc: {  	s14 =	simm.s32 $0x7;
	v23 =	vshll.u32 v27, $0x1;
	v48 =	vor.u32 v1, v21;
	v44 =	vld.idx.msk [tilespmem:v17+s4+$0x0], $0xffff;
	[tilespmem:v19+s2+$0x0] =	vst.idx.msk $0xffff, v18  }
0x1bd: {  	v46 =	vor.u32 v1, v23;
	v17 =	vadd.s32 s14, v0;
	[tilespmem:v41+s2+$0x0] =	vst.idx.msk $0xffff, v40;
	v47 =	vld.idx.msk [tilespmem:v20+s4+$0x0], $0xffff  }
0x1be: {  	v17 =	vand.u32 $0x3F, v17;
	v19 =	vshll.u32 v27, $0x7;
	[tilespmem:v38+s2+$0x0] =	vst.idx.msk $0xffff, v28;
	v28 =	vor.u32 v10, v16;
	v27 =	vld.idx.msk [tilespmem:v24+s4+$0x0], $0xffff  }
0x1bf: {  	v20 =	vshll.u32 v17, $0x1;
	v18 =	vshll.u32 v17, $0x7;
	v24 =	vshll.u32 v42, $0x7;
	v59 =	vld.idx.msk [tilespmem:v26+s4+$0x0], $0xffff  }
0x1c0: {  	v17 =	vshll.u32 v43, $0x7;
	v62 =	vor.u32 v1, v20;
	v63 =	vld.idx.msk [tilespmem:v45+s4+$0x0], $0xffff;
	v42 =	vor.u32 v0, v24  }
0x1c1: {  	v54 =	vor.u32 v11, v36;
	v52 =	vor.u32 v0, v17;
	v48 =	vld.idx.msk [tilespmem:v48+s4+$0x0], $0xffff;
	[tilespmem:v37+s2+$0x0] =	vst.idx.msk $0xffff, v44  }
0x1c2: {  	v38 =	vor.u32 v10, v32;
	v51 =	vor.u32 v0, v19;
	v46 =	vld.idx.msk [tilespmem:v46+s4+$0x0], $0xffff;
	[tilespmem:v39+s2+$0x0] =	vst.idx.msk $0xffff, v47  }
0x1c3: {  	v29 =	vor.u32 v6, v22;
	v60 =	vor.u32 v2, v22;
	v57 =	vld.idx.msk [tilespmem:v30+s4+$0x0], $0xffff;
	[tilespmem:v61+s2+$0x0] =	vst.idx.msk $0xffff, v27  }
0x1c4: {  	v26 =	vor.u32 v15, v33;
	v37 =	vor.u32 v10, v31;
	[tilespmem:v50+s2+$0x0] =	vst.idx.msk $0xffff, v59;
	v53 =	vld.idx.msk [tilespmem:v28+s4+$0x0], $0xffff  }
0x1c5: {  	v44 =	vor.u32 v0, v18;
	v41 =	vld.idx.msk [tilespmem:v62+s4+$0x0], $0xffff;
	[tilespmem:v42+s2+$0x0] =	vst.idx.msk $0xffff, v63;
	v63 =	vor.u32 v2, v23  }
0x1c6: {  	v43 =	vor.u32 v3, v17;
	v61 =	vor.u32 v12, v16;
	v45 =	vld.idx.msk [tilespmem:v49+s4+$0x0], $0xffff;
	[tilespmem:v52+s2+$0x0] =	vst.idx.msk $0xffff, v48  }
0x1c7: {  	v47 =	vor.u32 v11, v25;
	v62 =	vor.u32 v2, v20;
	v38 =	vld.idx.msk [tilespmem:v38+s4+$0x0], $0xffff;
	[tilespmem:v51+s2+$0x0] =	vst.idx.msk $0xffff, v46  }
0x1c8: {  	v39 =	vor.u32 v11, v35;
	v48 =	vor.u32 v2, v21;
	v52 =	vld.idx.msk [tilespmem:v60+s4+$0x0], $0xffff;
	[tilespmem:v58+s2+$0x0] =	vst.idx.msk $0xffff, v57  }
0x1c9: {  	v31 =	vor.u32 v14, v31;
	v50 =	vor.u32 v11, v33;
	v37 =	vld.idx.msk [tilespmem:v37+s4+$0x0], $0xffff;
	[tilespmem:v54+s2+$0x0] =	vst.idx.msk $0xffff, v53  }
0x1ca: {  	v60 =	vor.u32 v12, v32;
	v53 =	vor.u32 v3, v24;
	[tilespmem:v44+s2+$0x0] =	vst.idx.msk $0xffff, v41;
	v41 =	vld.idx.msk [tilespmem:v63+s4+$0x0], $0xffff  }
0x1cb: {  	v30 =	vor.u32 v14, v34;
	v34 =	vor.u32 v13, v35;
	v58 =	vor.u32 v13, v36;
	v57 =	vld.idx.msk [tilespmem:v61+s4+$0x0], $0xffff  }
0x1cc: {  	v63 =	vor.u32 v3, v18;
	[tilespmem:v47+s2+$0x0] =	vst.idx.msk $0xffff, v45;
	v61 =	vor.u32 v4, v22;
	v62 =	vld.idx.msk [tilespmem:v62+s4+$0x0], $0xffff  }
0x1cd: {  	v46 =	vor.u32 v3, v19;
	v45 =	vor.u32 v4, v20;
	[tilespmem:v39+s2+$0x0] =	vst.idx.msk $0xffff, v38;
	v40 =	vld.idx.msk [tilespmem:v48+s4+$0x0], $0xffff  }
0x1ce: {  	v27 =	vor.u32 v15, v36;
	v47 =	vor.u32 v4, v23;
	v38 =	vld.idx.msk [tilespmem:v56+s4+$0x0], $0xffff;
	[tilespmem:v50+s2+$0x0] =	vst.idx.msk $0xffff, v37  }
0x1cf: {  	v44 =	vor.u32 v4, v21;
	v39 =	vor.u32 v13, v25;
	v36 =	vld.idx.msk [tilespmem:v60+s4+$0x0], $0xffff;
	[tilespmem:v53+s2+$0x0] =	vst.idx.msk $0xffff, v52  }
0x1d0: {  	v33 =	vor.u32 v13, v33;
	v28 =	vor.u32 v15, v35;
	v37 =	vld.idx.msk [tilespmem:v55+s4+$0x0], $0xffff;
	[tilespmem:v58+s2+$0x0] =	vst.idx.msk $0xffff, v57  }
0x1d1: {  	s8 =	simm.s32 $0x8;
	v35 =	vor.u32 v14, v32;
	v48 =	vor.u32 v5, v24;
	v42 =	vld.idx.msk [tilespmem:v61+s4+$0x0], $0xffff;
	[tilespmem:v63+s2+$0x0] =	vst.idx.msk $0xffff, v62  }
.LBB2_13:
0x1d2: {  	p1 =	slt.u32 s8, $0x3C;
	[tilespmem:v46+s2+$0x0] =	vst.idx.msk $0xffff, v41;
	v32 =	vld.idx.msk [tilespmem:v45+s4+$0x0], $0xffff;
	v25 =	vor.u32 v15, v25;
	v16 =	vor.u32 v14, v16;
	s9 =	smov.u32 s8;
	s8 =	sadd.s32 $0x4, s8  }
0x1d3: {  	v41 =	vor.u32 v8, v23;
	[tilespmem:v43+s2+$0x0] =	vst.idx.msk $0xffff, v40;
	v40 =	vld.idx.msk [tilespmem:v47+s4+$0x0], $0xffff;
	v43 =	vor.u32 v5, v18  }
0x1d4: {  	v45 =	vor.u32 v5, v19;
	v46 =	vor.u32 v6, v20;
	v44 =	vld.idx.msk [tilespmem:v44+s4+$0x0], $0xffff;
	[tilespmem:v39+s2+$0x0] =	vst.idx.msk $0xffff, v38  }
0x1d5: {  	v38 =	vor.u32 v5, v17;
	v39 =	vor.u32 v8, v21;
	[tilespmem:v34+s2+$0x0] =	vst.idx.msk $0xffff, v36;
	v30 =	vld.idx.msk [tilespmem:v30+s4+$0x0], $0xffff  }
0x1d6: {  	v34 =	vor.u32 v7, v17;
	v36 =	vor.u32 v7, v19;
	[tilespmem:v48+s2+$0x0] =	vst.idx.msk $0xffff, v42;
	v35 =	vld.idx.msk [tilespmem:v35+s4+$0x0], $0xffff  }
0x1d7: {  	v47 =	vor.u32 v9, v24;
	v42 =	vor.u32 v6, v23;
	v29 =	vld.idx.msk [tilespmem:v29+s4+$0x0], $0xffff;
	[tilespmem:v33+s2+$0x0] =	vst.idx.msk $0xffff, v37  }
0x1d8: {  	v33 =	vor.u32 v6, v21;
	v37 =	vor.u32 v7, v24;
	[tilespmem:v43+s2+$0x0] =	vst.idx.msk $0xffff, v32;
	v43 =	vld.idx.msk [tilespmem:v31+s4+$0x0], $0xffff  }
0x1d9: {  	[tilespmem:v45+s2+$0x0] =	vst.idx.msk $0xffff, v40;
	v40 =	vor.u32 v8, v22;
	v45 =	vld.idx.msk [tilespmem:v46+s4+$0x0], $0xffff;
	v46 =	vor.u32 v8, v20  }
0x1da: {  	s10 =	sadd.s32 $0x1, s9;
	s11 =	sadd.s32 $0x2, s9;
	v48 =	vadd.s32 s9, v0;
	s9 =	sadd.s32 $0x3, s9;
	v31 =	vmov v23;
	[tilespmem:v38+s2+$0x0] =	vst.idx.msk $0xffff, v44;
	v38 =	vor.u32 v7, v18;
	v44 =	vld.idx.msk [tilespmem:v16+s4+$0x0], $0xffff  }
0x1db: {  	v50 =	vmovc v22;
	v49 =	vadd.s32 s9, v0;
	v23 =	vadd.s32 s11, v0;
	v32 =	vmovc v21;
	v16 =	vadd.s32 s10, v0;
	[tilespmem:v25+s2+$0x0] =	vst.idx.msk $0xffff, v30  }
0x1dc: {  	v16 =	vand.u32 $0x3F, v16;
	v30 =	vand.u32 $0x3F, v23;
	v25 =	vand.u32 $0x3F, v49;
	v42 =	vld.idx.msk [tilespmem:v42+s4+$0x0], $0xffff;
	[tilespmem:v28+s2+$0x0] =	vst.idx.msk $0xffff, v35;
	v35 =	vmovc v19  }
0x1dd: {  	v28 =	vand.u32 $0x3F, v48;
	v23 =	vshll.u32 v16, $0x1;
	v22 =	vshll.u32 v30, $0x1;
	v33 =	vld.idx.msk [tilespmem:v33+s4+$0x0], $0xffff;
	[tilespmem:v37+s2+$0x0] =	vst.idx.msk $0xffff, v29;
	v37 =	vmovc v18  }
0x1de: {  	v51 =	vmovc v17;
	v21 =	vshll.u32 v28, $0x1;
	v48 =	vor.u32 v1, v23;
	v49 =	vor.u32 v1, v22;
	v40 =	vld.idx.msk [tilespmem:v40+s4+$0x0], $0xffff  }
0x1df: {  	v19 =	vshll.u32 v16, $0x7;
	v18 =	vshll.u32 v25, $0x7;
	v52 =	vor.u32 v1, v21;
	v16 =	vmovc v20;
	[tilespmem:v38+s2+$0x0] =	vst.idx.msk $0xffff, v45  }
0x1e0: {  	v17 =	vshll.u32 v28, $0x7;
	v29 =	vor.u32 v6, v22;
	v20 =	vshll.u32 v25, $0x1;
	v28 =	vld.idx.msk [tilespmem:v46+s4+$0x0], $0xffff;
	[tilespmem:v27+s2+$0x0] =	vst.idx.msk $0xffff, v44  }
0x1e1: {  	v25 =	vmov v24;
	v38 =	vor.u32 v1, v20;
	v27 =	vor.u32 v9, v37;
	[tilespmem:v26+s2+$0x0] =	vst.idx.msk $0xffff, v43  }
0x1e2: {  	v26 =	vor.u32 v10, v16;
	[tilespmem:v36+s2+$0x0] =	vst.idx.msk $0xffff, v42;
	v36 =	vor.u32 v10, v31  }
0x1e3: {  	v24 =	vshll.u32 v30, $0x7;
	v42 =	vld.idx.msk [tilespmem:v49+s4+$0x0], $0xffff;
	[tilespmem:v34+s2+$0x0] =	vst.idx.msk $0xffff, v33;
	v33 =	vor.u32 v10, v32  }
0x1e4: {  	v30 =	vor.u32 v0, v24;
	v34 =	vor.u32 v0, v18;
	v39 =	vld.idx.msk [tilespmem:v39+s4+$0x0], $0xffff;
	[tilespmem:v47+s2+$0x0] =	vst.idx.msk $0xffff, v40  }
0x1e5: {  	v44 =	vor.u32 v10, v50;
	v43 =	vor.u32 v9, v35;
	v40 =	vor.u32 v9, v51;
	v41 =	vld.idx.msk [tilespmem:v41+s4+$0x0], $0xffff  }
0x1e6: {  	v46 =	vor.u32 v0, v19;
	v47 =	vor.u32 v2, v22;
	v45 =	vld.idx.msk [tilespmem:v52+s4+$0x0], $0xffff;
	[tilespmem:v27+s2+$0x0] =	vst.idx.msk $0xffff, v28  }
0x1e7: {  	v49 =	vor.u32 v0, v17;
	v27 =	vor.u32 v15, v37;
	v52 =	vld.idx.msk [tilespmem:v26+s4+$0x0], $0xffff  }
0x1e8: {  	v53 =	vor.u32 v11, v37;
	v28 =	vor.u32 v15, v35;
	v26 =	vor.u32 v15, v51;
	v38 =	vld.idx.msk [tilespmem:v38+s4+$0x0], $0xffff  }
0x1e9: {  	v48 =	vld.idx.msk [tilespmem:v48+s4+$0x0], $0xffff;
	[tilespmem:v30+s2+$0x0] =	vst.idx.msk $0xffff, v42;
	v30 =	vor.u32 v14, v50;
	v42 =	vor.u32 v12, v16  }
0x1ea: {  	v54 =	vor.u32 v2, v20;
	[tilespmem:v40+s2+$0x0] =	vst.idx.msk $0xffff, v39;
	v39 =	vor.u32 v11, v35;
	v40 =	vld.idx.msk [tilespmem:v44+s4+$0x0], $0xffff  }
0x1eb: {  	v44 =	vor.u32 v2, v23;
	v33 =	vld.idx.msk [tilespmem:v33+s4+$0x0], $0xffff;
	[tilespmem:v43+s2+$0x0] =	vst.idx.msk $0xffff, v41;
	v43 =	vor.u32 v11, v25  }
0x1ec: {  	[tilespmem:v49+s2+$0x0] =	vst.idx.msk $0xffff, v45;
	v45 =	vor.u32 v2, v21;
	v49 =	vor.u32 v11, v51;
	v36 =	vld.idx.msk [tilespmem:v36+s4+$0x0], $0xffff  }
0x1ed: {  	v56 =	vor.u32 v12, v32;
	v50 =	vor.u32 v12, v50;
	v55 =	vld.idx.msk [tilespmem:v47+s4+$0x0], $0xffff;
	[tilespmem:v53+s2+$0x0] =	vst.idx.msk $0xffff, v52  }
0x1ee: {  	v52 =	vor.u32 v3, v24;
	v53 =	vor.u32 v12, v31;
	[tilespmem:v34+s2+$0x0] =	vst.idx.msk $0xffff, v38;
	v57 =	vld.idx.msk [tilespmem:v42+s4+$0x0], $0xffff  }
0x1ef: {  	v37 =	vor.u32 v13, v37;
	v42 =	vor.u32 v4, v22;
	[tilespmem:v46+s2+$0x0] =	vst.idx.msk $0xffff, v48;
	v54 =	vld.idx.msk [tilespmem:v54+s4+$0x0], $0xffff  }
0x1f0: {  	v58 =	vor.u32 v3, v18;
	v34 =	vor.u32 v13, v35;
	v41 =	vld.idx.msk [tilespmem:v44+s4+$0x0], $0xffff;
	[tilespmem:v43+s2+$0x0] =	vst.idx.msk $0xffff, v40  }
.Ltmp10:
0x1f1: {  	v46 =	vor.u32 v3, v19;
	v40 =	vld.idx.msk [tilespmem:v45+s4+$0x0], $0xffff;
	v45 =	vor.u32 v4, v20;
	[tilespmem:v49+s2+$0x0] =	vst.idx.msk $0xffff, v33;
	(pc) =	sbr.rel @p1 .LBB2_13-.Ltmp10, $4  }
0x1f2: {  	v47 =	vor.u32 v4, v23;
	v43 =	vor.u32 v3, v17;
	[tilespmem:v39+s2+$0x0] =	vst.idx.msk $0xffff, v36;
	v38 =	vld.idx.msk [tilespmem:v50+s4+$0x0], $0xffff  }
0x1f3: {  	v44 =	vor.u32 v4, v21;
	v39 =	vor.u32 v13, v25;
	[tilespmem:v52+s2+$0x0] =	vst.idx.msk $0xffff, v55;
	v36 =	vld.idx.msk [tilespmem:v53+s4+$0x0], $0xffff  }
0x1f4: {  	v35 =	vor.u32 v14, v31;
	v33 =	vor.u32 v13, v51;
	v42 =	vld.idx.msk [tilespmem:v42+s4+$0x0], $0xffff;
	[tilespmem:v37+s2+$0x0] =	vst.idx.msk $0xffff, v57  }
0x1f5: {  	v31 =	vor.u32 v14, v32;
	v48 =	vor.u32 v5, v24;
	[tilespmem:v58+s2+$0x0] =	vst.idx.msk $0xffff, v54;
	v37 =	vld.idx.msk [tilespmem:v56+s4+$0x0], $0xffff  }
0x1f6: {  	_ =	sdelay $0x3  }
0x1f7: {  	[tilespmem:v46+s2+$0x0] =	vst.idx.msk $0xffff, v41;
	v45 =	vld.idx.msk [tilespmem:v45+s4+$0x0], $0xffff;
	v58 =	vor.u32 v5, v18  }
0x1f8: {  	v57 =	vor.u32 v5, v19;
	[tilespmem:v43+s2+$0x0] =	vst.idx.msk $0xffff, v40;
	v60 =	vor.u32 v6, v20;
	v32 =	vld.idx.msk [tilespmem:v47+s4+$0x0], $0xffff  }
0x1f9: {  	v59 =	vor.u32 v6, v23;
	v61 =	vor.u32 v5, v17;
	v44 =	vld.idx.msk [tilespmem:v44+s4+$0x0], $0xffff  }
0x1fa: {  	v49 =	vor.u32 v6, v21  }
0x1fb: {  	[tilespmem:v48+s2+$0x0] =	vst.idx.msk $0xffff, v42  }
0x1fc: {  	v62 =	vor.u32 v7, v24;
	v29 =	vld.idx.msk [tilespmem:v29+s4+$0x0], $0xffff;
	[tilespmem:v58+s2+$0x0] =	vst.idx.msk $0xffff, v45  }
0x1fd: {  	v52 =	vor.u32 v8, v22;
	v54 =	vor.u32 v7, v18;
	[tilespmem:v57+s2+$0x0] =	vst.idx.msk $0xffff, v32;
	v45 =	vld.idx.msk [tilespmem:v60+s4+$0x0], $0xffff  }
0x1fe: {  	v63 =	vor.u32 v7, v19;
	v56 =	vor.u32 v8, v20;
	[tilespmem:v61+s2+$0x0] =	vst.idx.msk $0xffff, v44;
	v41 =	vld.idx.msk [tilespmem:v59+s4+$0x0], $0xffff  }
0x1ff: {  	v53 =	vor.u32 v8, v23;
	v55 =	vor.u32 v7, v17;
	v57 =	vld.idx.msk [tilespmem:v49+s4+$0x0], $0xffff  }
0x200: {  	v58 =	vor.u32 v8, v21  }
0x201: {  	[tilespmem:v62+s2+$0x0] =	vst.idx.msk $0xffff, v29  }
0x202: {  	v59 =	vor.u32 v9, v24;
	v40 =	vld.idx.msk [tilespmem:v52+s4+$0x0], $0xffff;
	[tilespmem:v54+s2+$0x0] =	vst.idx.msk $0xffff, v45  }
0x203: {  	v61 =	vor.u32 v10, v22;
	[tilespmem:v63+s2+$0x0] =	vst.idx.msk $0xffff, v41;
	v62 =	vld.idx.msk [tilespmem:v56+s4+$0x0], $0xffff;
	v63 =	vor.u32 v9, v18  }
0x204: {  	v60 =	vor.u32 v9, v19;
	[tilespmem:v55+s2+$0x0] =	vst.idx.msk $0xffff, v57;
	v32 =	vld.idx.msk [tilespmem:v53+s4+$0x0], $0xffff;
	v53 =	vor.u32 v10, v20  }
0x205: {  	v52 =	vor.u32 v10, v23;
	v55 =	vor.u32 v9, v17;
	v54 =	vld.idx.msk [tilespmem:v58+s4+$0x0], $0xffff  }
0x206: {  	[tilespmem:v39+s2+$0x0] =	vst.idx.msk $0xffff, v38;
	v56 =	vor.u32 v10, v21  }
0x207: {  	[tilespmem:v59+s2+$0x0] =	vst.idx.msk $0xffff, v40  }
0x208: {  	v57 =	vor.u32 v11, v24;
	v29 =	vld.idx.msk [tilespmem:v61+s4+$0x0], $0xffff;
	[tilespmem:v63+s2+$0x0] =	vst.idx.msk $0xffff, v62  }
0x209: {  	v62 =	vor.u32 v11, v18;
	[tilespmem:v60+s2+$0x0] =	vst.idx.msk $0xffff, v32;
	v60 =	vor.u32 v12, v22;
	v61 =	vld.idx.msk [tilespmem:v53+s4+$0x0], $0xffff  }
0x20a: {  	v47 =	vor.u32 v12, v20;
	v58 =	vor.u32 v11, v19;
	[tilespmem:v55+s2+$0x0] =	vst.idx.msk $0xffff, v54;
	v59 =	vld.idx.msk [tilespmem:v52+s4+$0x0], $0xffff  }
0x20b: {  	[tilespmem:v34+s2+$0x0] =	vst.idx.msk $0xffff, v36;
	v49 =	vor.u32 v11, v17;
	v63 =	vor.u32 v12, v23;
	v48 =	vld.idx.msk [tilespmem:v56+s4+$0x0], $0xffff  }
0x20c: {  	v25 =	vor.u32 v15, v25;
	v50 =	vor.u32 v12, v21;
	v30 =	vld.idx.msk [tilespmem:v30+s4+$0x0], $0xffff;
	[tilespmem:v33+s2+$0x0] =	vst.idx.msk $0xffff, v37  }
0x20d: {  	v16 =	vor.u32 v14, v16;
	v35 =	vld.idx.msk [tilespmem:v35+s4+$0x0], $0xffff;
	[tilespmem:v57+s2+$0x0] =	vst.idx.msk $0xffff, v29  }
0x20e: {  	v51 =	vor.u32 v13, v24;
	v29 =	vld.idx.msk [tilespmem:v60+s4+$0x0], $0xffff;
	[tilespmem:v62+s2+$0x0] =	vst.idx.msk $0xffff, v61  }
0x20f: {  	v54 =	vor.u32 v13, v18;
	v52 =	vor.u32 v14, v22;
	[tilespmem:v58+s2+$0x0] =	vst.idx.msk $0xffff, v59;
	v34 =	vld.idx.msk [tilespmem:v47+s4+$0x0], $0xffff  }
0x210: {  	v53 =	vor.u32 v13, v19;
	[tilespmem:v49+s2+$0x0] =	vst.idx.msk $0xffff, v48;
	v58 =	vor.u32 v14, v20;
	v39 =	vld.idx.msk [tilespmem:v63+s4+$0x0], $0xffff  }
0x211: {  	[tilespmem:v25+s2+$0x0] =	vst.idx.msk $0xffff, v30;
	v55 =	vor.u32 v14, v23;
	v56 =	vor.u32 v13, v17;
	v57 =	vld.idx.msk [tilespmem:v50+s4+$0x0], $0xffff  }
0x212: {  	v16 =	vld.idx.msk [tilespmem:v16+s4+$0x0], $0xffff;
	[tilespmem:v28+s2+$0x0] =	vst.idx.msk $0xffff, v35;
	v59 =	vor.u32 v14, v21  }
0x213: {  	v60 =	vld.idx.msk [tilespmem:v31+s4+$0x0], $0xffff;
	[tilespmem:v51+s2+$0x0] =	vst.idx.msk $0xffff, v29  }
0x214: {  	v61 =	vor.u32 v15, v24;
	v22 =	vld.idx.msk [tilespmem:v52+s4+$0x0], $0xffff;
	[tilespmem:v54+s2+$0x0] =	vst.idx.msk $0xffff, v34  }
0x215: {  	v63 =	vor.u32 v15, v18;
	[tilespmem:v53+s2+$0x0] =	vst.idx.msk $0xffff, v39;
	v20 =	vld.idx.msk [tilespmem:v58+s4+$0x0], $0xffff  }
0x216: {  	v62 =	vor.u32 v15, v19;
	[tilespmem:v56+s2+$0x0] =	vst.idx.msk $0xffff, v57;
	v23 =	vld.idx.msk [tilespmem:v55+s4+$0x0], $0xffff  }
0x217: {  	[tilespmem:v27+s2+$0x0] =	vst.idx.msk $0xffff, v16;
	v16 =	vor.u32 v15, v17;
	v17 =	vld.idx.msk [tilespmem:v59+s4+$0x0], $0xffff  }
0x218: {  	[tilespmem:v26+s2+$0x0] =	vst.idx.msk $0xffff, v60  }
0x219: {  	[tilespmem:v61+s2+$0x0] =	vst.idx.msk $0xffff, v22  }
0x21a: {  	[tilespmem:v63+s2+$0x0] =	vst.idx.msk $0xffff, v20  }
0x21b: {  	[tilespmem:v62+s2+$0x0] =	vst.idx.msk $0xffff, v23  }
0x21c: {  	[tilespmem:v16+s2+$0x0] =	vst.idx.msk $0xffff, v17  }
.Ltmp11:
0x21d: {  	s8 =	rddreg [dreg:$0x4];
	(pc) =	sbr.rel .LBB2_15-.Ltmp11, $4  }
0x21e: {  	[hbm4b:s8+s4] =	stream.linear.scatter [tilespmem:s2], [sflag:$0x5], $0x2000, $0x38;
	[tilespmem:$0xC000] =	vst v63  }
0x21f: {  	_ =	swait.ge [sflag:s30], $0x2000  }
0x220: {  	[sflag:s30] =	ssyncset.done $0x0  }
0x221: {  	[sflag:s30] =	ssyncadd.s32 $0xFFFFE000  }
.LBB2_16:
0x222: {  	_ =	sfence.sel $0x180000  }
0x223: {  	[bflag:$0x0] =	sbarrier.arrive $0xFFFF  }
0x224: {  	_ =	strace $0x90000047  }
0x225: {  	s0 =	stileid.u32;
	[bflag:$0x2] =	sbarrier.arrive $0xFFFF  }
0x226: {  	p0 =	sne.s32 s0, $0x0;
	s0 =	rddreg [dreg:$0x3]  }
0x227: {  	s0 =	sadd.s32 @!p0 $0x100000, s0  }
0x228: {  	[sflag:s0] =	ssyncadd.tile.s32 @!p0 $0x1;
	_ =	shalt  }
.Lfunc_end2:
_tile_overlayer_lowered:
.L_overlay_start_2:
0x229: {  	(tag) =	ssettag $0x2  }
0x22a: {  	s0 =	rddreg [dreg:$0x0];
	s2 =	stileid.u32  }
0x22b: {  	s1 =	rddreg [dreg:$0x1];
	p0 =	sne.s32 s2, $0x0  }
0x22c: {  	s3 =	rddreg [dreg:$0x2];
	[bflag:$0x3] =	sbarrier.arrive $0xFFFF;
	s2 =	simm.s32 @!p0 $0x1C05  }
0x22d: {  	[timem:s3], [sflag:s2] =	dma.local @!p0 [hbm:s0], s1  }
0x22e: {  	s0 =	simm.s32 @!p0 $0x5  }
0x22f: {  	_ =	swait.ge @!p0 [sflag:s0], s1  }
0x230: {  	s1 =	ssub.s32 @!p0 $0x0, s1;
	[sflag:s0] =	ssyncset.done @!p0 $0x0  }
0x231: {  	[sflag:s0] =	ssyncadd.s32 @!p0 s1  }
0x232: {  	[bflag:$0x3] =	sbarrier.arrive $0xFFFF  }
0x233: {  	_ =	shalt  }

// kernel: kernel.7.cloned.1.call-start
scs
__scs_entry_jumppad:
0x0: {  	(pc) =	sbr.rel $0x88, $3  }
0x1: {  	(tag) =	ssettag $0x0;
	lr =	simm.s32 $0x1  }
0x2: {  	[smem:$0x3F9F] =	sst lr;
	_ =	strace $0xD0000000  }
0x3: {  	_ = 	snop  }
0x4: {  	_ = 	snop  }
0x5: {  	_ = 	snop  }
0x6: {  	_ = 	snop  }
0x7: {  	_ = 	snop  }
__scs_overlays_trampoline_lowered:
0x8: {  	[smem:$0x3FAE] =	sst s0  }
0x9: {  	[smem:$0x3FAF] =	sst s1  }
0xa: {  	[smem:$0x3FB0] =	sst s2  }
0xb: {  	[smem:$0x3FB1] =	sst s3  }
0xc: {  	[smem:$0x3FB2] =	sst s4  }
0xd: {  	[smem:$0x3FB3] =	sst s5  }
0xe: {  	[smem:$0x3FB4] =	sst s6  }
0xf: {  	[smem:$0x3FB5] =	sst s7  }
0x10: {  	[smem:$0x3FB6] =	sst s8  }
0x11: {  	[smem:$0x3FB7] =	sst s9;
	s0 =	simm.s32 @!p0 $0x0  }
0x12: {  	s1 =	sld [smem:$0x3F9D];
	s0 =	simm.s32 @p0 $0x1  }
0x13: {  	[smem:$0x3FB8] =	sst s0;
	s0 =	simm.s32 @!p1 $0x0  }
0x14: {  	s2 =	sld [smem:$0x3F9C];
	s0 =	simm.s32 @p1 $0x1  }
0x15: {  	[smem:$0x3FB9] =	sst s0;
	s0 =	simm.s32 @!p2 $0x0  }
0x16: {  	s3 =	sld [smem:$0x3FDB];
	s0 =	simm.s32 @p2 $0x1  }
0x17: {  	s4 =	simm.s32 $0x1BF5;
	[smem:$0x3FBB] =	sst s0  }
0x18: {  	s0 =	sld [smem:$0x3F9E];
	_ =	swait.ge [sflag:s4], $0x0  }
0x19: {  	s7 =	sld [smem:$0x3F9F]  }
0x1a: {  	s8 =	sadd.s32 $0xFFFFE003, lr  }
0x1b: {  	s9 =	sadd.s32 $0xFFFFFEF7, lr;
	s5 =	simm.s32 $0xFFFFFFFF;
	p2 =	slt.u32 s8, $0xFFFFF086  }
0x1c: {  	p1 =	slt.u32 s9, $0xF7A;
	s5 =	simm.s32 @!p2 $0x0  }
0x1d: {  	s5 =	simm.s32 @p1 $0x1;
	p0 =	seq.s32 s7, s2  }
0x1e: {  	s7 =	smul.u32 @!p0 $0xF7A, s2;
	p2 =	seq.s32 @!p0 s5, $0x0  }
0x1f: {  	s9 =	smul.u32 $0xF7A, s1;
	s8 =	simm.s32 @!p0 $0x1BF5;
	p2 =	por !p2, p0  }
0x20: {  	[sflag:s8] =	ssyncset.s32 @!p0 $0xFFFFF086;
	s6 =	sadd.s32 @!p0 s3, s7;
	s7 =	simm.s32 @!p0 $0x108  }
0x21: {  	s3 =	sadd.s32 s3, s9;
	s6 =	sadd.s32 @!p0 $0x88, s6;
	s7 =	simm.s32 @p2 $0x1082  }
0x22: {  	[simem:s7], [sflag:s8] =	dma.local @!p0 [hbm:s6], $0xF7A  }
0x23: {  	s9 =	sor.u32 $0xD0000000, s2;
	s6 =	simm.s32 $0x108;
	_ =	swait.ge @!p0 [sflag:s8], $0x0  }
0x24: {  	s3 =	sadd.s32 $0x88, s3;
	s6 =	simm.s32 @!p1 $0x1082;
	[sflag:s4] =	ssyncset.s32 $0xFFFFF086  }
0x25: {  	[simem:s6], [sflag:s4] =	dma.local [hbm:s3], $0xF7A  }
0x26: {  	[smem:$0x3F9F] =	sst s1;
	(tag) =	ssettag s2;
	_ =	strace s9  }
0x27: {  	s1 =	sld [smem:$0x3FAF]  }
0x28: {  	s2 =	sld [smem:$0x3FB0]  }
0x29: {  	s4 =	sld [smem:$0x3FB2]  }
0x2a: {  	p0 =	seq.s32 s5, $0x0;
	s5 =	sld [smem:$0x3FB3]  }
0x2b: {  	s6 =	sld [smem:$0x3FB4]  }
0x2c: {  	s7 =	sld [smem:$0x3FB5]  }
0x2d: {  	s3 =	simm.s32 $0x108;
	s8 =	sld [smem:$0x3FB6]  }
0x2e: {  	s3 =	simm.s32 @!p0 $0x1082;
	s9 =	sld [smem:$0x3FB7]  }
0x2f: {  	lr =	sadd.s32 s0, s3;
	s0 =	sld [smem:$0x3FAE]  }
0x30: {  	s3 =	sld [smem:$0x3FB1]  }
0x31: {  	[smem:$0x3FBA] =	sst s10  }
0x32: {  	s10 =	sld [smem:$0x3FB8];
	_ =	sdelay $0x3  }
0x33: {  	p0 =	seq.s32 s10, $0x1;
	s10 =	sld [smem:$0x3FBA];
	_ =	sdelay $0x3  }
0x34: {  	[smem:$0x3FBA] =	sst s10  }
0x35: {  	s10 =	sld [smem:$0x3FB9];
	_ =	sdelay $0x3  }
0x36: {  	p1 =	seq.s32 s10, $0x1;
	s10 =	sld [smem:$0x3FBA];
	_ =	sdelay $0x3  }
0x37: {  	[smem:$0x3FBA] =	sst s10  }
0x38: {  	s10 =	sld [smem:$0x3FBB]  }
0x39: {  	_ = 	snop;
	(pc) =	sbr.ind lr, $3  }
0x3a: {  	_ = 	snop  }
0x3b: {  	_ = 	snop  }
0x3c: {  	p2 =	seq.s32 s10, $0x1;
	s10 =	sld [smem:$0x3FBA]  }
0x3d: {  	_ =	shalt  }
0x3e: {  	_ =	shalt  }
0x3f: {  	_ =	shalt  }
0x40: {  	_ =	shalt  }
0x41: {  	_ =	shalt  }
0x42: {  	_ =	shalt  }
0x43: {  	_ =	shalt  }
0x44: {  	_ =	shalt  }
0x45: {  	_ =	shalt  }
0x46: {  	_ =	shalt  }
0x47: {  	_ =	shalt  }
0x48: {  	_ =	shalt  }
0x49: {  	_ =	shalt  }
0x4a: {  	_ =	shalt  }
0x4b: {  	_ =	shalt  }
0x4c: {  	_ =	shalt  }
0x4d: {  	_ =	shalt  }
0x4e: {  	_ =	shalt  }
0x4f: {  	_ =	shalt  }
0x50: {  	_ =	shalt  }
0x51: {  	_ =	shalt  }
0x52: {  	_ =	shalt  }
0x53: {  	_ =	shalt  }
0x54: {  	_ =	shalt  }
0x55: {  	_ =	shalt  }
0x56: {  	_ =	shalt  }
0x57: {  	_ =	shalt  }
0x58: {  	_ =	shalt  }
0x59: {  	_ =	shalt  }
0x5a: {  	_ =	shalt  }
0x5b: {  	_ =	shalt  }
0x5c: {  	_ =	shalt  }
0x5d: {  	_ =	shalt  }
0x5e: {  	_ =	shalt  }
0x5f: {  	_ =	shalt  }
0x60: {  	_ =	shalt  }
0x61: {  	_ =	shalt  }
0x62: {  	_ =	shalt  }
0x63: {  	_ =	shalt  }
0x64: {  	_ =	shalt  }
0x65: {  	_ =	shalt  }
0x66: {  	_ =	shalt  }
0x67: {  	_ =	shalt  }
0x68: {  	_ =	shalt  }
0x69: {  	_ =	shalt  }
0x6a: {  	_ =	shalt  }
0x6b: {  	_ =	shalt  }
0x6c: {  	_ =	shalt  }
0x6d: {  	_ =	shalt  }
0x6e: {  	_ =	shalt  }
0x6f: {  	_ =	shalt  }
0x70: {  	_ =	shalt  }
0x71: {  	_ =	shalt  }
0x72: {  	_ =	shalt  }
0x73: {  	_ =	shalt  }
0x74: {  	_ =	shalt  }
0x75: {  	_ =	shalt  }
0x76: {  	_ =	shalt  }
0x77: {  	_ =	shalt  }
0x78: {  	_ =	shalt  }
0x79: {  	_ =	shalt  }
0x7a: {  	_ =	shalt  }
0x7b: {  	_ =	shalt  }
0x7c: {  	_ =	shalt  }
0x7d: {  	_ =	shalt  }
0x7e: {  	_ =	shalt  }
0x7f: {  	_ =	shalt  }
0x80: {  	_ =	shalt  }
0x81: {  	_ =	shalt  }
0x82: {  	_ =	shalt  }
0x83: {  	_ =	shalt  }
0x84: {  	_ =	shalt  }
0x85: {  	_ =	shalt  }
0x86: {  	_ =	shalt  }
0x87: {  	_ =	shalt  }
.Lfunc_end0:
.L_simem_size_0:
called_computation.1_lowered:
.L_overlay_start_0:
0x88: {  	s2 =	sld [smem:$0x3FD9]  }
0x89: {  	s3 =	sld [smem:$0x3FFE];
	_ =	sdelay $0x1  }
0x8a: {  	s1 =	srdreg.scid  }
0x8b: {  	s0 =	sand.u32 $0x1, s1  }
0x8c: {  	s17 =	sshll.u32 s0, $0xA;
	s2 =	sadd.s32 s3, s2  }
0x8d: {  	s2 =	sadd.s32 s2, s17  }
0x8e: {  	[smem:$0x3FC6] =	sst s2  }
0x8f: {  	_ = 	snop  }
0x90: {  	s2 =	sld [smem:$0x3FD0];
	(tm) =	ssettm $0x1  }
0x91: {  	s18 =	sld [smem:$0x3FFB];
	_ =	sdelay $0x3  }
0x92: {  	_ =	strace s18  }
0x93: {  	s3 =	sld [smem:$0x3FFC];
	_ =	sdelay $0x3  }
0x94: {  	_ =	strace s3  }
0x95: {  	s3 =	sld [smem:$0x3FFD];
	_ =	sdelay $0x3  }
0x96: {  	_ =	strace s3  }
0x97: {  	_ =	strace $0x8FFFFFFF  }
0x98: {  	s19 =	sld [smem:$0x3FDB];
	_ =	sdelay $0x1  }
0x99: {  	s4 =	simm.s32 $_scs_section_size  }
0x9a: {  	s5 =	simm.s32 $_size__tile_overlayer_lowered;
	s6 =	simm.s32 $_tile_overlayer_lowered  }
0x9b: {  	s22 =	simm.s32 $0x1BFF;
	s21 =	sshll.u32 s6, $0x1;
	s3 =	sadd.s32 s4, s19  }
0x9c: {  	s7 =	simm.s32 $0x0;
	s20 =	sshll.u32 s5, $0x1;
	s5 =	sadd.s32 s21, s3  }
0x9d: {  	[timem:s7], [sflag:s22] =	dma.local [hbm:s5], s20  }
0x9e: {  	_ =	swait.ge [sflag:s22], s20  }
0x9f: {  	s4 =	ssub.s32 $0x0, s20;
	[sflag:s22] =	ssyncset.done $0x0  }
0xa0: {  	[sflag:s22] =	ssyncadd.s32 s4;
	_ =	sdelay $0x1  }
0xa1: {  	s23 =	simm.s32 $0x1B8B  }
0xa2: {  	_ =	swait.ge [sflag:s23], $0x1  }
0xa3: {  	[sflag:s23] =	ssyncset.done $0x0  }
0xa4: {  	s25 =	simm.s32 $0x1B8E;
	s24 =	sld [smem:$0x3FFE];
	[sflag:s23] =	ssyncadd.s32 $0xFFFFFFFF  }
0xa5: {  	s26 =	simm.s32 $execute0_lowered;
	[smem:$0x3FD2] =	sst s25  }
0xa6: {  	s5 =	sshll.u32 s26, $0x1;
	_ =	strace $0x80000049;
	[dreg:$0x1] =	wrdreg $0xFFFFFFFF  }
0xa7: {  	s28 =	simm.s32 $_size_execute0_lowered;
	s3 =	sadd.s32 s3, s5;
	[dreg:$0x0] =	wrdreg $0x0  }
0xa8: {  	s5 =	sshll.u32 s28, $0x1;
	[dreg:$0x2] =	wrdreg s3  }
0xa9: {  	[dreg:$0x3] =	wrdreg s5  }
0xaa: {  	[dreg:$0x4] =	wrdreg $0xC0  }
0xab: {  	_ =	task [dreg:s7], $0x5FFFF  }
0xac: {  	[dreg:$0x1] =	wrdreg $0xFFFFFFFF  }
0xad: {  	[dreg:$0x0] =	wrdreg $0x60  }
0xae: {  	[dreg:$0x2] =	wrdreg s24  }
0xaf: {  	[dreg:$0x3] =	wrdreg s2  }
0xb0: {  	[dreg:$0x4] =	wrdreg $0x9  }
0xb1: {  	_ =	task.clear_ibuf [dreg:s7], $0x5FFFF;
	_ =	strace $0x90000049  }
0xb2: {  	s29 =	simm.s32 $0x9;
	_ =	strace $0x8000004B  }
0xb3: {  	_ =	swait.ge [sflag:s29], $0x1  }
0xb4: {  	[sflag:s29] =	ssyncadd.s32 $0xFFFFFFFF  }
0xb5: {  	_ =	strace $0x9000004B  }
0xb6: {  	_ =	sfence  }
0xb7: {  	s30 =	sld [smem:$0x0];
	_ =	sdelay $0x2  }
0xb8: {  	s31 =	sshll.u32 s1, $0xD;
	s1 =	sshrl.u32 s1, $0x2  }
0xb9: {  	s3 =	sand.u32 $0x4000, s31;
	s1 =	sadd.s32 s1, s30  }
0xba: {  	s0 =	sor.u32 s3, s0;
	s1 =	sshll.u32 s1, $0x11  }
0xbb: {  	s0 =	sor.u32 s1, s0  }
0xbc: {  	s0 =	sadd.s32 $0x8F2B, s0  }
0xbd: {  	[sflag:s0] =	ssyncadd.remote.s32 $0x1  }
0xbe: {  	_ =	sfence.sel $0xFFFF  }
0xbf: {  	[dreg:$0x0] =	wrdreg $0xFFFFFFFF;
	(pc) =	sbr.abs _section_cstart, $3  }
0xc0: {  	[dreg:$0x1] =	wrdreg $0xFFFFFFFF  }
0xc1: {  	_ =	task.clear_ibuf [dreg:s7], $0x2FFFF;
	_ =	strace $0x9FFFFFFF  }
0xc2: {  	(tm) =	ssettm $0x7FFFFFFF  }
0xc3: {  	_ =	shalt  }
tec
execute0_lowered:
.L_overlay_start_1:
0x0: {  	(tag) =	ssettag $0x1  }
0x1: {  	s3 =	stileid.u32;
	v0 =	vlaneseq.u32  }
0x2: {  	s0 =	rddreg [dreg:$0x0];
	s4 =	sshll.u32 s3, $0x1;
	s3 =	simm.s32 $0x0;
	v1 =	vmul.u32 $0xC8, v0  }
0x3: {  	v16 =	vmul.u32 $0x80, v0;
	[smem:$0x7FF] =	sst s3  }
0x4: {  	s2 =	rddreg [dreg:$0x1];
	_ =	strace $0x8000004A;
	[tilespmem:$0x1FFC0] =	vst v1  }
0x5: {  	v5 =	vor.u32 $0x800, v16;
	[tilespmem:$0x1FFF0] =	vst v16  }
0x6: {  	s1 =	srdreg.scid;
	s8 =	simm.s32 $0x5;
	v2 =	vadd.s32 $0xC80, v1;
	[tilespmem:$0x1FF50] =	vst v5  }
0x7: {  	s11 =	simm.s32 $0xC900;
	s13 =	simm.s32 $0x10900;
	s14 =	simm.s32 $0x1;
	v3 =	vadd.s32 $0x1900, v1;
	[tilespmem:$0x1FFD0] =	vst v2  }
0x8: {  	s15 =	simm.s32 $0x14900;
	s16 =	simm.s32 $0x400;
	s1 =	sand.u32 $0x1, s1;
	v5 =	vor.u32 $0x1000, v16;
	[tilespmem:$0x1FFE0] =	vst v3  }
0x9: {  	s17 =	simm.s32 $0x8000;
	v17 =	vor.u32 $0x10, v0;
	s5 =	sor.u32 s1, s4;
	s1 =	ssub.s32 $0x2, s1;
	[tilespmem:$0x1FF60] =	vst v5;
	v5 =	vor.u32 $0x1800, v16  }
0xa: {  	s18 =	simm.s32 $0x2;
	v18 =	vor.u32 $0x20, v0;
	v19 =	vor.u32 $0x30, v0;
	s4 =	smul.u32 $0xC80, s5;
	s6 =	sshrl.u32 s1, $0x1;
	[tilespmem:$0x1FF70] =	vst v5;
	v5 =	vor.u32 $0x2000, v16  }
0xb: {  	s19 =	simm.s32 $0x16900;
	s20 =	simm.s32 $0x3;
	v20 =	vor.u32 $0x40, v0;
	v21 =	vor.u32 $0x50, v0;
	s30 =	ssub.s32 s1, s6;
	[tilespmem:$0x1FF80] =	vst v5;
	v5 =	vor.u32 $0x2800, v16  }
0xc: {  	v22 =	vor.u32 $0x60, v0;
	v23 =	vor.u32 $0x70, v0;
	s7 =	sadd.s32 s4, s0;
	s4 =	sadd.s32 $0xA00, s0;
	s0 =	smax.u32 s30, $0x1;
	[tilespmem:$0x1FF90] =	vst v5;
	v5 =	vor.u32 $0x3000, v16  }
0xd: {  	s21 =	simm.s32 $0x4;
	v4 =	vadd.s32 $0x2580, v1;
	v6 =	vadd.s32 $0x3200, v1;
	s31 =	sadd.s32 $0x7A1C00, s7;
	[dreg:$0x4] =	wrdreg s0;
	[tilespmem:$0x1FFA0] =	vst v5;
	v5 =	vor.u32 $0x3800, v16  }
0xe: {  	s22 =	simm.s32 $0x0;
	v7 =	vadd.s32 $0x3E80, v1;
	v8 =	vadd.s32 $0x4B00, v1;
	v9 =	vadd.s32 $0x5780, v1;
	s6 =	sshll.u32 s5, $0xA;
	[dreg:$0x3] =	wrdreg s31;
	[tilespmem:$0x1FFB0] =	vst v5  }
.LBB2_1:
0xf: {  	s1 =	simm.s32 $0x1  }
0x10: {  	s0 =	rddreg [dreg:$0x3];
	v24 =	vadd.s32 s1, v1  }
0x11: {  	[tilespmem:s3], [sflag:$0x5] =	stream.linear.gather [hbm4b:s0+s3], $0x6400, $0x38;
	[tilespmem:$0x18900] =	vst v63  }
0x12: {  	_ =	swait.ge [sflag:s8], $0x6400  }
0x13: {  	[sflag:s8] =	ssyncset.done $0x0  }
0x14: {  	[sflag:s8] =	ssyncadd.s32 $0xFFFF9C00  }
0x15: {  	v24 =	vld.idx.msk [tilespmem:v24+s3+$0x0], $0xffff  }
0x16: {  	v25 =	vadd.s32 s1, v2  }
0x17: {  	v26 =	vadd.s32 s3, v1;
	_ =	sdelay $0x1  }
0x18: {  	s30 =	simm.s32 $0x6480;
	s0 =	simm.s32 $0x3  }
0x19: {  	v28 =	vadd.s32 s0, v1;
	[tilespmem:s30+$0x0] =	vst v24  }
0x1a: {  	v24 =	vld.idx.msk [tilespmem:v25+s3+$0x0], $0xffff  }
0x1b: {  	v25 =	vld.idx.msk [tilespmem:v26+s3+$0x0], $0xffff;
	v26 =	vadd.s32 s1, v3  }
0x1c: {  	v27 =	vadd.s32 s3, v2;
	_ =	sdelay $0x1  }
0x1d: {  	v28 =	vld.idx.msk [tilespmem:v28+s3+$0x0], $0xffff  }
0x1e: {  	s24 =	simm.s32 $0x2;
	v30 =	vadd.s32 s0, v2;
	[tilespmem:s30+$0x10] =	vst v24  }
0x1f: {  	v24 =	vadd.s32 s24, v1;
	[tilespmem:s30+$0xFFFFFF80] =	vst v25;
	v25 =	vld.idx.msk [tilespmem:v26+s3+$0x0], $0xffff  }
0x20: {  	v26 =	vld.idx.msk [tilespmem:v27+s3+$0x0], $0xffff;
	v27 =	vadd.s32 s1, v4  }
0x21: {  	s23 =	simm.s32 $0x6580  }
0x22: {  	v29 =	vadd.s32 s3, v3;
	[tilespmem:s23+$0x0] =	vst v28  }
0x23: {  	v30 =	vld.idx.msk [tilespmem:v30+s3+$0x0], $0xffff  }
0x24: {  	v31 =	vadd.s32 s0, v3;
	v24 =	vld.idx.msk [tilespmem:v24+s3+$0x0], $0xffff;
	[tilespmem:s30+$0x20] =	vst v25  }
0x25: {  	[tilespmem:s30+$0xFFFFFF90] =	vst v26;
	v25 =	vadd.s32 s24, v2;
	v26 =	vld.idx.msk [tilespmem:v27+s3+$0x0], $0xffff  }
0x26: {  	v28 =	vadd.s32 s1, v6  }
0x27: {  	v27 =	vld.idx.msk [tilespmem:v29+s3+$0x0], $0xffff  }
0x28: {  	s26 =	simm.s32 $0x5;
	[tilespmem:s23+$0x10] =	vst v30;
	v29 =	vadd.s32 s3, v4  }
0x29: {  	s25 =	simm.s32 $0x4;
	v30 =	vld.idx.msk [tilespmem:v31+s3+$0x0], $0xffff;
	[tilespmem:s23+$0xFFFFFF80] =	vst v24;
	v24 =	vadd.s32 s26, v1  }
0x2a: {  	v32 =	vadd.s32 s25, v1;
	v25 =	vld.idx.msk [tilespmem:v25+s3+$0x0], $0xffff;
	[tilespmem:s30+$0x30] =	vst v26  }
0x2b: {  	v33 =	vadd.s32 s0, v4;
	v26 =	vld.idx.msk [tilespmem:v28+s3+$0x0], $0xffff  }
0x2c: {  	[tilespmem:s30+$0xFFFFFFA0] =	vst v27;
	v27 =	vadd.s32 s24, v3  }
0x2d: {  	v28 =	vld.idx.msk [tilespmem:v29+s3+$0x0], $0xffff;
	v29 =	vadd.s32 s1, v7  }
0x2e: {  	v31 =	vadd.s32 s3, v6;
	[tilespmem:s23+$0x20] =	vst v30;
	v24 =	vld.idx.msk [tilespmem:v24+s3+$0x0], $0xffff  }
0x2f: {  	s29 =	simm.s32 $0x6;
	v32 =	vld.idx.msk [tilespmem:v32+s3+$0x0], $0xffff;
	[tilespmem:s23+$0xFFFFFF90] =	vst v25;
	v25 =	vadd.s32 s26, v2  }
0x30: {  	v33 =	vld.idx.msk [tilespmem:v33+s3+$0x0], $0xffff;
	[tilespmem:s30+$0x40] =	vst v26;
	v26 =	vadd.s32 s29, v1  }
0x31: {  	v34 =	vadd.s32 s0, v6;
	v27 =	vld.idx.msk [tilespmem:v27+s3+$0x0], $0xffff  }
0x32: {  	s28 =	simm.s32 $0x6680;
	[tilespmem:s30+$0xFFFFFFB0] =	vst v28;
	v28 =	vld.idx.msk [tilespmem:v29+s3+$0x0], $0xffff;
	v29 =	vadd.s32 s25, v2  }
0x33: {  	v30 =	vld.idx.msk [tilespmem:v31+s3+$0x0], $0xffff;
	v31 =	vadd.s32 s1, v8;
	[tilespmem:s28+$0x0] =	vst v24  }
0x34: {  	[tilespmem:s28+$0xFFFFFF80] =	vst v32;
	v24 =	vadd.s32 s24, v4;
	v25 =	vld.idx.msk [tilespmem:v25+s3+$0x0], $0xffff  }
0x35: {  	[tilespmem:s23+$0x30] =	vst v33;
	v35 =	vld.idx.msk [tilespmem:v26+s3+$0x0], $0xffff;
	v26 =	vadd.s32 s3, v7  }
0x36: {  	s31 =	simm.s32 $0x7;
	v61 =	vadd.s32 s26, v3;
	v33 =	vld.idx.msk [tilespmem:v34+s3+$0x0], $0xffff;
	[tilespmem:s23+$0xFFFFFFA0] =	vst v27  }
0x37: {  	v29 =	vld.idx.msk [tilespmem:v29+s3+$0x0], $0xffff;
	[tilespmem:s30+$0x50] =	vst v28;
	v28 =	vadd.s32 s31, v1  }
0x38: {  	[tilespmem:s30+$0xFFFFFFC0] =	vst v30;
	v30 =	vadd.s32 s25, v3;
	v27 =	vld.idx.msk [tilespmem:v31+s3+$0x0], $0xffff  }
0x39: {  	v24 =	vld.idx.msk [tilespmem:v24+s3+$0x0], $0xffff;
	v31 =	vadd.s32 s1, v9  }
0x3a: {  	[tilespmem:s28+$0x10] =	vst v25;
	v25 =	vld.idx.msk [tilespmem:v26+s3+$0x0], $0xffff;
	v26 =	vadd.s32 s0, v7  }
0x3b: {  	v62 =	vadd.s32 s24, v6;
	[tilespmem:s23+$0x40] =	vst v33;
	v32 =	vld.idx.msk [tilespmem:v61+s3+$0x0], $0xffff  }
0x3c: {  	v36 =	vadd.s32 s26, v4;
	v28 =	vld.idx.msk [tilespmem:v28+s3+$0x0], $0xffff;
	[tilespmem:s28+$0xFFFFFF90] =	vst v29  }
0x3d: {  	s12 =	simm.s32 $0x6780;
	[tilespmem:s30+$0x60] =	vst v27;
	v27 =	vadd.s32 s3, v8;
	v38 =	vld.idx.msk [tilespmem:v30+s3+$0x0], $0xffff  }
0x3e: {  	v37 =	vadd.s32 s31, v2;
	s1 =	simm.s32 $0x8;
	[tilespmem:s12+$0xFFFFFF80] =	vst v35;
	v31 =	vld.idx.msk [tilespmem:v31+s3+$0x0], $0xffff  }
0x3f: {  	[tilespmem:s23+$0xFFFFFFB0] =	vst v24;
	v24 =	vadd.s32 s1, v1;
	v33 =	vld.idx.msk [tilespmem:v26+s3+$0x0], $0xffff  }
0x40: {  	v39 =	vadd.s32 s29, v2;
	[tilespmem:s28+$0x20] =	vst v32;
	v26 =	vld.idx.msk [tilespmem:v62+s3+$0x0], $0xffff  }
0x41: {  	v63 =	vadd.s32 s0, v8;
	[tilespmem:s30+$0xFFFFFFD0] =	vst v25;
	v29 =	vld.idx.msk [tilespmem:v36+s3+$0x0], $0xffff  }
0x42: {  	v35 =	vadd.s32 s25, v4;
	[tilespmem:s12+$0x0] =	vst v28;
	v25 =	vld.idx.msk [tilespmem:v27+s3+$0x0], $0xffff  }
0x43: {  	v34 =	vadd.s32 s26, v6;
	v30 =	vld.idx.msk [tilespmem:v37+s3+$0x0], $0xffff  }
0x44: {  	v24 =	vld.idx.msk [tilespmem:v24+s3+$0x0], $0xffff;
	[tilespmem:s23+$0x50] =	vst v33;
	v33 =	vadd.s32 s24, v7  }
0x45: {  	v28 =	vadd.s32 s31, v3;
	v27 =	vld.idx.msk [tilespmem:v39+s3+$0x0], $0xffff;
	[tilespmem:s28+$0xFFFFFFA0] =	vst v38  }
0x46: {  	s9 =	simm.s32 $0x9;
	s5 =	simm.s32 $0xA;
	s10 =	simm.s32 $0x6780;
	[tilespmem:s30+$0x70] =	vst v31;
	v31 =	vadd.s32 s3, v9;
	v32 =	vld.idx.msk [tilespmem:v63+s3+$0x0], $0xffff  }
.LBB2_2:
0x47: {  	p0 =	slt.u32 s5, $0xC6;
	v36 =	vadd.s32 s9, v1;
	v35 =	vld.idx.msk [tilespmem:v35+s3+$0x0], $0xffff;
	[tilespmem:s28+$0x30] =	vst v29;
	s7 =	smov.u32 s25;
	s25 =	smov.u32 s29  }
0x48: {  	v29 =	vld.idx.msk [tilespmem:v34+s3+$0x0], $0xffff;
	[tilespmem:s23+$0xFFFFFFC0] =	vst v26;
	v26 =	vadd.s32 s0, v9;
	s0 =	smov.u32 s26;
	s26 =	smov.u32 s31;
	s31 =	smov.u32 s9  }
0x49: {  	s29 =	smov.u32 s1;
	s1 =	smov.u32 s5;
	v34 =	vadd.s32 s25, v3;
	[tilespmem:s12+$0x10] =	vst v30;
	v30 =	vld.idx.msk [tilespmem:v33+s3+$0x0], $0xffff  }
0x4a: {  	v33 =	vadd.s32 s0, v7;
	v28 =	vld.idx.msk [tilespmem:v28+s3+$0x0], $0xffff;
	[tilespmem:s30+$0xFFFFFFE0] =	vst v25  }
0x4b: {  	v25 =	vadd.s32 s7, v6;
	[tilespmem:s12+$0xFFFFFF90] =	vst v27;
	v27 =	vld.idx.msk [tilespmem:v31+s3+$0x0], $0xffff  }
0x4c: {  	v31 =	vld.idx.msk [tilespmem:v36+s3+$0x0], $0xffff;
	v36 =	vadd.s32 s26, v4;
	[tilespmem:s23+$0x60] =	vst v32  }
0x4d: {  	v32 =	vadd.s32 s24, v8;
	[tilespmem:s28+$0xFFFFFFB0] =	vst v35;
	v37 =	vld.idx.msk [tilespmem:v26+s3+$0x0], $0xffff  }
0x4e: {  	v38 =	vadd.s32 s31, v2;
	v39 =	vld.idx.msk [tilespmem:v34+s3+$0x0], $0xffff;
	[tilespmem:s28+$0x40] =	vst v29  }
0x4f: {  	v40 =	vadd.s32 s5, v1;
	v41 =	vld.idx.msk [tilespmem:v33+s3+$0x0], $0xffff;
	[tilespmem:s23+$0xFFFFFFD0] =	vst v30  }
0x50: {  	v42 =	vadd.s32 s29, v2;
	[tilespmem:s12+$0x20] =	vst v28;
	v26 =	vld.idx.msk [tilespmem:v25+s3+$0x0], $0xffff  }
0x51: {  	s12 =	sadd.s32 $0x100, s12;
	v29 =	vld.idx.msk [tilespmem:v36+s3+$0x0], $0xffff;
	v36 =	vadd.s32 s0, v8;
	[tilespmem:s30+$0xFFFFFFF0] =	vst v27;
	s30 =	smov.u32 s23;
	s23 =	smov.u32 s28  }
.Ltmp0:
0x52: {  	v35 =	vadd.s32 s25, v4;
	s28 =	smov.u32 s10;
	s10 =	smov.u32 s12;
	[tilespmem:s12+$0x0] =	vst v31;
	v25 =	vld.idx.msk [tilespmem:v32+s3+$0x0], $0xffff;
	(pc) =	sbr.rel @p0 .LBB2_2-.Ltmp0, $4  }
0x53: {  	v34 =	vadd.s32 s26, v6;
	v30 =	vld.idx.msk [tilespmem:v38+s3+$0x0], $0xffff;
	[tilespmem:s30+$0x70] =	vst v37  }
0x54: {  	v33 =	vadd.s32 s7, v7;
	[tilespmem:s12+$0xFFFFFF80] =	vst v24;
	v24 =	vld.idx.msk [tilespmem:v40+s3+$0x0], $0xffff  }
0x55: {  	v28 =	vadd.s32 s31, v3;
	v27 =	vld.idx.msk [tilespmem:v42+s3+$0x0], $0xffff;
	[tilespmem:s23+$0x50] =	vst v41  }
0x56: {  	s5 =	sadd.s32 $0x2, s5;
	s9 =	sadd.s32 $0x1, s1;
	v31 =	vadd.s32 s24, v9;
	s24 =	smov.u32 s7;
	[tilespmem:s28+$0xFFFFFFA0] =	vst v39;
	v32 =	vld.idx.msk [tilespmem:v36+s3+$0x0], $0xffff  }
0x57: {  	v36 =	vadd.s32 s9, v1;
	_ =	sdelay $0x4  }
0x58: {  	[tilespmem:s28+$0x30] =	vst v29;
	v57 =	vadd.s32 s1, v2;
	v36 =	vld.idx.msk [tilespmem:v36+s3+$0x0], $0xffff  }
0x59: {  	v56 =	vadd.s32 s9, v2;
	[tilespmem:s23+$0xFFFFFFC0] =	vst v26  }
0x5a: {  	[tilespmem:s30+$0xFFFFFFE0] =	vst v25  }
0x5b: {  	v58 =	vld.idx.msk [tilespmem:v35+s3+$0x0], $0xffff;
	s5 =	sadd.s32 $0x100, s12;
	[tilespmem:s12+$0x10] =	vst v30  }
0x5c: {  	v59 =	vld.idx.msk [tilespmem:v34+s3+$0x0], $0xffff;
	[tilespmem:s5+$0xFFFFFF80] =	vst v24  }
0x5d: {  	v60 =	vadd.s32 s29, v3;
	v24 =	vld.idx.msk [tilespmem:v57+s3+$0x0], $0xffff;
	[tilespmem:s5+$0x0] =	vst v36  }
0x5e: {  	v63 =	vadd.s32 s1, v3;
	[tilespmem:s12+$0xFFFFFF90] =	vst v27;
	v29 =	vld.idx.msk [tilespmem:v56+s3+$0x0], $0xffff  }
0x5f: {  	v61 =	vadd.s32 s9, v3;
	v62 =	vld.idx.msk [tilespmem:v33+s3+$0x0], $0xffff;
	[tilespmem:s23+$0x60] =	vst v32  }
0x60: {  	v12 =	vadd.s32 s0, v9;
	v31 =	vld.idx.msk [tilespmem:v31+s3+$0x0], $0xffff;
	[tilespmem:s28+$0xFFFFFFB0] =	vst v58  }
0x61: {  	v13 =	vadd.s32 s26, v7;
	v28 =	vld.idx.msk [tilespmem:v28+s3+$0x0], $0xffff;
	[tilespmem:s28+$0x40] =	vst v59  }
0x62: {  	v14 =	vadd.s32 s31, v4;
	v34 =	vld.idx.msk [tilespmem:v60+s3+$0x0], $0xffff;
	[tilespmem:s5+$0xFFFFFF90] =	vst v24  }
0x63: {  	v36 =	vadd.s32 s29, v4;
	v38 =	vld.idx.msk [tilespmem:v63+s3+$0x0], $0xffff;
	[tilespmem:s5+$0x10] =	vst v29  }
0x64: {  	v40 =	vadd.s32 s1, v4;
	[tilespmem:s23+$0xFFFFFFD0] =	vst v62;
	v26 =	vld.idx.msk [tilespmem:v61+s3+$0x0], $0xffff  }
0x65: {  	v37 =	vadd.s32 s9, v4;
	v39 =	vld.idx.msk [tilespmem:v12+s3+$0x0], $0xffff;
	[tilespmem:s30+$0xFFFFFFF0] =	vst v31  }
0x66: {  	v41 =	vadd.s32 s25, v6;
	[tilespmem:s12+$0x20] =	vst v28;
	v30 =	vld.idx.msk [tilespmem:v13+s3+$0x0], $0xffff  }
0x67: {  	v42 =	vadd.s32 s24, v8;
	v25 =	vld.idx.msk [tilespmem:v14+s3+$0x0], $0xffff;
	[tilespmem:s10+$0xFFFFFFA0] =	vst v34  }
0x68: {  	v43 =	vadd.s32 s31, v6;
	v29 =	vld.idx.msk [tilespmem:v36+s3+$0x0], $0xffff;
	[tilespmem:s5+$0xFFFFFFA0] =	vst v38  }
0x69: {  	v44 =	vadd.s32 s29, v6;
	v28 =	vld.idx.msk [tilespmem:v40+s3+$0x0], $0xffff;
	[tilespmem:s5+$0x20] =	vst v26  }
0x6a: {  	v47 =	vadd.s32 s1, v6;
	[tilespmem:s23+$0x70] =	vst v39;
	v24 =	vld.idx.msk [tilespmem:v37+s3+$0x0], $0xffff  }
0x6b: {  	v45 =	vadd.s32 s9, v6;
	v46 =	vld.idx.msk [tilespmem:v41+s3+$0x0], $0xffff;
	[tilespmem:s28+$0x50] =	vst v30  }
0x6c: {  	v48 =	vadd.s32 s26, v8;
	v31 =	vld.idx.msk [tilespmem:v42+s3+$0x0], $0xffff;
	[tilespmem:s10+$0x30] =	vst v25  }
0x6d: {  	v49 =	vadd.s32 s25, v7;
	v34 =	vld.idx.msk [tilespmem:v43+s3+$0x0], $0xffff;
	[tilespmem:s10+$0xFFFFFFB0] =	vst v29  }
0x6e: {  	v50 =	vadd.s32 s31, v7;
	v26 =	vld.idx.msk [tilespmem:v44+s3+$0x0], $0xffff;
	[tilespmem:s5+$0xFFFFFFB0] =	vst v28  }
0x6f: {  	v51 =	vadd.s32 s29, v7;
	v30 =	vld.idx.msk [tilespmem:v47+s3+$0x0], $0xffff;
	[tilespmem:s5+$0x30] =	vst v24  }
0x70: {  	v54 =	vadd.s32 s1, v7;
	[tilespmem:s28+$0xFFFFFFC0] =	vst v46;
	v27 =	vld.idx.msk [tilespmem:v45+s3+$0x0], $0xffff  }
0x71: {  	v52 =	vadd.s32 s9, v7;
	[tilespmem:s23+$0xFFFFFFE0] =	vst v31;
	v53 =	vld.idx.msk [tilespmem:v48+s3+$0x0], $0xffff  }
0x72: {  	v55 =	vadd.s32 s24, v9;
	v25 =	vld.idx.msk [tilespmem:v49+s3+$0x0], $0xffff;
	[tilespmem:s10+$0x40] =	vst v34  }
0x73: {  	v56 =	vadd.s32 s25, v8;
	v29 =	vld.idx.msk [tilespmem:v50+s3+$0x0], $0xffff;
	[tilespmem:s10+$0xFFFFFFC0] =	vst v26  }
0x74: {  	v57 =	vadd.s32 s31, v8;
	v24 =	vld.idx.msk [tilespmem:v51+s3+$0x0], $0xffff;
	[tilespmem:s5+$0xFFFFFFC0] =	vst v30  }
0x75: {  	v58 =	vadd.s32 s29, v8;
	v31 =	vld.idx.msk [tilespmem:v54+s3+$0x0], $0xffff;
	[tilespmem:s5+$0x40] =	vst v27  }
0x76: {  	v61 =	vadd.s32 s1, v8;
	[tilespmem:s28+$0x60] =	vst v53;
	v28 =	vld.idx.msk [tilespmem:v52+s3+$0x0], $0xffff  }
0x77: {  	v59 =	vadd.s32 s9, v8;
	v60 =	vld.idx.msk [tilespmem:v55+s3+$0x0], $0xffff;
	[tilespmem:s28+$0xFFFFFFD0] =	vst v25  }
0x78: {  	v62 =	vadd.s32 s26, v9;
	v34 =	vld.idx.msk [tilespmem:v56+s3+$0x0], $0xffff;
	[tilespmem:s10+$0x50] =	vst v29  }
0x79: {  	v63 =	vadd.s32 s25, v9;
	v26 =	vld.idx.msk [tilespmem:v57+s3+$0x0], $0xffff;
	[tilespmem:s10+$0xFFFFFFD0] =	vst v24  }
0x7a: {  	v12 =	vadd.s32 s31, v9;
	v27 =	vld.idx.msk [tilespmem:v58+s3+$0x0], $0xffff;
	[tilespmem:s5+$0xFFFFFFD0] =	vst v31  }
0x7b: {  	v13 =	vadd.s32 s29, v9;
	v25 =	vld.idx.msk [tilespmem:v61+s3+$0x0], $0xffff;
	[tilespmem:s5+$0x50] =	vst v28  }
0x7c: {  	[tilespmem:s23+$0xFFFFFFF0] =	vst v60;
	v37 =	vadd.s32 s1, v9;
	v28 =	vld.idx.msk [tilespmem:v59+s3+$0x0], $0xffff  }
0x7d: {  	v14 =	vadd.s32 s9, v9;
	v36 =	vld.idx.msk [tilespmem:v62+s3+$0x0], $0xffff;
	[tilespmem:s28+$0xFFFFFFE0] =	vst v34  }
0x7e: {  	v29 =	vld.idx.msk [tilespmem:v63+s3+$0x0], $0xffff;
	[tilespmem:s10+$0x60] =	vst v26  }
0x7f: {  	v24 =	vld.idx.msk [tilespmem:v12+s3+$0x0], $0xffff;
	[tilespmem:s10+$0xFFFFFFE0] =	vst v27  }
0x80: {  	v38 =	vld.idx.msk [tilespmem:v13+s3+$0x0], $0xffff;
	[tilespmem:s5+$0xFFFFFFE0] =	vst v25  }
0x81: {  	v25 =	vld.idx.msk [tilespmem:v37+s3+$0x0], $0xffff;
	[tilespmem:s5+$0x60] =	vst v28  }
0x82: {  	[tilespmem:s28+$0x70] =	vst v36;
	v39 =	vld.idx.msk [tilespmem:v14+s3+$0x0], $0xffff  }
0x83: {  	[tilespmem:s28+$0xFFFFFFF0] =	vst v29  }
0x84: {  	[tilespmem:s10+$0x70] =	vst v24  }
0x85: {  	[tilespmem:s10+$0xFFFFFFF0] =	vst v38  }
0x86: {  	[tilespmem:s5+$0xFFFFFFF0] =	vst v25  }
0x87: {  	[tilespmem:s5+$0x70] =	vst v39  }
0x88: {  	v24 =	vld [tilespmem:$0x6400]  }
0x89: {  	v25 =	vld [tilespmem:$0x6410]  }
0x8a: {  	v26 =	vld [tilespmem:$0x6420]  }
0x8b: {  	v27 =	vld [tilespmem:$0x6430]  }
0x8c: {  	v28 =	vld [tilespmem:$0x6440]  }
0x8d: {  	v29 =	vld [tilespmem:$0x6450];
	v24 =	vshrl.u32 v24, $0x1  }
0x8e: {  	v41 =	vld [tilespmem:$0x6460];
	v40 =	vshrl.u32 v25, $0x1;
	[tilespmem:$0xC800] =	vst v24  }
0x8f: {  	v43 =	vld [tilespmem:$0x6470];
	v42 =	vshrl.u32 v26, $0x1;
	[tilespmem:$0xC810] =	vst v40  }
0x90: {  	v44 =	vshrl.u32 v27, $0x1;
	[tilespmem:$0xC820] =	vst v42  }
0x91: {  	v45 =	vshrl.u32 v28, $0x1;
	[tilespmem:$0xC830] =	vst v44  }
0x92: {  	v46 =	vshrl.u32 v29, $0x1;
	[tilespmem:$0xC840] =	vst v45  }
0x93: {  	v47 =	vshrl.u32 v41, $0x1;
	[tilespmem:$0xC850] =	vst v46  }
0x94: {  	v48 =	vshrl.u32 v43, $0x1;
	[tilespmem:$0xC860] =	vst v47  }
0x95: {  	s30 =	simm.s32 $0xC800;
	s29 =	simm.s32 $0x80;
	[tilespmem:$0xC870] =	vst v48  }
0x96: {  	[tilespmem:s11], [sflag:$0x1] =	stream.indirect.gather [hbm4b:s4+s29], $0x80, s30, s29, $0xb8;
	[tilespmem:$0x18900] =	vst v63  }
0x97: {  	v49 =	vld [tilespmem:$0x6480]  }
0x98: {  	v50 =	vld [tilespmem:$0x6490]  }
0x99: {  	v51 =	vld [tilespmem:$0x64A0]  }
0x9a: {  	v52 =	vld [tilespmem:$0x64B0]  }
0x9b: {  	v53 =	vld [tilespmem:$0x64C0]  }
0x9c: {  	v54 =	vld [tilespmem:$0x64D0];
	v24 =	vshrl.u32 v49, $0x1  }
0x9d: {  	v56 =	vld [tilespmem:$0x64E0];
	v55 =	vshrl.u32 v50, $0x1;
	[tilespmem:$0xC880] =	vst v24  }
0x9e: {  	v58 =	vld [tilespmem:$0x64F0];
	v57 =	vshrl.u32 v51, $0x1;
	[tilespmem:$0xC890] =	vst v55  }
0x9f: {  	v59 =	vshrl.u32 v52, $0x1;
	[tilespmem:$0xC8A0] =	vst v57  }
0xa0: {  	v60 =	vshrl.u32 v53, $0x1;
	[tilespmem:$0xC8B0] =	vst v59  }
0xa1: {  	v61 =	vshrl.u32 v54, $0x1;
	[tilespmem:$0xC8C0] =	vst v60  }
0xa2: {  	v62 =	vshrl.u32 v56, $0x1;
	[tilespmem:$0xC8D0] =	vst v61  }
0xa3: {  	v63 =	vshrl.u32 v58, $0x1;
	[tilespmem:$0xC8E0] =	vst v62  }
0xa4: {  	s24 =	simm.s32 $0x0;
	s31 =	simm.s32 $0xC880;
	s23 =	simm.s32 $0x0;
	[tilespmem:$0xC8F0] =	vst v63  }
0xa5: {  	[tilespmem:s13], [sflag:$0x2] =	stream.indirect.gather [hbm4b:s4+s29], $0x80, s31, s29, $0xb8;
	[tilespmem:$0x18900] =	vst v63  }
.LBB2_4:
0xa6: {  	_ =	swait.ge [sflag:s14], $0x4000  }
0xa7: {  	p1 =	seq.s32 s24, $0x0;
	[sflag:s14] =	ssyncset.done $0x0  }
0xa8: {  	s0 =	simm.s32 @!p1 $0x3;
	[sflag:s14] =	ssyncadd.s32 $0xFFFFC000  }
0xa9: {  	_ =	swait.ge @!p1 [sflag:s0], $0x2000  }
0xaa: {  	s1 =	sshll.u32 s24, $0x8;
	[sflag:s0] =	ssyncset.done @!p1 $0x0  }
0xab: {  	s25 =	sand.u32 $0x3FFFFF00, s1;
	[sflag:s0] =	ssyncadd.s32 @!p1 $0xFFFFE000  }
0xac: {  	v24 =	vld [tilespmem:s25+$0x6400];
	_ =	sdelay $0x4  }
0xad: {  	v24 =	vshll.u32 v24, $0x6  }
0xae: {  	v26 =	vadd.s32 s23, v0;
	v25 =	vld [tilespmem:s25+$0x6410];
	v24 =	vand.u32 $0x40, v24  }
0xaf: {  	v47 =	vand.u32 $0x3F, v26;
	v24 =	vor.u32 v16, v24  }
0xb0: {  	s10 =	simm.s32 $0x2;
	s12 =	simm.s32 $0x1;
	v1 =	vld [tilespmem:$0x1FF50];
	v28 =	vor.u32 v47, v24  }
0xb1: {  	s26 =	simm.s32 $0x3;
	v26 =	vadd.s32 s10, v0;
	v29 =	vadd.s32 s12, v0;
	v27 =	vld [tilespmem:s25+$0x6420]  }
0xb2: {  	v46 =	vand.u32 $0x3F, v26;
	v49 =	vand.u32 $0x3F, v29;
	v29 =	vadd.s32 s26, v0;
	v26 =	vld [tilespmem:s25+$0x6430]  }
0xb3: {  	v43 =	vshll.u32 v47, $0x7;
	v31 =	vld [tilespmem:s25+$0x6440];
	v25 =	vshll.u32 v25, $0x6;
	v30 =	vor.u32 v46, v24  }
0xb4: {  	v44 =	vand.u32 $0x3F, v29;
	v32 =	vld [tilespmem:s25+$0x6450];
	v25 =	vand.u32 $0x40, v25;
	v33 =	vor.u32 v49, v24  }
0xb5: {  	v35 =	vor.u32 v0, v43;
	v25 =	vor.u32 v1, v25;
	v34 =	vor.u32 v44, v24;
	v28 =	vld.idx.msk [tilespmem:v28+s11+$0x0], $0xffff  }
0xb6: {  	v29 =	vld [tilespmem:s25+$0x6460];
	v36 =	vor.u32 v47, v25  }
0xb7: {  	v42 =	vshll.u32 v46, $0x7;
	v38 =	vld [tilespmem:s25+$0x6470]  }
0xb8: {  	v48 =	vshll.u32 v49, $0x7;
	v37 =	vor.u32 v0, v42;
	v30 =	vld.idx.msk [tilespmem:v30+s11+$0x0], $0xffff  }
0xb9: {  	v45 =	vshll.u32 v44, $0x7;
	v40 =	vor.u32 v0, v48;
	v39 =	vor.u32 v46, v25;
	v33 =	vld.idx.msk [tilespmem:v33+s11+$0x0], $0xffff  }
0xba: {  	v50 =	vor.u32 v0, v45;
	v41 =	vor.u32 v49, v25;
	v34 =	vld.idx.msk [tilespmem:v34+s11+$0x0], $0xffff;
	[tilespmem:v35+s15+$0x0] =	vst.idx.msk $0xffff, v28  }
0xbb: {  	v59 =	vor.u32 v17, v43;
	v28 =	vor.u32 v44, v25;
	v35 =	vld.idx.msk [tilespmem:v36+s11+$0x0], $0xffff  }
0xbc: {  	v1 =	vld [tilespmem:$0x1FF60]  }
0xbd: {  	[tilespmem:v37+s15+$0x0] =	vst.idx.msk $0xffff, v30  }
0xbe: {  	v51 =	vor.u32 v17, v42;
	[tilespmem:v40+s15+$0x0] =	vst.idx.msk $0xffff, v33;
	v39 =	vld.idx.msk [tilespmem:v39+s11+$0x0], $0xffff  }
0xbf: {  	v62 =	vor.u32 v17, v48;
	v27 =	vshll.u32 v27, $0x6;
	[tilespmem:v50+s15+$0x0] =	vst.idx.msk $0xffff, v34;
	v40 =	vld.idx.msk [tilespmem:v41+s11+$0x0], $0xffff  }
0xc0: {  	v63 =	vor.u32 v17, v45;
	v27 =	vand.u32 $0x40, v27;
	v28 =	vld.idx.msk [tilespmem:v28+s11+$0x0], $0xffff;
	[tilespmem:v59+s15+$0x0] =	vst.idx.msk $0xffff, v35  }
0xc1: {  	v27 =	vor.u32 v1, v27;
	v1 =	vld [tilespmem:$0x1FF70];
	_ =	sdelay $0x1  }
0xc2: {  	[tilespmem:v51+s15+$0x0] =	vst.idx.msk $0xffff, v39  }
0xc3: {  	v26 =	vshll.u32 v26, $0x6;
	[tilespmem:v62+s15+$0x0] =	vst.idx.msk $0xffff, v40  }
0xc4: {  	v26 =	vand.u32 $0x40, v26;
	v30 =	vshll.u32 v31, $0x6;
	[tilespmem:v63+s15+$0x0] =	vst.idx.msk $0xffff, v28  }
0xc5: {  	v12 =	vand.u32 $0x40, v30;
	v30 =	vor.u32 v1, v26;
	v1 =	vld [tilespmem:$0x1FF80];
	_ =	sdelay $0x2  }
0xc6: {  	v60 =	vor.u32 v47, v27  }
0xc7: {  	v32 =	vshll.u32 v32, $0x6;
	v61 =	vor.u32 v46, v27  }
0xc8: {  	v58 =	vand.u32 $0x40, v32;
	v32 =	vor.u32 v1, v12;
	v1 =	vld [tilespmem:$0x1FF90]  }
0xc9: {  	v31 =	vor.u32 v49, v27  }
0xca: {  	v13 =	vor.u32 v44, v27  }
0xcb: {  	v26 =	vld.idx.msk [tilespmem:v60+s11+$0x0], $0xffff  }
0xcc: {  	v14 =	vor.u32 v18, v43;
	v29 =	vshll.u32 v29, $0x6;
	v33 =	vld.idx.msk [tilespmem:v61+s11+$0x0], $0xffff  }
0xcd: {  	v57 =	vor.u32 v18, v42;
	v60 =	vand.u32 $0x40, v29;
	v29 =	vor.u32 v1, v58;
	v1 =	vld [tilespmem:$0x1FFA0]  }
0xce: {  	v52 =	vor.u32 v18, v48;
	v31 =	vld.idx.msk [tilespmem:v31+s11+$0x0], $0xffff;
	v56 =	vor.u32 v47, v30  }
0xcf: {  	v34 =	vld.idx.msk [tilespmem:v13+s11+$0x0], $0xffff;
	v61 =	vor.u32 v18, v45;
	v59 =	vor.u32 v46, v30  }
0xd0: {  	v62 =	vor.u32 v44, v30  }
0xd1: {  	s28 =	simm.s32 $0x4;
	[tilespmem:v14+s15+$0x0] =	vst.idx.msk $0xffff, v26  }
0xd2: {  	v13 =	vadd.s32 s28, v0;
	v63 =	vor.u32 v49, v30;
	v28 =	vor.u32 v1, v60;
	v1 =	vld [tilespmem:$0x1FFB0];
	[tilespmem:v57+s15+$0x0] =	vst.idx.msk $0xffff, v33  }
0xd3: {  	v12 =	vor.u32 v19, v42;
	v37 =	vld.idx.msk [tilespmem:v56+s11+$0x0], $0xffff;
	[tilespmem:v52+s15+$0x0] =	vst.idx.msk $0xffff, v31;
	v31 =	vor.u32 v19, v43  }
0xd4: {  	s29 =	simm.s32 $0x5;
	v38 =	vshll.u32 v38, $0x6;
	v14 =	vor.u32 v47, v32;
	[tilespmem:v61+s15+$0x0] =	vst.idx.msk $0xffff, v34;
	v33 =	vand.u32 $0x3F, v13;
	v40 =	vld.idx.msk [tilespmem:v59+s11+$0x0], $0xffff  }
0xd5: {  	v41 =	vor.u32 v19, v45;
	v61 =	vadd.s32 s29, v0;
	v53 =	vld.idx.msk [tilespmem:v62+s11+$0x0], $0xffff;
	v55 =	vor.u32 v33, v24  }
0xd6: {  	v38 =	vand.u32 $0x40, v38;
	v54 =	vor.u32 v44, v32;
	v36 =	vand.u32 $0x3F, v61  }
0xd7: {  	s30 =	simm.s32 $0x6;
	s31 =	simm.s32 $0x7;
	v56 =	vor.u32 v19, v48;
	v60 =	vor.u32 v46, v32;
	v57 =	vld.idx.msk [tilespmem:v63+s11+$0x0], $0xffff;
	v58 =	vor.u32 v36, v24  }
0xd8: {  	v62 =	vadd.s32 s30, v0;
	v59 =	vor.u32 v49, v32;
	v63 =	vadd.s32 s31, v0;
	[tilespmem:v31+s15+$0x0] =	vst.idx.msk $0xffff, v37  }
0xd9: {  	v26 =	vor.u32 v1, v38;
	v38 =	vand.u32 $0x3F, v62;
	v31 =	vshll.u32 v33, $0x7;
	[tilespmem:v12+s15+$0x0] =	vst.idx.msk $0xffff, v40;
	v52 =	vld.idx.msk [tilespmem:v14+s11+$0x0], $0xffff  }
0xda: {  	v12 =	vor.u32 v38, v24;
	[tilespmem:v41+s15+$0x0] =	vst.idx.msk $0xffff, v53;
	v53 =	vld.idx.msk [tilespmem:v55+s11+$0x0], $0xffff;
	v55 =	vor.u32 v20, v43  }
0xdb: {  	v35 =	vshll.u32 v36, $0x7;
	v37 =	vand.u32 $0x3F, v63;
	v63 =	vor.u32 v0, v31  }
0xdc: {  	v62 =	vor.u32 v37, v24;
	[tilespmem:v56+s15+$0x0] =	vst.idx.msk $0xffff, v57;
	v57 =	vor.u32 v0, v35;
	v58 =	vld.idx.msk [tilespmem:v58+s11+$0x0], $0xffff  }
0xdd: {  	v10 =	vor.u32 v20, v48;
	v61 =	vor.u32 v20, v42;
	v56 =	vor.u32 v33, v25;
	v60 =	vld.idx.msk [tilespmem:v60+s11+$0x0], $0xffff  }
0xde: {  	v51 =	vor.u32 v46, v29;
	v5 =	vor.u32 v36, v25;
	v34 =	vshll.u32 v38, $0x7;
	v59 =	vld.idx.msk [tilespmem:v59+s11+$0x0], $0xffff  }
0xdf: {  	v39 =	vshll.u32 v37, $0x7;
	v11 =	vor.u32 v0, v34;
	v50 =	vld.idx.msk [tilespmem:v12+s11+$0x0], $0xffff;
	[tilespmem:v55+s15+$0x0] =	vst.idx.msk $0xffff, v52  }
0xe0: {  	v54 =	vld.idx.msk [tilespmem:v54+s11+$0x0], $0xffff;
	v12 =	vor.u32 v47, v29;
	v55 =	vor.u32 v20, v45;
	[tilespmem:v63+s15+$0x0] =	vst.idx.msk $0xffff, v53  }
0xe1: {  	v52 =	vor.u32 v49, v29;
	v53 =	vld.idx.msk [tilespmem:v62+s11+$0x0], $0xffff;
	[tilespmem:v57+s15+$0x0] =	vst.idx.msk $0xffff, v58;
	v58 =	vor.u32 v0, v39  }
0xe2: {  	v62 =	vor.u32 v17, v31;
	[tilespmem:v61+s15+$0x0] =	vst.idx.msk $0xffff, v60;
	v56 =	vld.idx.msk [tilespmem:v56+s11+$0x0], $0xffff;
	v57 =	vor.u32 v38, v25  }
0xe3: {  	v60 =	vor.u32 v21, v42;
	v61 =	vor.u32 v44, v29;
	[tilespmem:v10+s15+$0x0] =	vst.idx.msk $0xffff, v59;
	v51 =	vld.idx.msk [tilespmem:v51+s11+$0x0], $0xffff  }
0xe4: {  	v40 =	vor.u32 v38, v32;
	v63 =	vor.u32 v37, v25;
	v5 =	vld.idx.msk [tilespmem:v5+s11+$0x0], $0xffff;
	[tilespmem:v11+s15+$0x0] =	vst.idx.msk $0xffff, v50  }
0xe5: {  	v10 =	vor.u32 v33, v27;
	v59 =	vor.u32 v17, v35;
	v11 =	vld.idx.msk [tilespmem:v12+s11+$0x0], $0xffff;
	[tilespmem:v55+s15+$0x0] =	vst.idx.msk $0xffff, v54  }
0xe6: {  	v12 =	vor.u32 v36, v27;
	v50 =	vor.u32 v21, v43;
	v52 =	vld.idx.msk [tilespmem:v52+s11+$0x0], $0xffff;
	[tilespmem:v58+s15+$0x0] =	vst.idx.msk $0xffff, v53  }
0xe7: {  	v54 =	vor.u32 v21, v48;
	v55 =	vor.u32 v47, v28;
	v57 =	vld.idx.msk [tilespmem:v57+s11+$0x0], $0xffff;
	[tilespmem:v62+s15+$0x0] =	vst.idx.msk $0xffff, v56  }
0xe8: {  	v53 =	vor.u32 v49, v28;
	v56 =	vor.u32 v17, v34;
	[tilespmem:v60+s15+$0x0] =	vst.idx.msk $0xffff, v51;
	v51 =	vld.idx.msk [tilespmem:v61+s11+$0x0], $0xffff  }
0xe9: {  	v13 =	vor.u32 v37, v27;
	v58 =	vor.u32 v21, v45;
	v60 =	vld.idx.msk [tilespmem:v63+s11+$0x0], $0xffff;
	v61 =	vor.u32 v46, v28  }
0xea: {  	v10 =	vld.idx.msk [tilespmem:v10+s11+$0x0], $0xffff;
	[tilespmem:v59+s15+$0x0] =	vst.idx.msk $0xffff, v5;
	v5 =	vor.u32 v38, v27;
	v59 =	vor.u32 v17, v39  }
0xeb: {  	v14 =	vor.u32 v18, v35;
	v62 =	vor.u32 v18, v31;
	v12 =	vld.idx.msk [tilespmem:v12+s11+$0x0], $0xffff;
	[tilespmem:v50+s15+$0x0] =	vst.idx.msk $0xffff, v11  }
0xec: {  	v41 =	vor.u32 v19, v39;
	v11 =	vor.u32 v33, v30;
	[tilespmem:v54+s15+$0x0] =	vst.idx.msk $0xffff, v52;
	v55 =	vld.idx.msk [tilespmem:v55+s11+$0x0], $0xffff  }
0xed: {  	v52 =	vor.u32 v44, v28;
	v54 =	vor.u32 v22, v43;
	v53 =	vld.idx.msk [tilespmem:v53+s11+$0x0], $0xffff;
	[tilespmem:v56+s15+$0x0] =	vst.idx.msk $0xffff, v57  }
0xee: {  	v56 =	vor.u32 v47, v26;
	[tilespmem:v58+s15+$0x0] =	vst.idx.msk $0xffff, v51;
	v58 =	vor.u32 v22, v48;
	v61 =	vld.idx.msk [tilespmem:v61+s11+$0x0], $0xffff  }
0xef: {  	v49 =	vor.u32 v49, v26;
	v5 =	vld.idx.msk [tilespmem:v5+s11+$0x0], $0xffff;
	[tilespmem:v59+s15+$0x0] =	vst.idx.msk $0xffff, v60;
	v59 =	vor.u32 v22, v42  }
0xf0: {  	v50 =	vor.u32 v18, v39;
	v60 =	vor.u32 v46, v26;
	[tilespmem:v62+s15+$0x0] =	vst.idx.msk $0xffff, v10;
	v62 =	vld.idx.msk [tilespmem:v13+s11+$0x0], $0xffff  }
0xf1: {  	v10 =	vor.u32 v18, v34;
	v13 =	vor.u32 v37, v30;
	v11 =	vld.idx.msk [tilespmem:v11+s11+$0x0], $0xffff;
	[tilespmem:v14+s15+$0x0] =	vst.idx.msk $0xffff, v12  }
0xf2: {  	v63 =	vor.u32 v19, v31;
	v12 =	vor.u32 v38, v30;
	v47 =	vld.idx.msk [tilespmem:v52+s11+$0x0], $0xffff;
	[tilespmem:v54+s15+$0x0] =	vst.idx.msk $0xffff, v55  }
0xf3: {  	v57 =	vor.u32 v22, v45;
	v51 =	vor.u32 v44, v26;
	v56 =	vld.idx.msk [tilespmem:v56+s11+$0x0], $0xffff;
	[tilespmem:v58+s15+$0x0] =	vst.idx.msk $0xffff, v53  }
0xf4: {  	v46 =	vor.u32 v23, v43;
	v52 =	vor.u32 v23, v48;
	[tilespmem:v59+s15+$0x0] =	vst.idx.msk $0xffff, v61;
	v55 =	vld.idx.msk [tilespmem:v49+s11+$0x0], $0xffff  }
0xf5: {  	v48 =	vor.u32 v36, v30;
	v54 =	vor.u32 v23, v42;
	v49 =	vld.idx.msk [tilespmem:v60+s11+$0x0], $0xffff;
	[tilespmem:v50+s15+$0x0] =	vst.idx.msk $0xffff, v62  }
0xf6: {  	[tilespmem:v10+s15+$0x0] =	vst.idx.msk $0xffff, v5;
	v53 =	vor.u32 v38, v29;
	v61 =	vor.u32 v19, v34;
	v60 =	vld.idx.msk [tilespmem:v13+s11+$0x0], $0xffff  }
0xf7: {  	s26 =	sshllo.u32 s24, $0x1;
	s0 =	simm.s32 $0x8;
	v58 =	vor.u32 v37, v32;
	v50 =	vor.u32 v23, v45;
	v59 =	vld.idx.msk [tilespmem:v12+s11+$0x0], $0xffff;
	[tilespmem:v63+s15+$0x0] =	vst.idx.msk $0xffff, v11  }
.LBB2_5:
0xf8: {  	s1 =	sadd.s32 $0x1, s0;
	v10 =	vor.u32 v33, v32;
	v11 =	vor.u32 v36, v32  }
0xf9: {  	v5 =	vadd.s32 s0, v0;
	p0 =	slt.u32 s0, $0x3C;
	[tilespmem:v57+s15+$0x0] =	vst.idx.msk $0xffff, v47;
	v47 =	vmovc v37;
	v44 =	vmovc v35;
	v43 =	vmov v34;
	v42 =	vmov v39;
	s5 =	smov.u32 s0;
	s0 =	sadd.s32 $0x4, s0  }
0xfa: {  	v45 =	vand.u32 $0x3F, v5;
	v5 =	vadd.s32 s1, v0;
	s1 =	sadd.s32 $0x2, s5;
	v12 =	vor.u32 v19, v44;
	[tilespmem:v46+s15+$0x0] =	vst.idx.msk $0xffff, v56;
	v13 =	vld.idx.msk [tilespmem:v51+s11+$0x0], $0xffff  }
0xfb: {  	v51 =	vor.u32 v45, v24;
	v46 =	vand.u32 $0x3F, v5;
	v5 =	vadd.s32 s1, v0;
	s1 =	sadd.s32 $0x3, s5;
	v56 =	vld.idx.msk [tilespmem:v48+s11+$0x0], $0xffff;
	[tilespmem:v52+s15+$0x0] =	vst.idx.msk $0xffff, v55  }
0xfc: {  	v52 =	vor.u32 v46, v24;
	v48 =	vand.u32 $0x3F, v5;
	v5 =	vadd.s32 s1, v0;
	[tilespmem:v54+s15+$0x0] =	vst.idx.msk $0xffff, v49  }
0xfd: {  	v49 =	vshll.u32 v45, $0x7;
	v54 =	vor.u32 v48, v24;
	v37 =	vand.u32 $0x3F, v5;
	[tilespmem:v61+s15+$0x0] =	vst.idx.msk $0xffff, v59  }
0xfe: {  	v35 =	vshll.u32 v46, $0x7;
	v34 =	vshll.u32 v48, $0x7;
	v5 =	vor.u32 v37, v24;
	v55 =	vld.idx.msk [tilespmem:v40+s11+$0x0], $0xffff;
	[tilespmem:v41+s15+$0x0] =	vst.idx.msk $0xffff, v60  }
0xff: {  	v57 =	vor.u32 v20, v43;
	v40 =	vor.u32 v48, v32;
	v39 =	vshll.u32 v37, $0x7;
	v10 =	vld.idx.msk [tilespmem:v10+s11+$0x0], $0xffff  }
0x100: {  	v59 =	vor.u32 v20, v31;
	v41 =	vor.u32 v19, v39;
	v51 =	vld.idx.msk [tilespmem:v51+s11+$0x0], $0xffff;
	[tilespmem:v50+s15+$0x0] =	vst.idx.msk $0xffff, v13  }
0x101: {  	v13 =	vor.u32 v0, v49;
	v50 =	vld.idx.msk [tilespmem:v52+s11+$0x0], $0xffff;
	[tilespmem:v12+s15+$0x0] =	vst.idx.msk $0xffff, v56  }
0x102: {  	v12 =	vor.u32 v45, v25;
	v52 =	vor.u32 v0, v35;
	v56 =	vor.u32 v47, v28;
	v11 =	vld.idx.msk [tilespmem:v11+s11+$0x0], $0xffff  }
0x103: {  	v62 =	vor.u32 v21, v44;
	v61 =	vor.u32 v20, v44;
	v60 =	vor.u32 v46, v25;
	v54 =	vld.idx.msk [tilespmem:v54+s11+$0x0], $0xffff  }
0x104: {  	v14 =	vor.u32 v33, v29;
	v63 =	vor.u32 v0, v34;
	[tilespmem:v57+s15+$0x0] =	vst.idx.msk $0xffff, v55;
	v55 =	vld.idx.msk [tilespmem:v58+s11+$0x0], $0xffff  }
0x105: {  	v57 =	vor.u32 v20, v42;
	[tilespmem:v59+s15+$0x0] =	vst.idx.msk $0xffff, v10;
	v10 =	vor.u32 v36, v29;
	v53 =	vld.idx.msk [tilespmem:v53+s11+$0x0], $0xffff  }
0x106: {  	[tilespmem:v13+s15+$0x0] =	vst.idx.msk $0xffff, v51;
	v5 =	vld.idx.msk [tilespmem:v5+s11+$0x0], $0xffff;
	v13 =	vor.u32 v21, v43;
	v51 =	vor.u32 v47, v29  }
0x107: {  	v12 =	vld.idx.msk [tilespmem:v12+s11+$0x0], $0xffff;
	[tilespmem:v52+s15+$0x0] =	vst.idx.msk $0xffff, v50;
	v50 =	vor.u32 v48, v25;
	v52 =	vor.u32 v0, v39  }
0x108: {  	v58 =	vor.u32 v17, v49;
	v59 =	vld.idx.msk [tilespmem:v60+s11+$0x0], $0xffff;
	v60 =	vor.u32 v37, v25;
	[tilespmem:v61+s15+$0x0] =	vst.idx.msk $0xffff, v11  }
0x109: {  	v11 =	vor.u32 v45, v27;
	v61 =	vor.u32 v17, v35;
	[tilespmem:v63+s15+$0x0] =	vst.idx.msk $0xffff, v54;
	v14 =	vld.idx.msk [tilespmem:v14+s11+$0x0], $0xffff  }
0x10a: {  	v54 =	vor.u32 v46, v27;
	v63 =	vor.u32 v21, v31;
	v10 =	vld.idx.msk [tilespmem:v10+s11+$0x0], $0xffff;
	[tilespmem:v57+s15+$0x0] =	vst.idx.msk $0xffff, v55  }
0x10b: {  	v15 =	vor.u32 v22, v44;
	v55 =	vor.u32 v33, v28;
	[tilespmem:v13+s15+$0x0] =	vst.idx.msk $0xffff, v53;
	v13 =	vld.idx.msk [tilespmem:v51+s11+$0x0], $0xffff  }
0x10c: {  	v51 =	vor.u32 v21, v42;
	v50 =	vld.idx.msk [tilespmem:v50+s11+$0x0], $0xffff;
	[tilespmem:v52+s15+$0x0] =	vst.idx.msk $0xffff, v5;
	v5 =	vor.u32 v36, v28  }
0x10d: {  	v53 =	vor.u32 v38, v28;
	[tilespmem:v58+s15+$0x0] =	vst.idx.msk $0xffff, v12;
	v12 =	vor.u32 v17, v34;
	v52 =	vld.idx.msk [tilespmem:v60+s11+$0x0], $0xffff  }
0x10e: {  	v57 =	vor.u32 v48, v27;
	v58 =	vor.u32 v17, v39;
	v11 =	vld.idx.msk [tilespmem:v11+s11+$0x0], $0xffff;
	[tilespmem:v61+s15+$0x0] =	vst.idx.msk $0xffff, v59  }
0x10f: {  	v60 =	vor.u32 v37, v27;
	v59 =	vor.u32 v18, v49;
	v54 =	vld.idx.msk [tilespmem:v54+s11+$0x0], $0xffff;
	[tilespmem:v63+s15+$0x0] =	vst.idx.msk $0xffff, v14  }
0x110: {  	v61 =	vor.u32 v18, v35;
	v14 =	vor.u32 v45, v30;
	v55 =	vld.idx.msk [tilespmem:v55+s11+$0x0], $0xffff;
	[tilespmem:v62+s15+$0x0] =	vst.idx.msk $0xffff, v10  }
0x111: {  	v10 =	vor.u32 v22, v31;
	v62 =	vor.u32 v36, v26;
	v5 =	vld.idx.msk [tilespmem:v5+s11+$0x0], $0xffff;
	[tilespmem:v51+s15+$0x0] =	vst.idx.msk $0xffff, v13  }
0x112: {  	[tilespmem:v12+s15+$0x0] =	vst.idx.msk $0xffff, v50;
	v12 =	vor.u32 v33, v26;
	v13 =	vld.idx.msk [tilespmem:v53+s11+$0x0], $0xffff;
	v50 =	vor.u32 v38, v26  }
0x113: {  	v38 =	vor.u32 v22, v43;
	v53 =	vld.idx.msk [tilespmem:v57+s11+$0x0], $0xffff;
	[tilespmem:v58+s15+$0x0] =	vst.idx.msk $0xffff, v52;
	v57 =	vor.u32 v22, v42  }
0x114: {  	v51 =	vor.u32 v47, v26;
	[tilespmem:v59+s15+$0x0] =	vst.idx.msk $0xffff, v11;
	v11 =	vor.u32 v18, v34;
	v58 =	vld.idx.msk [tilespmem:v60+s11+$0x0], $0xffff  }
0x115: {  	v59 =	vor.u32 v48, v30;
	v60 =	vor.u32 v18, v39;
	v14 =	vld.idx.msk [tilespmem:v14+s11+$0x0], $0xffff;
	[tilespmem:v61+s15+$0x0] =	vst.idx.msk $0xffff, v54  }
0x116: {  	v63 =	vor.u32 v37, v30;
	v61 =	vor.u32 v19, v49;
	[tilespmem:v10+s15+$0x0] =	vst.idx.msk $0xffff, v55;
	v47 =	vld.idx.msk [tilespmem:v56+s11+$0x0], $0xffff  }
.Ltmp1:
0x117: {  	v36 =	vmov v46;
	v33 =	vmov v45;
	v52 =	vor.u32 v23, v44;
	v56 =	vld.idx.msk [tilespmem:v12+s11+$0x0], $0xffff;
	[tilespmem:v15+s15+$0x0] =	vst.idx.msk $0xffff, v5;
	(pc) =	sbr.rel @p0 .LBB2_5-.Ltmp1, $4  }
0x118: {  	v46 =	vor.u32 v23, v31;
	v31 =	vmov v49;
	v55 =	vld.idx.msk [tilespmem:v62+s11+$0x0], $0xffff;
	[tilespmem:v38+s15+$0x0] =	vst.idx.msk $0xffff, v13;
	v38 =	vmov v48  }
0x119: {  	v54 =	vor.u32 v23, v43;
	v48 =	vor.u32 v36, v30;
	[tilespmem:v11+s15+$0x0] =	vst.idx.msk $0xffff, v53;
	v49 =	vld.idx.msk [tilespmem:v50+s11+$0x0], $0xffff  }
0x11a: {  	v53 =	vor.u32 v38, v29;
	v50 =	vor.u32 v23, v42;
	v59 =	vld.idx.msk [tilespmem:v59+s11+$0x0], $0xffff;
	[tilespmem:v60+s15+$0x0] =	vst.idx.msk $0xffff, v58  }
0x11b: {  	v58 =	vor.u32 v37, v32;
	[tilespmem:v61+s15+$0x0] =	vst.idx.msk $0xffff, v14;
	v61 =	vor.u32 v19, v34;
	v60 =	vld.idx.msk [tilespmem:v63+s11+$0x0], $0xffff  }
0x11c: {  	_ =	sdelay $0x2  }
0x11d: {  	v5 =	vor.u32 v33, v32  }
0x11e: {  	v10 =	vor.u32 v19, v35;
	v11 =	vld.idx.msk [tilespmem:v48+s11+$0x0], $0xffff  }
0x11f: {  	v12 =	vor.u32 v36, v32;
	_ =	sdelay $0x2  }
0x120: {  	v13 =	vor.u32 v20, v31;
	[tilespmem:v41+s15+$0x0] =	vst.idx.msk $0xffff, v60;
	v5 =	vld.idx.msk [tilespmem:v5+s11+$0x0], $0xffff  }
0x121: {  	v27 =	vor.u32 v20, v39;
	[tilespmem:v10+s15+$0x0] =	vst.idx.msk $0xffff, v11;
	v25 =	vld.idx.msk [tilespmem:v58+s11+$0x0], $0xffff  }
0x122: {  	[tilespmem:v61+s15+$0x0] =	vst.idx.msk $0xffff, v59;
	v61 =	vor.u32 v33, v29;
	v11 =	vor.u32 v20, v35;
	v10 =	vld.idx.msk [tilespmem:v12+s11+$0x0], $0xffff  }
0x123: {  	v15 =	vor.u32 v20, v34;
	v24 =	vor.u32 v36, v29;
	v29 =	vor.u32 v37, v29;
	v14 =	vld.idx.msk [tilespmem:v40+s11+$0x0], $0xffff;
	_ =	sdelay $0x1  }
0x124: {  	[tilespmem:v13+s15+$0x0] =	vst.idx.msk $0xffff, v5  }
0x125: {  	[tilespmem:v27+s15+$0x0] =	vst.idx.msk $0xffff, v25  }
0x126: {  	v63 =	vor.u32 v33, v28;
	[tilespmem:v11+s15+$0x0] =	vst.idx.msk $0xffff, v10;
	v5 =	vld.idx.msk [tilespmem:v61+s11+$0x0], $0xffff;
	v10 =	vor.u32 v21, v31  }
0x127: {  	[tilespmem:v15+s15+$0x0] =	vst.idx.msk $0xffff, v14;
	v27 =	vor.u32 v21, v39;
	v11 =	vor.u32 v21, v35;
	v25 =	vld.idx.msk [tilespmem:v29+s11+$0x0], $0xffff  }
0x128: {  	v29 =	vor.u32 v38, v28;
	v62 =	vld.idx.msk [tilespmem:v24+s11+$0x0], $0xffff;
	v24 =	vor.u32 v36, v28;
	v28 =	vor.u32 v37, v28  }
0x129: {  	v15 =	vor.u32 v21, v34;
	v14 =	vld.idx.msk [tilespmem:v53+s11+$0x0], $0xffff  }
0x12a: {  	[tilespmem:v57+s15+$0x0] =	vst.idx.msk $0xffff, v47  }
0x12b: {  	[tilespmem:v10+s15+$0x0] =	vst.idx.msk $0xffff, v5  }
0x12c: {  	v10 =	vor.u32 v22, v31;
	[tilespmem:v27+s15+$0x0] =	vst.idx.msk $0xffff, v25;
	v5 =	vld.idx.msk [tilespmem:v63+s11+$0x0], $0xffff  }
0x12d: {  	v32 =	vor.u32 v33, v26;
	v27 =	vor.u32 v22, v39;
	[tilespmem:v11+s15+$0x0] =	vst.idx.msk $0xffff, v62;
	v28 =	vld.idx.msk [tilespmem:v28+s11+$0x0], $0xffff  }
0x12e: {  	v33 =	vor.u32 v36, v26;
	[tilespmem:v15+s15+$0x0] =	vst.idx.msk $0xffff, v14;
	v11 =	vor.u32 v22, v35;
	v12 =	vld.idx.msk [tilespmem:v24+s11+$0x0], $0xffff  }
0x12f: {  	v15 =	vld.idx.msk [tilespmem:v29+s11+$0x0], $0xffff;
	v25 =	vor.u32 v38, v26;
	v26 =	vor.u32 v37, v26;
	v24 =	vor.u32 v22, v34  }
0x130: {  	[tilespmem:v46+s15+$0x0] =	vst.idx.msk $0xffff, v56  }
0x131: {  	[tilespmem:v10+s15+$0x0] =	vst.idx.msk $0xffff, v5  }
0x132: {  	v29 =	vld.idx.msk [tilespmem:v51+s11+$0x0], $0xffff;
	[tilespmem:v27+s15+$0x0] =	vst.idx.msk $0xffff, v28  }
0x133: {  	v10 =	vor.u32 v23, v31;
	v5 =	vld.idx.msk [tilespmem:v32+s11+$0x0], $0xffff;
	[tilespmem:v11+s15+$0x0] =	vst.idx.msk $0xffff, v12  }
0x134: {  	[tilespmem:v24+s15+$0x0] =	vst.idx.msk $0xffff, v15;
	v15 =	vor.u32 v23, v39;
	v24 =	vld.idx.msk [tilespmem:v26+s11+$0x0], $0xffff  }
0x135: {  	[tilespmem:v52+s15+$0x0] =	vst.idx.msk $0xffff, v55;
	v11 =	vor.u32 v23, v35;
	v12 =	vld.idx.msk [tilespmem:v33+s11+$0x0], $0xffff  }
0x136: {  	[tilespmem:v54+s15+$0x0] =	vst.idx.msk $0xffff, v49;
	v36 =	vor.u32 v23, v34;
	v35 =	vld.idx.msk [tilespmem:v25+s11+$0x0], $0xffff  }
0x137: {  	[tilespmem:v50+s15+$0x0] =	vst.idx.msk $0xffff, v29  }
0x138: {  	[tilespmem:v10+s15+$0x0] =	vst.idx.msk $0xffff, v5  }
0x139: {  	[tilespmem:v15+s15+$0x0] =	vst.idx.msk $0xffff, v24  }
0x13a: {  	[tilespmem:v11+s15+$0x0] =	vst.idx.msk $0xffff, v12  }
0x13b: {  	p0 =	seq.s32 s24, $0x63;
	[tilespmem:v36+s15+$0x0] =	vst.idx.msk $0xffff, v35  }
0x13c: {  	v5 =	vld @!p0 [tilespmem:s25+$0x6500];
	_ =	sdelay $0x4  }
0x13d: {  	v5 =	vshrl.u32 @!p0 v5, $0x1  }
0x13e: {  	[tilespmem:$0xC800] =	vst @!p0 v5  }
0x13f: {  	v5 =	vld @!p0 [tilespmem:s25+$0x6510];
	_ =	sdelay $0x4  }
0x140: {  	v5 =	vshrl.u32 @!p0 v5, $0x1  }
0x141: {  	[tilespmem:$0xC810] =	vst @!p0 v5  }
0x142: {  	v5 =	vld @!p0 [tilespmem:s25+$0x6520];
	_ =	sdelay $0x4  }
0x143: {  	v5 =	vshrl.u32 @!p0 v5, $0x1  }
0x144: {  	[tilespmem:$0xC820] =	vst @!p0 v5  }
0x145: {  	v5 =	vld @!p0 [tilespmem:s25+$0x6530];
	_ =	sdelay $0x4  }
0x146: {  	v5 =	vshrl.u32 @!p0 v5, $0x1  }
0x147: {  	[tilespmem:$0xC830] =	vst @!p0 v5  }
0x148: {  	v5 =	vld @!p0 [tilespmem:s25+$0x6540];
	_ =	sdelay $0x4  }
0x149: {  	v5 =	vshrl.u32 @!p0 v5, $0x1  }
0x14a: {  	[tilespmem:$0xC840] =	vst @!p0 v5  }
0x14b: {  	v5 =	vld @!p0 [tilespmem:s25+$0x6550];
	_ =	sdelay $0x4  }
0x14c: {  	v5 =	vshrl.u32 @!p0 v5, $0x1  }
0x14d: {  	[tilespmem:$0xC850] =	vst @!p0 v5  }
0x14e: {  	v5 =	vld @!p0 [tilespmem:s25+$0x6560];
	_ =	sdelay $0x4  }
0x14f: {  	v5 =	vshrl.u32 @!p0 v5, $0x1  }
0x150: {  	[tilespmem:$0xC860] =	vst @!p0 v5  }
0x151: {  	v5 =	vld @!p0 [tilespmem:s25+$0x6570];
	_ =	sdelay $0x4  }
0x152: {  	s30 =	sshll.u32 s24, $0x13;
	v5 =	vshrl.u32 @!p0 v5, $0x1  }
0x153: {  	s0 =	simm.s32 @!p0 $0x80;
	s1 =	simm.s32 @!p0 $0xC800;
	s5 =	simm.s32 @!p0 $0xC900;
	[tilespmem:$0xC870] =	vst @!p0 v5  }
0x154: {  	[tilespmem:s5], [sflag:$0x1] =	stream.indirect.gather @!p0 [hbm4b:s4+s0], $0x80, s1, s0, $0xb8;
	[tilespmem:$0x18900] =	vst v63  }
0x155: {  	s0 =	sor.u32 s6, s30  }
0x156: {  	s0 =	sshrl.u32 s0, $0x3  }
0x157: {  	s0 =	sadd.s32 s2, s0  }
0x158: {  	[hbm4b:s0+s16] =	stream.strided.scatter [tilespmem:s15], [sflag:$0x3], $0x2000, s17, s16, $0x38;
	[tilespmem:$0x18900] =	vst v63  }
0x159: {  	_ =	swait.ge [sflag:s18], $0x4000  }
0x15a: {  	[sflag:s18] =	ssyncset.done $0x0  }
0x15b: {  	s0 =	simm.s32 @!p1 $0x4;
	[sflag:s18] =	ssyncadd.s32 $0xFFFFC000  }
0x15c: {  	_ =	swait.ge @!p1 [sflag:s0], $0x2000  }
0x15d: {  	s31 =	sshll.u32 s26, $0x7;
	[sflag:s0] =	ssyncset.done @!p1 $0x0  }
0x15e: {  	s5 =	sand.u32 $0x3FFFFF80, s31;
	[sflag:s0] =	ssyncadd.s32 @!p1 $0xFFFFE000  }
0x15f: {  	v5 =	vld [tilespmem:s5+$0x6400];
	_ =	sdelay $0x4  }
0x160: {  	s7 =	simm.s32 $0x0;
	v5 =	vshll.u32 v5, $0x6  }
0x161: {  	v11 =	vadd.s32 s7, v0;
	v10 =	vld [tilespmem:s5+$0x6410];
	v5 =	vand.u32 $0x40, v5  }
0x162: {  	v47 =	vand.u32 $0x3F, v11;
	v24 =	vor.u32 v16, v5  }
0x163: {  	v1 =	vld [tilespmem:$0x1FF50];
	v37 =	vor.u32 v47, v24;
	_ =	sdelay $0x2  }
0x164: {  	v10 =	vshll.u32 v10, $0x6  }
0x165: {  	v43 =	vshll.u32 v47, $0x7;
	v11 =	vld [tilespmem:s5+$0x6420];
	v10 =	vand.u32 $0x40, v10  }
0x166: {  	s9 =	simm.s32 $0x2;
	v52 =	vor.u32 v0, v43;
	v25 =	vor.u32 v1, v10;
	v10 =	vld.idx.msk [tilespmem:v37+s13+$0x0], $0xffff  }
0x167: {  	s10 =	simm.s32 $0x1;
	v15 =	vld [tilespmem:s5+$0x6440];
	v5 =	vadd.s32 s9, v0  }
0x168: {  	s12 =	simm.s32 $0x3;
	v38 =	vadd.s32 s10, v0;
	v26 =	vld [tilespmem:s5+$0x6450];
	v46 =	vand.u32 $0x3F, v5  }
0x169: {  	v51 =	vadd.s32 s12, v0;
	v49 =	vand.u32 $0x3F, v38;
	v13 =	vld [tilespmem:s5+$0x6460];
	v39 =	vor.u32 v46, v24  }
0x16a: {  	v44 =	vand.u32 $0x3F, v51;
	v31 =	vld [tilespmem:s5+$0x6470];
	v27 =	vor.u32 v49, v24  }
0x16b: {  	v5 =	vld [tilespmem:s5+$0x6430];
	v28 =	vor.u32 v44, v24;
	[tilespmem:v52+s19+$0x0] =	vst.idx.msk $0xffff, v10  }
0x16c: {  	v29 =	vor.u32 v47, v25;
	v1 =	vld [tilespmem:$0x1FF60]  }
0x16d: {  	v42 =	vshll.u32 v46, $0x7  }
0x16e: {  	v48 =	vshll.u32 v49, $0x7;
	v45 =	vshll.u32 v44, $0x7;
	v30 =	vor.u32 v0, v42;
	v14 =	vld.idx.msk [tilespmem:v39+s13+$0x0], $0xffff  }
0x16f: {  	v55 =	vor.u32 v0, v48;
	v11 =	vshll.u32 v11, $0x6;
	v53 =	vor.u32 v46, v25;
	v54 =	vld.idx.msk [tilespmem:v27+s13+$0x0], $0xffff  }
0x170: {  	v57 =	vor.u32 v0, v45;
	v11 =	vand.u32 $0x40, v11;
	v56 =	vor.u32 v49, v25;
	v28 =	vld.idx.msk [tilespmem:v28+s13+$0x0], $0xffff  }
0x171: {  	v58 =	vor.u32 v17, v43;
	v10 =	vor.u32 v44, v25;
	v27 =	vor.u32 v1, v11;
	v11 =	vld.idx.msk [tilespmem:v29+s13+$0x0], $0xffff;
	_ =	sdelay $0x1  }
0x172: {  	[tilespmem:v30+s19+$0x0] =	vst.idx.msk $0xffff, v14  }
0x173: {  	v60 =	vor.u32 v17, v42;
	[tilespmem:v55+s19+$0x0] =	vst.idx.msk $0xffff, v54;
	v29 =	vld.idx.msk [tilespmem:v53+s13+$0x0], $0xffff  }
0x174: {  	v62 =	vor.u32 v17, v48;
	[tilespmem:v57+s19+$0x0] =	vst.idx.msk $0xffff, v28;
	v34 =	vld.idx.msk [tilespmem:v56+s13+$0x0], $0xffff  }
0x175: {  	v63 =	vor.u32 v17, v45;
	v10 =	vld.idx.msk [tilespmem:v10+s13+$0x0], $0xffff;
	[tilespmem:v58+s19+$0x0] =	vst.idx.msk $0xffff, v11  }
0x176: {  	v1 =	vld [tilespmem:$0x1FF70];
	_ =	sdelay $0x1  }
0x177: {  	[tilespmem:v60+s19+$0x0] =	vst.idx.msk $0xffff, v29  }
0x178: {  	v5 =	vshll.u32 v5, $0x6;
	[tilespmem:v62+s19+$0x0] =	vst.idx.msk $0xffff, v34  }
0x179: {  	v5 =	vand.u32 $0x40, v5;
	[tilespmem:v63+s19+$0x0] =	vst.idx.msk $0xffff, v10  }
0x17a: {  	v30 =	vor.u32 v1, v5;
	v1 =	vld [tilespmem:$0x1FF80];
	_ =	sdelay $0x2  }
0x17b: {  	v15 =	vshll.u32 v15, $0x6;
	v59 =	vor.u32 v47, v27  }
0x17c: {  	v15 =	vand.u32 $0x40, v15;
	v61 =	vor.u32 v46, v27  }
0x17d: {  	v32 =	vor.u32 v1, v15;
	v1 =	vld [tilespmem:$0x1FF90]  }
0x17e: {  	v28 =	vor.u32 v49, v27  }
0x17f: {  	v11 =	vor.u32 v44, v27  }
0x180: {  	v40 =	vor.u32 v18, v43;
	v41 =	vshll.u32 v26, $0x6;
	v5 =	vld.idx.msk [tilespmem:v59+s13+$0x0], $0xffff  }
0x181: {  	v14 =	vand.u32 $0x40, v41;
	v33 =	vld.idx.msk [tilespmem:v61+s13+$0x0], $0xffff  }
0x182: {  	v51 =	vor.u32 v18, v42;
	v29 =	vor.u32 v1, v14;
	v1 =	vld [tilespmem:$0x1FFA0]  }
0x183: {  	v26 =	vshll.u32 v31, $0x6;
	v53 =	vor.u32 v18, v48;
	v31 =	vld.idx.msk [tilespmem:v28+s13+$0x0], $0xffff;
	v50 =	vor.u32 v47, v30  }
0x184: {  	v10 =	vld.idx.msk [tilespmem:v11+s13+$0x0], $0xffff;
	v11 =	vor.u32 v18, v45;
	v52 =	vor.u32 v46, v30  }
0x185: {  	v13 =	vshll.u32 v13, $0x6;
	[tilespmem:v40+s19+$0x0] =	vst.idx.msk $0xffff, v5;
	v5 =	vor.u32 v44, v30  }
0x186: {  	s30 =	simm.s32 $0x6;
	v13 =	vand.u32 $0x40, v13;
	v56 =	vor.u32 v19, v42  }
0x187: {  	s28 =	simm.s32 $0x4;
	v59 =	vadd.s32 s30, v0;
	v55 =	vor.u32 v49, v30;
	v28 =	vor.u32 v1, v13;
	v1 =	vld [tilespmem:$0x1FFB0];
	[tilespmem:v51+s19+$0x0] =	vst.idx.msk $0xffff, v33  }
0x188: {  	v57 =	vadd.s32 s28, v0;
	v38 =	vand.u32 $0x3F, v59;
	v12 =	vld.idx.msk [tilespmem:v50+s13+$0x0], $0xffff;
	[tilespmem:v53+s19+$0x0] =	vst.idx.msk $0xffff, v31;
	v31 =	vor.u32 v19, v43  }
0x189: {  	s29 =	simm.s32 $0x5;
	v63 =	vor.u32 v38, v24;
	[tilespmem:v11+s19+$0x0] =	vst.idx.msk $0xffff, v10;
	v33 =	vand.u32 $0x3F, v57;
	v34 =	vld.idx.msk [tilespmem:v52+s13+$0x0], $0xffff  }
0x18a: {  	v15 =	vor.u32 v19, v45;
	v11 =	vadd.s32 s29, v0;
	v5 =	vld.idx.msk [tilespmem:v5+s13+$0x0], $0xffff;
	v58 =	vor.u32 v33, v24  }
0x18b: {  	v14 =	vor.u32 v46, v32;
	v36 =	vand.u32 $0x3F, v11  }
0x18c: {  	s31 =	simm.s32 $0x7;
	v54 =	vand.u32 $0x40, v26;
	v11 =	vor.u32 v19, v48;
	v13 =	vld.idx.msk [tilespmem:v55+s13+$0x0], $0xffff;
	v60 =	vor.u32 v36, v24  }
0x18d: {  	v62 =	vadd.s32 s31, v0;
	v61 =	vor.u32 v49, v32;
	v10 =	vor.u32 v47, v32;
	[tilespmem:v31+s19+$0x0] =	vst.idx.msk $0xffff, v12  }
0x18e: {  	v37 =	vand.u32 $0x3F, v62;
	v26 =	vor.u32 v1, v54;
	v31 =	vshll.u32 v33, $0x7;
	v12 =	vld.idx.msk [tilespmem:v63+s13+$0x0], $0xffff;
	[tilespmem:v56+s19+$0x0] =	vst.idx.msk $0xffff, v34  }
0x18f: {  	v54 =	vor.u32 v37, v24;
	[tilespmem:v15+s19+$0x0] =	vst.idx.msk $0xffff, v5;
	v5 =	vld.idx.msk [tilespmem:v58+s13+$0x0], $0xffff;
	v55 =	vor.u32 v0, v31  }
0x190: {  	v51 =	vor.u32 v44, v32;
	v53 =	vor.u32 v20, v42;
	v35 =	vshll.u32 v36, $0x7;
	v14 =	vld.idx.msk [tilespmem:v14+s13+$0x0], $0xffff  }
0x191: {  	[tilespmem:v11+s19+$0x0] =	vst.idx.msk $0xffff, v13;
	v11 =	vor.u32 v33, v25;
	v13 =	vor.u32 v0, v35;
	v56 =	vld.idx.msk [tilespmem:v60+s13+$0x0], $0xffff  }
0x192: {  	v50 =	vor.u32 v46, v29;
	v10 =	vld.idx.msk [tilespmem:v10+s13+$0x0], $0xffff;
	v15 =	vor.u32 v20, v43  }
0x193: {  	v39 =	vshll.u32 v37, $0x7;
	v34 =	vshll.u32 v38, $0x7;
	v58 =	vor.u32 v20, v48;
	v52 =	vld.idx.msk [tilespmem:v61+s13+$0x0], $0xffff  }
0x194: {  	v57 =	vor.u32 v36, v25;
	v59 =	vor.u32 v0, v34;
	[tilespmem:v55+s19+$0x0] =	vst.idx.msk $0xffff, v5;
	v5 =	vld.idx.msk [tilespmem:v54+s13+$0x0], $0xffff  }
0x195: {  	v60 =	vor.u32 v47, v29;
	v54 =	vor.u32 v0, v39;
	[tilespmem:v53+s19+$0x0] =	vst.idx.msk $0xffff, v14;
	v14 =	vld.idx.msk [tilespmem:v51+s13+$0x0], $0xffff  }
0x196: {  	v55 =	vor.u32 v17, v31;
	v11 =	vld.idx.msk [tilespmem:v11+s13+$0x0], $0xffff;
	[tilespmem:v13+s19+$0x0] =	vst.idx.msk $0xffff, v56;
	v13 =	vor.u32 v38, v25  }
0x197: {  	[tilespmem:v15+s19+$0x0] =	vst.idx.msk $0xffff, v10;
	v10 =	vor.u32 v49, v29;
	v15 =	vld.idx.msk [tilespmem:v50+s13+$0x0], $0xffff;
	v50 =	vor.u32 v20, v45  }
0x198: {  	v51 =	vor.u32 v21, v42;
	v53 =	vor.u32 v44, v29;
	[tilespmem:v58+s19+$0x0] =	vst.idx.msk $0xffff, v52  }
0x199: {  	v58 =	vor.u32 v17, v35;
	[tilespmem:v59+s19+$0x0] =	vst.idx.msk $0xffff, v12;
	v56 =	vld.idx.msk [tilespmem:v57+s13+$0x0], $0xffff;
	v57 =	vor.u32 v37, v25  }
0x19a: {  	v12 =	vld.idx.msk [tilespmem:v60+s13+$0x0], $0xffff;
	v59 =	vor.u32 v36, v27;
	v60 =	vor.u32 v21, v43;
	[tilespmem:v54+s19+$0x0] =	vst.idx.msk $0xffff, v5  }
0x19b: {  	v52 =	vor.u32 v33, v27;
	v13 =	vld.idx.msk [tilespmem:v13+s13+$0x0], $0xffff;
	[tilespmem:v55+s19+$0x0] =	vst.idx.msk $0xffff, v11;
	v11 =	vor.u32 v17, v34  }
0x19c: {  	v10 =	vld.idx.msk [tilespmem:v10+s13+$0x0], $0xffff;
	v54 =	vor.u32 v46, v28;
	[tilespmem:v50+s19+$0x0] =	vst.idx.msk $0xffff, v14;
	v14 =	vor.u32 v21, v48  }
0x19d: {  	v50 =	vor.u32 v47, v28;
	[tilespmem:v51+s19+$0x0] =	vst.idx.msk $0xffff, v15;
	v51 =	vor.u32 v21, v45;
	v15 =	vld.idx.msk [tilespmem:v53+s13+$0x0], $0xffff  }
0x19e: {  	v55 =	vor.u32 v38, v27;
	[tilespmem:v58+s19+$0x0] =	vst.idx.msk $0xffff, v56;
	v56 =	vor.u32 v17, v39;
	v53 =	vld.idx.msk [tilespmem:v57+s13+$0x0], $0xffff  }
0x19f: {  	v5 =	vor.u32 v49, v28;
	[tilespmem:v60+s19+$0x0] =	vst.idx.msk $0xffff, v12;
	v60 =	vor.u32 v18, v35;
	v58 =	vld.idx.msk [tilespmem:v59+s13+$0x0], $0xffff  }
0x1a0: {  	v52 =	vld.idx.msk [tilespmem:v52+s13+$0x0], $0xffff;
	v57 =	vor.u32 v18, v31;
	v59 =	vor.u32 v37, v27;
	[tilespmem:v11+s19+$0x0] =	vst.idx.msk $0xffff, v13  }
0x1a1: {  	v41 =	vor.u32 v19, v39;
	v12 =	vor.u32 v33, v30;
	v13 =	vld.idx.msk [tilespmem:v54+s13+$0x0], $0xffff;
	[tilespmem:v14+s19+$0x0] =	vst.idx.msk $0xffff, v10  }
0x1a2: {  	v50 =	vld.idx.msk [tilespmem:v50+s13+$0x0], $0xffff;
	v10 =	vor.u32 v44, v28;
	v14 =	vor.u32 v22, v43;
	[tilespmem:v51+s19+$0x0] =	vst.idx.msk $0xffff, v15  }
0x1a3: {  	v62 =	vor.u32 v18, v34;
	v11 =	vor.u32 v47, v26;
	v54 =	vld.idx.msk [tilespmem:v55+s13+$0x0], $0xffff;
	[tilespmem:v56+s19+$0x0] =	vst.idx.msk $0xffff, v53  }
0x1a4: {  	v5 =	vld.idx.msk [tilespmem:v5+s13+$0x0], $0xffff;
	v15 =	vor.u32 v22, v48;
	[tilespmem:v60+s19+$0x0] =	vst.idx.msk $0xffff, v58;
	v58 =	vor.u32 v38, v30  }
0x1a5: {  	v49 =	vor.u32 v49, v26;
	v53 =	vor.u32 v22, v42;
	[tilespmem:v57+s19+$0x0] =	vst.idx.msk $0xffff, v52;
	v63 =	vld.idx.msk [tilespmem:v59+s13+$0x0], $0xffff  }
0x1a6: {  	v40 =	vor.u32 v38, v32;
	v61 =	vor.u32 v46, v26;
	v60 =	vor.u32 v18, v39;
	v12 =	vld.idx.msk [tilespmem:v12+s13+$0x0], $0xffff  }
0x1a7: {  	v1 =	vor.u32 v37, v30;
	v16 =	vor.u32 v19, v31;
	[tilespmem:v14+s19+$0x0] =	vst.idx.msk $0xffff, v50;
	v47 =	vld.idx.msk [tilespmem:v10+s13+$0x0], $0xffff  }
0x1a8: {  	v46 =	vor.u32 v23, v43;
	v57 =	vor.u32 v22, v45;
	[tilespmem:v62+s19+$0x0] =	vst.idx.msk $0xffff, v54;
	v56 =	vld.idx.msk [tilespmem:v11+s13+$0x0], $0xffff  }
0x1a9: {  	v51 =	vor.u32 v44, v26;
	v52 =	vor.u32 v23, v48;
	[tilespmem:v15+s19+$0x0] =	vst.idx.msk $0xffff, v5;
	v59 =	vld.idx.msk [tilespmem:v58+s13+$0x0], $0xffff  }
0x1aa: {  	v48 =	vor.u32 v36, v30;
	v54 =	vor.u32 v23, v42;
	[tilespmem:v53+s19+$0x0] =	vst.idx.msk $0xffff, v13;
	v55 =	vld.idx.msk [tilespmem:v49+s13+$0x0], $0xffff  }
0x1ab: {  	v50 =	vor.u32 v23, v45;
	v53 =	vor.u32 v38, v29;
	v49 =	vld.idx.msk [tilespmem:v61+s13+$0x0], $0xffff;
	[tilespmem:v60+s19+$0x0] =	vst.idx.msk $0xffff, v63  }
0x1ac: {  	s0 =	simm.s32 $0x8;
	v58 =	vor.u32 v37, v32;
	[tilespmem:v16+s19+$0x0] =	vst.idx.msk $0xffff, v12;
	v61 =	vor.u32 v19, v34;
	v60 =	vld.idx.msk [tilespmem:v1+s13+$0x0], $0xffff  }
.LBB2_7:
0x1ad: {  	s1 =	sadd.s32 $0x1, s0;
	v5 =	vor.u32 v33, v32;
	v10 =	vor.u32 v36, v32  }
0x1ae: {  	v1 =	vadd.s32 s0, v0;
	p1 =	slt.u32 s0, $0x3C;
	[tilespmem:v57+s19+$0x0] =	vst.idx.msk $0xffff, v47;
	v47 =	vmovc v37;
	v44 =	vmovc v35;
	v43 =	vmov v34;
	v42 =	vmov v39;
	s5 =	smov.u32 s0;
	s0 =	sadd.s32 $0x4, s0  }
0x1af: {  	v45 =	vand.u32 $0x3F, v1;
	v1 =	vadd.s32 s1, v0;
	s1 =	sadd.s32 $0x2, s5;
	v11 =	vor.u32 v19, v44;
	[tilespmem:v46+s19+$0x0] =	vst.idx.msk $0xffff, v56;
	v12 =	vld.idx.msk [tilespmem:v51+s13+$0x0], $0xffff  }
0x1b0: {  	v13 =	vor.u32 v45, v24;
	v46 =	vand.u32 $0x3F, v1;
	v1 =	vadd.s32 s1, v0;
	s1 =	sadd.s32 $0x3, s5;
	v14 =	vld.idx.msk [tilespmem:v48+s13+$0x0], $0xffff;
	[tilespmem:v52+s19+$0x0] =	vst.idx.msk $0xffff, v55  }
0x1b1: {  	v15 =	vor.u32 v46, v24;
	v48 =	vand.u32 $0x3F, v1;
	v1 =	vadd.s32 s1, v0;
	[tilespmem:v54+s19+$0x0] =	vst.idx.msk $0xffff, v49  }
0x1b2: {  	v49 =	vshll.u32 v45, $0x7;
	v16 =	vor.u32 v48, v24;
	v37 =	vand.u32 $0x3F, v1;
	[tilespmem:v61+s19+$0x0] =	vst.idx.msk $0xffff, v59  }
0x1b3: {  	v35 =	vshll.u32 v46, $0x7;
	v34 =	vshll.u32 v48, $0x7;
	v1 =	vor.u32 v37, v24;
	v51 =	vld.idx.msk [tilespmem:v40+s13+$0x0], $0xffff;
	[tilespmem:v41+s19+$0x0] =	vst.idx.msk $0xffff, v60  }
0x1b4: {  	v52 =	vor.u32 v20, v43;
	v40 =	vor.u32 v48, v32;
	v39 =	vshll.u32 v37, $0x7;
	v5 =	vld.idx.msk [tilespmem:v5+s13+$0x0], $0xffff  }
0x1b5: {  	v54 =	vor.u32 v20, v31;
	v41 =	vor.u32 v19, v39;
	v13 =	vld.idx.msk [tilespmem:v13+s13+$0x0], $0xffff;
	[tilespmem:v50+s19+$0x0] =	vst.idx.msk $0xffff, v12  }
0x1b6: {  	v12 =	vor.u32 v0, v49;
	v15 =	vld.idx.msk [tilespmem:v15+s13+$0x0], $0xffff;
	[tilespmem:v11+s19+$0x0] =	vst.idx.msk $0xffff, v14  }
0x1b7: {  	v50 =	vor.u32 v47, v28;
	v11 =	vor.u32 v45, v25;
	v14 =	vor.u32 v0, v35;
	v10 =	vld.idx.msk [tilespmem:v10+s13+$0x0], $0xffff  }
0x1b8: {  	v56 =	vor.u32 v20, v44;
	v57 =	vor.u32 v21, v44;
	v55 =	vor.u32 v46, v25;
	v16 =	vld.idx.msk [tilespmem:v16+s13+$0x0], $0xffff  }
0x1b9: {  	v59 =	vor.u32 v0, v34;
	v60 =	vor.u32 v33, v29;
	[tilespmem:v52+s19+$0x0] =	vst.idx.msk $0xffff, v51;
	v51 =	vld.idx.msk [tilespmem:v58+s13+$0x0], $0xffff  }
0x1ba: {  	[tilespmem:v54+s19+$0x0] =	vst.idx.msk $0xffff, v5;
	v5 =	vor.u32 v36, v29;
	v52 =	vld.idx.msk [tilespmem:v53+s13+$0x0], $0xffff;
	v53 =	vor.u32 v20, v42  }
0x1bb: {  	[tilespmem:v12+s19+$0x0] =	vst.idx.msk $0xffff, v13;
	v1 =	vld.idx.msk [tilespmem:v1+s13+$0x0], $0xffff;
	v12 =	vor.u32 v21, v43;
	v13 =	vor.u32 v47, v29  }
0x1bc: {  	v11 =	vld.idx.msk [tilespmem:v11+s13+$0x0], $0xffff;
	[tilespmem:v14+s19+$0x0] =	vst.idx.msk $0xffff, v15;
	v14 =	vor.u32 v48, v25;
	v15 =	vor.u32 v0, v39  }
0x1bd: {  	v58 =	vor.u32 v37, v25;
	v54 =	vor.u32 v17, v49;
	v55 =	vld.idx.msk [tilespmem:v55+s13+$0x0], $0xffff;
	[tilespmem:v56+s19+$0x0] =	vst.idx.msk $0xffff, v10  }
0x1be: {  	v10 =	vor.u32 v45, v27;
	v56 =	vor.u32 v17, v35;
	[tilespmem:v59+s19+$0x0] =	vst.idx.msk $0xffff, v16;
	v16 =	vld.idx.msk [tilespmem:v60+s13+$0x0], $0xffff  }
0x1bf: {  	v59 =	vor.u32 v46, v27;
	v60 =	vor.u32 v21, v31;
	v5 =	vld.idx.msk [tilespmem:v5+s13+$0x0], $0xffff;
	[tilespmem:v53+s19+$0x0] =	vst.idx.msk $0xffff, v51  }
0x1c0: {  	v51 =	vor.u32 v33, v28;
	v53 =	vor.u32 v22, v44;
	[tilespmem:v12+s19+$0x0] =	vst.idx.msk $0xffff, v52;
	v12 =	vld.idx.msk [tilespmem:v13+s13+$0x0], $0xffff  }
0x1c1: {  	v13 =	vld.idx.msk [tilespmem:v14+s13+$0x0], $0xffff;
	[tilespmem:v15+s19+$0x0] =	vst.idx.msk $0xffff, v1;
	v1 =	vor.u32 v36, v28;
	v14 =	vor.u32 v21, v42  }
0x1c2: {  	v52 =	vor.u32 v38, v28;
	[tilespmem:v54+s19+$0x0] =	vst.idx.msk $0xffff, v11;
	v11 =	vor.u32 v17, v34;
	v15 =	vld.idx.msk [tilespmem:v58+s13+$0x0], $0xffff  }
0x1c3: {  	v54 =	vor.u32 v48, v27;
	v10 =	vld.idx.msk [tilespmem:v10+s13+$0x0], $0xffff;
	[tilespmem:v56+s19+$0x0] =	vst.idx.msk $0xffff, v55;
	v55 =	vor.u32 v17, v39  }
0x1c4: {  	v56 =	vor.u32 v18, v49;
	v58 =	vld.idx.msk [tilespmem:v59+s13+$0x0], $0xffff;
	v59 =	vor.u32 v37, v27;
	[tilespmem:v60+s19+$0x0] =	vst.idx.msk $0xffff, v16  }
0x1c5: {  	v16 =	vor.u32 v45, v30;
	v60 =	vor.u32 v18, v35;
	v61 =	vld.idx.msk [tilespmem:v51+s13+$0x0], $0xffff;
	[tilespmem:v57+s19+$0x0] =	vst.idx.msk $0xffff, v5  }
0x1c6: {  	v62 =	vor.u32 v36, v26;
	v5 =	vor.u32 v22, v31;
	v1 =	vld.idx.msk [tilespmem:v1+s13+$0x0], $0xffff;
	[tilespmem:v14+s19+$0x0] =	vst.idx.msk $0xffff, v12  }
0x1c7: {  	[tilespmem:v11+s19+$0x0] =	vst.idx.msk $0xffff, v13;
	v11 =	vor.u32 v33, v26;
	v12 =	vld.idx.msk [tilespmem:v52+s13+$0x0], $0xffff;
	v13 =	vor.u32 v38, v26  }
0x1c8: {  	v57 =	vor.u32 v22, v42;
	v14 =	vld.idx.msk [tilespmem:v54+s13+$0x0], $0xffff;
	[tilespmem:v55+s19+$0x0] =	vst.idx.msk $0xffff, v15;
	v15 =	vor.u32 v22, v43  }
0x1c9: {  	v51 =	vor.u32 v47, v26;
	[tilespmem:v56+s19+$0x0] =	vst.idx.msk $0xffff, v10;
	v10 =	vor.u32 v18, v34;
	v63 =	vld.idx.msk [tilespmem:v59+s13+$0x0], $0xffff  }
0x1ca: {  	v16 =	vld.idx.msk [tilespmem:v16+s13+$0x0], $0xffff;
	[tilespmem:v60+s19+$0x0] =	vst.idx.msk $0xffff, v58;
	v58 =	vor.u32 v48, v30;
	v60 =	vor.u32 v18, v39  }
0x1cb: {  	v2 =	vor.u32 v19, v49;
	v3 =	vor.u32 v37, v30;
	[tilespmem:v5+s19+$0x0] =	vst.idx.msk $0xffff, v61;
	v47 =	vld.idx.msk [tilespmem:v50+s13+$0x0], $0xffff  }
.Ltmp2:
0x1cc: {  	v36 =	vmov v46;
	v52 =	vor.u32 v23, v44;
	v33 =	vmov v45;
	v56 =	vld.idx.msk [tilespmem:v11+s13+$0x0], $0xffff;
	[tilespmem:v53+s19+$0x0] =	vst.idx.msk $0xffff, v1;
	(pc) =	sbr.rel @p1 .LBB2_7-.Ltmp2, $4  }
0x1cd: {  	v46 =	vor.u32 v23, v31;
	v31 =	vmov v49;
	v38 =	vmov v48;
	v55 =	vld.idx.msk [tilespmem:v62+s13+$0x0], $0xffff;
	[tilespmem:v15+s19+$0x0] =	vst.idx.msk $0xffff, v12  }
0x1ce: {  	v54 =	vor.u32 v23, v43;
	v48 =	vor.u32 v36, v30;
	[tilespmem:v10+s19+$0x0] =	vst.idx.msk $0xffff, v14;
	v49 =	vld.idx.msk [tilespmem:v13+s13+$0x0], $0xffff  }
0x1cf: {  	v50 =	vor.u32 v23, v42;
	v53 =	vor.u32 v38, v29;
	v59 =	vld.idx.msk [tilespmem:v58+s13+$0x0], $0xffff;
	[tilespmem:v60+s19+$0x0] =	vst.idx.msk $0xffff, v63  }
0x1d0: {  	v61 =	vor.u32 v19, v34;
	v58 =	vor.u32 v37, v32;
	[tilespmem:v2+s19+$0x0] =	vst.idx.msk $0xffff, v16;
	v60 =	vld.idx.msk [tilespmem:v3+s13+$0x0], $0xffff  }
0x1d1: {  	_ =	sdelay $0x3  }
0x1d2: {  	v1 =	vor.u32 v33, v32;
	v2 =	vor.u32 v19, v35;
	v3 =	vld.idx.msk [tilespmem:v48+s13+$0x0], $0xffff;
	_ =	sdelay $0x2  }
0x1d3: {  	v5 =	vor.u32 v36, v32;
	[tilespmem:v61+s19+$0x0] =	vst.idx.msk $0xffff, v59  }
0x1d4: {  	v12 =	vor.u32 v20, v34;
	v11 =	vld.idx.msk [tilespmem:v40+s13+$0x0], $0xffff;
	[tilespmem:v41+s19+$0x0] =	vst.idx.msk $0xffff, v60  }
0x1d5: {  	v1 =	vld.idx.msk [tilespmem:v1+s13+$0x0], $0xffff;
	[tilespmem:v2+s19+$0x0] =	vst.idx.msk $0xffff, v3;
	v2 =	vor.u32 v20, v31  }
0x1d6: {  	v10 =	vor.u32 v33, v29;
	v15 =	vor.u32 v20, v39;
	v14 =	vld.idx.msk [tilespmem:v58+s13+$0x0], $0xffff  }
0x1d7: {  	v16 =	vor.u32 v37, v29  }
0x1d8: {  	v3 =	vld.idx.msk [tilespmem:v5+s13+$0x0], $0xffff;
	v5 =	vor.u32 v20, v35  }
0x1d9: {  	v13 =	vor.u32 v36, v29;
	[tilespmem:v12+s19+$0x0] =	vst.idx.msk $0xffff, v11  }
0x1da: {  	[tilespmem:v2+s19+$0x0] =	vst.idx.msk $0xffff, v1;
	v11 =	vld.idx.msk [tilespmem:v53+s13+$0x0], $0xffff  }
0x1db: {  	v53 =	vor.u32 v21, v34;
	[tilespmem:v15+s19+$0x0] =	vst.idx.msk $0xffff, v14;
	v1 =	vld.idx.msk [tilespmem:v10+s13+$0x0], $0xffff  }
0x1dc: {  	v2 =	vor.u32 v21, v31;
	v14 =	vld.idx.msk [tilespmem:v16+s13+$0x0], $0xffff;
	v16 =	vor.u32 v38, v28  }
0x1dd: {  	v15 =	vor.u32 v21, v39;
	[tilespmem:v5+s19+$0x0] =	vst.idx.msk $0xffff, v3;
	v10 =	vor.u32 v33, v28  }
0x1de: {  	v24 =	vor.u32 v37, v28;
	v3 =	vor.u32 v21, v35;
	v5 =	vld.idx.msk [tilespmem:v13+s13+$0x0], $0xffff  }
0x1df: {  	v58 =	vor.u32 v36, v28  }
0x1e0: {  	[tilespmem:v53+s19+$0x0] =	vst.idx.msk $0xffff, v11  }
0x1e1: {  	[tilespmem:v2+s19+$0x0] =	vst.idx.msk $0xffff, v1;
	v12 =	vld.idx.msk [tilespmem:v16+s13+$0x0], $0xffff  }
0x1e2: {  	v2 =	vor.u32 v22, v31;
	[tilespmem:v15+s19+$0x0] =	vst.idx.msk $0xffff, v14;
	v1 =	vld.idx.msk [tilespmem:v10+s13+$0x0], $0xffff  }
0x1e3: {  	v15 =	vor.u32 v22, v39;
	[tilespmem:v3+s19+$0x0] =	vst.idx.msk $0xffff, v5;
	v10 =	vor.u32 v33, v26;
	v16 =	vld.idx.msk [tilespmem:v24+s13+$0x0], $0xffff  }
0x1e4: {  	[tilespmem:v57+s19+$0x0] =	vst.idx.msk $0xffff, v47;
	v61 =	vor.u32 v37, v26;
	v3 =	vor.u32 v22, v35;
	v5 =	vld.idx.msk [tilespmem:v58+s13+$0x0], $0xffff  }
0x1e5: {  	[tilespmem:v46+s19+$0x0] =	vst.idx.msk $0xffff, v56;
	v59 =	vor.u32 v22, v34;
	v11 =	vor.u32 v36, v26  }
0x1e6: {  	[tilespmem:v52+s19+$0x0] =	vst.idx.msk $0xffff, v55;
	v60 =	vor.u32 v38, v26  }
0x1e7: {  	v25 =	vld.idx.msk [tilespmem:v51+s13+$0x0], $0xffff;
	[tilespmem:v2+s19+$0x0] =	vst.idx.msk $0xffff, v1  }
0x1e8: {  	v2 =	vor.u32 v23, v31;
	[tilespmem:v15+s19+$0x0] =	vst.idx.msk $0xffff, v16;
	v1 =	vld.idx.msk [tilespmem:v10+s13+$0x0], $0xffff  }
0x1e9: {  	v62 =	vor.u32 v23, v39;
	[tilespmem:v3+s19+$0x0] =	vst.idx.msk $0xffff, v5;
	v63 =	vld.idx.msk [tilespmem:v61+s13+$0x0], $0xffff  }
0x1ea: {  	[tilespmem:v59+s19+$0x0] =	vst.idx.msk $0xffff, v12;
	v3 =	vor.u32 v23, v35;
	v5 =	vld.idx.msk [tilespmem:v11+s13+$0x0], $0xffff  }
0x1eb: {  	[tilespmem:v54+s19+$0x0] =	vst.idx.msk $0xffff, v49;
	v10 =	vld.idx.msk [tilespmem:v60+s13+$0x0], $0xffff;
	v11 =	vor.u32 v23, v34  }
0x1ec: {  	[tilespmem:v50+s19+$0x0] =	vst.idx.msk $0xffff, v25  }
0x1ed: {  	[tilespmem:v2+s19+$0x0] =	vst.idx.msk $0xffff, v1  }
0x1ee: {  	[tilespmem:v62+s19+$0x0] =	vst.idx.msk $0xffff, v63  }
0x1ef: {  	[tilespmem:v3+s19+$0x0] =	vst.idx.msk $0xffff, v5  }
0x1f0: {  	[tilespmem:v11+s19+$0x0] =	vst.idx.msk $0xffff, v10  }
0x1f1: {  	v1 =	vld @!p0 [tilespmem:s25+$0x6580];
	_ =	sdelay $0x4  }
0x1f2: {  	v1 =	vshrl.u32 @!p0 v1, $0x1  }
0x1f3: {  	[tilespmem:$0xC880] =	vst @!p0 v1  }
0x1f4: {  	v1 =	vld @!p0 [tilespmem:s25+$0x6590];
	_ =	sdelay $0x4  }
0x1f5: {  	v1 =	vshrl.u32 @!p0 v1, $0x1  }
0x1f6: {  	[tilespmem:$0xC890] =	vst @!p0 v1  }
0x1f7: {  	v1 =	vld @!p0 [tilespmem:s25+$0x65A0];
	_ =	sdelay $0x4  }
0x1f8: {  	v1 =	vshrl.u32 @!p0 v1, $0x1  }
0x1f9: {  	[tilespmem:$0xC8A0] =	vst @!p0 v1  }
0x1fa: {  	v1 =	vld @!p0 [tilespmem:s25+$0x65B0];
	_ =	sdelay $0x4  }
0x1fb: {  	v1 =	vshrl.u32 @!p0 v1, $0x1  }
0x1fc: {  	[tilespmem:$0xC8B0] =	vst @!p0 v1  }
0x1fd: {  	v1 =	vld @!p0 [tilespmem:s25+$0x65C0];
	_ =	sdelay $0x4  }
0x1fe: {  	v1 =	vshrl.u32 @!p0 v1, $0x1  }
0x1ff: {  	[tilespmem:$0xC8C0] =	vst @!p0 v1  }
0x200: {  	v1 =	vld @!p0 [tilespmem:s25+$0x65D0];
	_ =	sdelay $0x4  }
0x201: {  	v1 =	vshrl.u32 @!p0 v1, $0x1  }
0x202: {  	[tilespmem:$0xC8D0] =	vst @!p0 v1  }
0x203: {  	v1 =	vld @!p0 [tilespmem:s25+$0x65E0];
	_ =	sdelay $0x4  }
0x204: {  	v1 =	vshrl.u32 @!p0 v1, $0x1  }
0x205: {  	[tilespmem:$0xC8E0] =	vst @!p0 v1  }
0x206: {  	v1 =	vld @!p0 [tilespmem:s25+$0x65F0];
	_ =	sdelay $0x4  }
0x207: {  	s0 =	simm.s32 @!p0 $0x80;
	v1 =	vshrl.u32 @!p0 v1, $0x1  }
0x208: {  	s1 =	simm.s32 @!p0 $0xC880;
	s5 =	simm.s32 @!p0 $0x10900;
	s24 =	sadd.s32 $0x1, s24;
	[tilespmem:$0xC8F0] =	vst @!p0 v1  }
0x209: {  	[tilespmem:s5], [sflag:$0x2] =	stream.indirect.gather @!p0 [hbm4b:s4+s0], $0x80, s1, s0, $0xb8;
	[tilespmem:$0x18900] =	vst v63  }
0x20a: {  	p0 =	sne.s32 s24, $0x64  }
.Ltmp3:
0x20b: {  	s31 =	sshll.u32 s26, $0x12;
	(pc) =	sbr.rel @p0 .LBB2_4-.Ltmp3, $4  }
0x20c: {  	s0 =	sor.u32 s6, s31  }
0x20d: {  	s0 =	sshrl.u32 s0, $0x3  }
0x20e: {  	s0 =	sadd.s32 s2, s0  }
0x20f: {  	v16 =	vld [tilespmem:$0x1FFF0];
	[hbm4b:s0+s16] =	stream.strided.scatter [tilespmem:s19], [sflag:$0x4], $0x2000, s17, s16, $0x38  }
0x210: {  	_ =	swait.ge [sflag:s20], $0x2000  }
0x211: {  	[sflag:s20] =	ssyncset.done $0x0  }
0x212: {  	[sflag:s20] =	ssyncadd.s32 $0xFFFFE000  }
0x213: {  	_ =	swait.ge [sflag:s21], $0x2000  }
0x214: {  	s22 =	sadd.s32 $0x1, s22;
	s0 =	rddreg [dreg:$0x4]  }
0x215: {  	p0 =	sne.s32 s22, s0  }
.Ltmp4:
0x216: {  	v1 =	vld [tilespmem:$0x1FFC0];
	(pc) =	sbr.rel @p0 .LBB2_1-.Ltmp4, $4  }
0x217: {  	_ = 	snop  }
0x218: {  	v3 =	vld [tilespmem:$0x1FFE0]  }
0x219: {  	[sflag:s21] =	ssyncset.done $0x0  }
0x21a: {  	v2 =	vld [tilespmem:$0x1FFD0];
	[sflag:s21] =	ssyncadd.s32 $0xFFFFE000  }
0x21b: {  	_ =	sfence.sel $0x180000  }
0x21c: {  	[bflag:$0x0] =	sbarrier.arrive $0xFFFF  }
0x21d: {  	_ =	strace $0x9000004A  }
0x21e: {  	s0 =	stileid.u32;
	[bflag:$0x2] =	sbarrier.arrive $0xFFFF  }
0x21f: {  	p0 =	sne.s32 s0, $0x0;
	s0 =	rddreg [dreg:$0x2]  }
0x220: {  	s0 =	sadd.s32 @!p0 $0x100000, s0  }
0x221: {  	[sflag:s0] =	ssyncadd.tile.s32 @!p0 $0x1;
	_ =	shalt  }
.Lfunc_end2:
_tile_overlayer_lowered:
.L_overlay_start_2:
0x222: {  	(tag) =	ssettag $0x2  }
0x223: {  	s0 =	rddreg [dreg:$0x0];
	s2 =	stileid.u32  }
0x224: {  	s1 =	rddreg [dreg:$0x1];
	p0 =	sne.s32 s2, $0x0  }
0x225: {  	s3 =	rddreg [dreg:$0x2];
	[bflag:$0x3] =	sbarrier.arrive $0xFFFF;
	s2 =	simm.s32 @!p0 $0x1C05  }
0x226: {  	[timem:s3], [sflag:s2] =	dma.local @!p0 [hbm:s0], s1  }
0x227: {  	s0 =	simm.s32 @!p0 $0x5  }
0x228: {  	_ =	swait.ge @!p0 [sflag:s0], s1  }
0x229: {  	s1 =	ssub.s32 @!p0 $0x0, s1;
	[sflag:s0] =	ssyncset.done @!p0 $0x0  }
0x22a: {  	[sflag:s0] =	ssyncadd.s32 @!p0 s1  }
0x22b: {  	[bflag:$0x3] =	sbarrier.arrive $0xFFFF  }
0x22c: {  	_ =	shalt  }

</sc_bundles>
